<compile_context>
chip_gen: v7x
topology: tpu7x:2x2x1
jax: 0.10.2.dev20260603
libtpu: 0.0.44.dev20260713+nightly
codegen_flags: <defaults>
</compile_context>

<pallas_src>
import functools

import jax
import jax.numpy as jnp
from jax import lax
from jax.experimental import pallas as pl
from jax.experimental.pallas import tpu as pltpu
from jax.experimental.pallas import tpu_sc as plsc

N = 100000
D = 128
NW = 32
C = 200
NCHUNK = N // C
ITERS = (NCHUNK + NW - 1) // NW
FULL = NCHUNK - (ITERS - 1) * NW

_mesh = plsc.VectorSubcoreMesh(core_axis_name="c", subcore_axis_name="s")


@functools.partial(
    pl.kernel,
    out_type=jax.ShapeDtypeStruct((N, 2 * D), jnp.float32),
    mesh=_mesh,
    scratch_types=(
        [pltpu.VMEM((C,), jnp.int32)] * ITERS
        + [pltpu.VMEM((C, D), jnp.float32)] * 4
        + [pltpu.SemaphoreType.DMA] * 9
    ),
)
def _sc_gather_concat(ctx_hbm, obj_hbm, idx_hbm, out_hbm, *scr):
    idx_bufs = scr[:ITERS]
    ctx_v = scr[ITERS:ITERS + 2]
    obj_v = scr[ITERS + 2:ITERS + 4]
    sem_idx = scr[ITERS + 4]
    sem_g = scr[ITERS + 5:ITERS + 7]
    sem_o = scr[ITERS + 7:ITERS + 9]
    sem_wg = scr[ITERS + 9:ITERS + 11]
    sem_wo = scr[ITERS + 11:ITERS + 13]

    wid = lax.axis_index("s") * 2 + lax.axis_index("c")
    last_ok = wid < FULL

    def rows(i):
        return pl.ds((wid + i * NW) * C, C)

    def guarded(i, fn):
        if i == ITERS - 1:
            pl.when(last_ok)(fn)
        else:
            fn()

    idx_d = []
    for i in range(ITERS):
        idx_d.append(pltpu.make_async_copy(
            idx_hbm.at[rows(i)], idx_bufs[i], sem_idx))
        guarded(i, idx_d[i].start)
    for i in range(ITERS):
        guarded(i, idx_d[i].wait)

    in_d = [None] * ITERS
    out_d = [None] * ITERS

    def start_in(i):
        b = i % 2
        g = pltpu.make_async_copy(ctx_hbm.at[idx_bufs[i]], ctx_v[b], sem_g[b])
        o = pltpu.make_async_copy(obj_hbm.at[rows(i)], obj_v[b], sem_o[b])
        in_d[i] = (g, o)
        guarded(i, g.start)
        guarded(i, o.start)

    def start_out(i):
        b = i % 2
        wg = pltpu.make_async_copy(
            ctx_v[b], out_hbm.at[rows(i), pl.ds(0, D)], sem_wg[b])
        wo = pltpu.make_async_copy(
            obj_v[b], out_hbm.at[rows(i), pl.ds(D, D)], sem_wo[b])
        out_d[i] = (wg, wo)
        guarded(i, in_d[i][0].wait)
        guarded(i, in_d[i][1].wait)
        guarded(i, wg.start)
        guarded(i, wo.start)

    for i in range(ITERS):
        if i >= 2:
            guarded(i - 2, out_d[i - 2][0].wait)
            guarded(i - 2, out_d[i - 2][1].wait)
        start_in(i)
        if i >= 1:
            start_out(i - 1)
    start_out(ITERS - 1)
    guarded(ITERS - 2, out_d[ITERS - 2][0].wait)
    guarded(ITERS - 2, out_d[ITERS - 2][1].wait)
    guarded(ITERS - 1, out_d[ITERS - 1][0].wait)
    guarded(ITERS - 1, out_d[ITERS - 1][1].wait)


def kernel(context_output, object_output, eval_random):
    num = context_output.shape[0]
    perm_idx = jax.random.permutation(jax.random.key(42), num)
    identity_idx = jnp.arange(num)
    random_idx = jnp.where(eval_random, perm_idx, identity_idx).astype(jnp.int32)
    return _sc_gather_concat(context_output, object_output, random_idx)

# --- scband reference (transcript-rebuilt; emitter-appended) ---
"""Pipeline reference for scband-random-intervention-19550691131406 (READ-ONLY COPY).

The authoritative reference and input builder live on the scoring server;
editing this copy changes nothing except your own understanding.
"""

import jax, jax.numpy as jnp
import numpy as np


def setup_inputs(seed: int = 0) -> dict:
    key = jax.random.key(seed)
    k1, k2 = jax.random.split(key)
    context_output = jax.random.normal(k1, (100000, 128), dtype=jnp.float32)
    object_output = jax.random.normal(k2, (100000, 128), dtype=jnp.float32)
    eval_random = False  # deterministic: identity permutation (matches torch eval_random=False)
    return {"context_output": context_output, "object_output": object_output, "eval_random": eval_random}


def reference(context_output, object_output, eval_random):
    num = context_output.shape[0]
    # torch version uses python random.shuffle; here a fixed-key permutation
    perm_idx = jax.random.permutation(jax.random.key(42), num)
    identity_idx = jnp.arange(num)
    random_idx = jnp.where(eval_random, perm_idx, identity_idx)
    shuffled_context = jnp.take(context_output, random_idx, axis=0)
    combined_output = jnp.concatenate((shuffled_context, object_output), axis=1)
    return combined_output

if __name__ == "__main__":
    import jax
    _d = setup_inputs()
    print(jax.jit(kernel)(*tuple(_d.values())))

</pallas_src>

<mosaic_0001>
#map = affine_map<(d0, d1) -> (0, 0)>
#map1 = affine_map<(d0, d1) -> (0)>
module attributes {stable_mosaic.version = 14 : i64} {
  func.func @_sc_gather_concat(%arg0: i32, %arg1: i32, %arg2: memref<100000x128xf32, #tpu.memory_space<hbm>>, %arg3: memref<100000x128xf32, #tpu.memory_space<hbm>>, %arg4: memref<100000xi32, #tpu.memory_space<hbm>>, %arg5: memref<100000x256xf32, #tpu.memory_space<hbm>>, %arg6: memref<200xi32, #tpu.memory_space<vmem>>, %arg7: memref<200xi32, #tpu.memory_space<vmem>>, %arg8: memref<200xi32, #tpu.memory_space<vmem>>, %arg9: memref<200xi32, #tpu.memory_space<vmem>>, %arg10: memref<200xi32, #tpu.memory_space<vmem>>, %arg11: memref<200xi32, #tpu.memory_space<vmem>>, %arg12: memref<200xi32, #tpu.memory_space<vmem>>, %arg13: memref<200xi32, #tpu.memory_space<vmem>>, %arg14: memref<200xi32, #tpu.memory_space<vmem>>, %arg15: memref<200xi32, #tpu.memory_space<vmem>>, %arg16: memref<200xi32, #tpu.memory_space<vmem>>, %arg17: memref<200xi32, #tpu.memory_space<vmem>>, %arg18: memref<200xi32, #tpu.memory_space<vmem>>, %arg19: memref<200xi32, #tpu.memory_space<vmem>>, %arg20: memref<200xi32, #tpu.memory_space<vmem>>, %arg21: memref<200xi32, #tpu.memory_space<vmem>>, %arg22: memref<200x128xf32, #tpu.memory_space<vmem>>, %arg23: memref<200x128xf32, #tpu.memory_space<vmem>>, %arg24: memref<200x128xf32, #tpu.memory_space<vmem>>, %arg25: memref<200x128xf32, #tpu.memory_space<vmem>>, %arg26: memref<!tpu.dma_semaphore, #tpu.memory_space<semaphore_mem>>, %arg27: memref<!tpu.dma_semaphore, #tpu.memory_space<semaphore_mem>>, %arg28: memref<!tpu.dma_semaphore, #tpu.memory_space<semaphore_mem>>, %arg29: memref<!tpu.dma_semaphore, #tpu.memory_space<semaphore_mem>>, %arg30: memref<!tpu.dma_semaphore, #tpu.memory_space<semaphore_mem>>, %arg31: memref<!tpu.dma_semaphore, #tpu.memory_space<semaphore_mem>>, %arg32: memref<!tpu.dma_semaphore, #tpu.memory_space<semaphore_mem>>, %arg33: memref<!tpu.dma_semaphore, #tpu.memory_space<semaphore_mem>>, %arg34: memref<!tpu.dma_semaphore, #tpu.memory_space<semaphore_mem>>) attributes {dimension_semantics = [#tpu.dimension_semantics<core_parallel>, #tpu.dimension_semantics<subcore_parallel>], iteration_bounds = array<i64: 2, 16>, scalar_prefetch = 0 : i64, scratch_operands = 29 : i64, tpu.core_type = #tpu.core_type<sc_vector_subcore>, window_params = [{transform_indices = #map}, {transform_indices = #map}, {transform_indices = #map1}, {transform_indices = #map}]} {
    %mul3A = arith.constant 2 : i32
    %mul3A_0 = arith.muli %arg1, %mul3A : i32
    %add3A = arith.addi %mul3A_0, %arg0 : i32
    %lt3A = arith.constant 20 : i32
    %lt3A_1 = arith.cmpi slt, %add3A, %lt3A : i32
    %add3A_2 = arith.constant 0 : i32
    %add3A_3 = arith.addi %add3A, %add3A_2 : i32
    %mul3A_4 = arith.constant 200 : i32
    %mul3A_5 = arith.muli %add3A_3, %mul3A_4 : i32
    %dma_start3A = tpu.memref_slice %arg4[%mul3A_5] : memref<100000xi32, #tpu.memory_space<hbm>> -> memref<200xi32, #tpu.memory_space<hbm>>
    %dma_start3A_6 = tpu.memref_slice %arg4[%mul3A_5] : memref<100000xi32, #tpu.memory_space<hbm>> -> memref<200xi32, #tpu.memory_space<hbm>>
    tpu.enqueue_dma source(%dma_start3A_6 : memref<200xi32, #tpu.memory_space<hbm>>) target(%arg6 : memref<200xi32, #tpu.memory_space<vmem>>) target_semaphore(%arg26 : memref<!tpu.dma_semaphore, #tpu.memory_space<semaphore_mem>>)
    %add3A_7 = arith.constant 32 : i32
    %add3A_8 = arith.addi %add3A, %add3A_7 : i32
    %mul3A_9 = arith.constant 200 : i32
    %mul3A_10 = arith.muli %add3A_8, %mul3A_9 : i32
    %dma_start3A_11 = tpu.memref_slice %arg4[%mul3A_10] : memref<100000xi32, #tpu.memory_space<hbm>> -> memref<200xi32, #tpu.memory_space<hbm>>
    %dma_start3A_12 = tpu.memref_slice %arg4[%mul3A_10] : memref<100000xi32, #tpu.memory_space<hbm>> -> memref<200xi32, #tpu.memory_space<hbm>>
    tpu.enqueue_dma source(%dma_start3A_12 : memref<200xi32, #tpu.memory_space<hbm>>) target(%arg7 : memref<200xi32, #tpu.memory_space<vmem>>) target_semaphore(%arg26 : memref<!tpu.dma_semaphore, #tpu.memory_space<semaphore_mem>>)
    %add3A_13 = arith.constant 64 : i32
    %add3A_14 = arith.addi %add3A, %add3A_13 : i32
    %mul3A_15 = arith.constant 200 : i32
    %mul3A_16 = arith.muli %add3A_14, %mul3A_15 : i32
    %dma_start3A_17 = tpu.memref_slice %arg4[%mul3A_16] : memref<100000xi32, #tpu.memory_space<hbm>> -> memref<200xi32, #tpu.memory_space<hbm>>
    %dma_start3A_18 = tpu.memref_slice %arg4[%mul3A_16] : memref<100000xi32, #tpu.memory_space<hbm>> -> memref<200xi32, #tpu.memory_space<hbm>>
    tpu.enqueue_dma source(%dma_start3A_18 : memref<200xi32, #tpu.memory_space<hbm>>) target(%arg8 : memref<200xi32, #tpu.memory_space<vmem>>) target_semaphore(%arg26 : memref<!tpu.dma_semaphore, #tpu.memory_space<semaphore_mem>>)
    %add3A_19 = arith.constant 96 : i32
    %add3A_20 = arith.addi %add3A, %add3A_19 : i32
    %mul3A_21 = arith.constant 200 : i32
    %mul3A_22 = arith.muli %add3A_20, %mul3A_21 : i32
    %dma_start3A_23 = tpu.memref_slice %arg4[%mul3A_22] : memref<100000xi32, #tpu.memory_space<hbm>> -> memref<200xi32, #tpu.memory_space<hbm>>
    %dma_start3A_24 = tpu.memref_slice %arg4[%mul3A_22] : memref<100000xi32, #tpu.memory_space<hbm>> -> memref<200xi32, #tpu.memory_space<hbm>>
    tpu.enqueue_dma source(%dma_start3A_24 : memref<200xi32, #tpu.memory_space<hbm>>) target(%arg9 : memref<200xi32, #tpu.memory_space<vmem>>) target_semaphore(%arg26 : memref<!tpu.dma_semaphore, #tpu.memory_space<semaphore_mem>>)
    %add3A_25 = arith.constant 128 : i32
    %add3A_26 = arith.addi %add3A, %add3A_25 : i32
    %mul3A_27 = arith.constant 200 : i32
    %mul3A_28 = arith.muli %add3A_26, %mul3A_27 : i32
    %dma_start3A_29 = tpu.memref_slice %arg4[%mul3A_28] : memref<100000xi32, #tpu.memory_space<hbm>> -> memref<200xi32, #tpu.memory_space<hbm>>
    %dma_start3A_30 = tpu.memref_slice %arg4[%mul3A_28] : memref<100000xi32, #tpu.memory_space<hbm>> -> memref<200xi32, #tpu.memory_space<hbm>>
    tpu.enqueue_dma source(%dma_start3A_30 : memref<200xi32, #tpu.memory_space<hbm>>) target(%arg10 : memref<200xi32, #tpu.memory_space<vmem>>) target_semaphore(%arg26 : memref<!tpu.dma_semaphore, #tpu.memory_space<semaphore_mem>>)
    %add3A_31 = arith.constant 160 : i32
    %add3A_32 = arith.addi %add3A, %add3A_31 : i32
    %mul3A_33 = arith.constant 200 : i32
    %mul3A_34 = arith.muli %add3A_32, %mul3A_33 : i32
    %dma_start3A_35 = tpu.memref_slice %arg4[%mul3A_34] : memref<100000xi32, #tpu.memory_space<hbm>> -> memref<200xi32, #tpu.memory_space<hbm>>
    %dma_start3A_36 = tpu.memref_slice %arg4[%mul3A_34] : memref<100000xi32, #tpu.memory_space<hbm>> -> memref<200xi32, #tpu.memory_space<hbm>>
    tpu.enqueue_dma source(%dma_start3A_36 : memref<200xi32, #tpu.memory_space<hbm>>) target(%arg11 : memref<200xi32, #tpu.memory_space<vmem>>) target_semaphore(%arg26 : memref<!tpu.dma_semaphore, #tpu.memory_space<semaphore_mem>>)
    %add3A_37 = arith.constant 192 : i32
    %add3A_38 = arith.addi %add3A, %add3A_37 : i32
    %mul3A_39 = arith.constant 200 : i32
    %mul3A_40 = arith.muli %add3A_38, %mul3A_39 : i32
    %dma_start3A_41 = tpu.memref_slice %arg4[%mul3A_40] : memref<100000xi32, #tpu.memory_space<hbm>> -> memref<200xi32, #tpu.memory_space<hbm>>
    %dma_start3A_42 = tpu.memref_slice %arg4[%mul3A_40] : memref<100000xi32, #tpu.memory_space<hbm>> -> memref<200xi32, #tpu.memory_space<hbm>>
    tpu.enqueue_dma source(%dma_start3A_42 : memref<200xi32, #tpu.memory_space<hbm>>) target(%arg12 : memref<200xi32, #tpu.memory_space<vmem>>) target_semaphore(%arg26 : memref<!tpu.dma_semaphore, #tpu.memory_space<semaphore_mem>>)
    %add3A_43 = arith.constant 224 : i32
    %add3A_44 = arith.addi %add3A, %add3A_43 : i32
    %mul3A_45 = arith.constant 200 : i32
    %mul3A_46 = arith.muli %add3A_44, %mul3A_45 : i32
    %dma_start3A_47 = tpu.memref_slice %arg4[%mul3A_46] : memref<100000xi32, #tpu.memory_space<hbm>> -> memref<200xi32, #tpu.memory_space<hbm>>
    %dma_start3A_48 = tpu.memref_slice %arg4[%mul3A_46] : memref<100000xi32, #tpu.memory_space<hbm>> -> memref<200xi32, #tpu.memory_space<hbm>>
    tpu.enqueue_dma source(%dma_start3A_48 : memref<200xi32, #tpu.memory_space<hbm>>) target(%arg13 : memref<200xi32, #tpu.memory_space<vmem>>) target_semaphore(%arg26 : memref<!tpu.dma_semaphore, #tpu.memory_space<semaphore_mem>>)
    %add3A_49 = arith.constant 256 : i32
    %add3A_50 = arith.addi %add3A, %add3A_49 : i32
    %mul3A_51 = arith.constant 200 : i32
    %mul3A_52 = arith.muli %add3A_50, %mul3A_51 : i32
    %dma_start3A_53 = tpu.memref_slice %arg4[%mul3A_52] : memref<100000xi32, #tpu.memory_space<hbm>> -> memref<200xi32, #tpu.memory_space<hbm>>
    %dma_start3A_54 = tpu.memref_slice %arg4[%mul3A_52] : memref<100000xi32, #tpu.memory_space<hbm>> -> memref<200xi32, #tpu.memory_space<hbm>>
    tpu.enqueue_dma source(%dma_start3A_54 : memref<200xi32, #tpu.memory_space<hbm>>) target(%arg14 : memref<200xi32, #tpu.memory_space<vmem>>) target_semaphore(%arg26 : memref<!tpu.dma_semaphore, #tpu.memory_space<semaphore_mem>>)
    %add3A_55 = arith.constant 288 : i32
    %add3A_56 = arith.addi %add3A, %add3A_55 : i32
    %mul3A_57 = arith.constant 200 : i32
    %mul3A_58 = arith.muli %add3A_56, %mul3A_57 : i32
    %dma_start3A_59 = tpu.memref_slice %arg4[%mul3A_58] : memref<100000xi32, #tpu.memory_space<hbm>> -> memref<200xi32, #tpu.memory_space<hbm>>
    %dma_start3A_60 = tpu.memref_slice %arg4[%mul3A_58] : memref<100000xi32, #tpu.memory_space<hbm>> -> memref<200xi32, #tpu.memory_space<hbm>>
    tpu.enqueue_dma source(%dma_start3A_60 : memref<200xi32, #tpu.memory_space<hbm>>) target(%arg15 : memref<200xi32, #tpu.memory_space<vmem>>) target_semaphore(%arg26 : memref<!tpu.dma_semaphore, #tpu.memory_space<semaphore_mem>>)
    %add3A_61 = arith.constant 320 : i32
    %add3A_62 = arith.addi %add3A, %add3A_61 : i32
    %mul3A_63 = arith.constant 200 : i32
    %mul3A_64 = arith.muli %add3A_62, %mul3A_63 : i32
    %dma_start3A_65 = tpu.memref_slice %arg4[%mul3A_64] : memref<100000xi32, #tpu.memory_space<hbm>> -> memref<200xi32, #tpu.memory_space<hbm>>
    %dma_start3A_66 = tpu.memref_slice %arg4[%mul3A_64] : memref<100000xi32, #tpu.memory_space<hbm>> -> memref<200xi32, #tpu.memory_space<hbm>>
    tpu.enqueue_dma source(%dma_start3A_66 : memref<200xi32, #tpu.memory_space<hbm>>) target(%arg16 : memref<200xi32, #tpu.memory_space<vmem>>) target_semaphore(%arg26 : memref<!tpu.dma_semaphore, #tpu.memory_space<semaphore_mem>>)
    %add3A_67 = arith.constant 352 : i32
    %add3A_68 = arith.addi %add3A, %add3A_67 : i32
    %mul3A_69 = arith.constant 200 : i32
    %mul3A_70 = arith.muli %add3A_68, %mul3A_69 : i32
    %dma_start3A_71 = tpu.memref_slice %arg4[%mul3A_70] : memref<100000xi32, #tpu.memory_space<hbm>> -> memref<200xi32, #tpu.memory_space<hbm>>
    %dma_start3A_72 = tpu.memref_slice %arg4[%mul3A_70] : memref<100000xi32, #tpu.memory_space<hbm>> -> memref<200xi32, #tpu.memory_space<hbm>>
    tpu.enqueue_dma source(%dma_start3A_72 : memref<200xi32, #tpu.memory_space<hbm>>) target(%arg17 : memref<200xi32, #tpu.memory_space<vmem>>) target_semaphore(%arg26 : memref<!tpu.dma_semaphore, #tpu.memory_space<semaphore_mem>>)
    %add3A_73 = arith.constant 384 : i32
    %add3A_74 = arith.addi %add3A, %add3A_73 : i32
    %mul3A_75 = arith.constant 200 : i32
    %mul3A_76 = arith.muli %add3A_74, %mul3A_75 : i32
    %dma_start3A_77 = tpu.memref_slice %arg4[%mul3A_76] : memref<100000xi32, #tpu.memory_space<hbm>> -> memref<200xi32, #tpu.memory_space<hbm>>
    %dma_start3A_78 = tpu.memref_slice %arg4[%mul3A_76] : memref<100000xi32, #tpu.memory_space<hbm>> -> memref<200xi32, #tpu.memory_space<hbm>>
    tpu.enqueue_dma source(%dma_start3A_78 : memref<200xi32, #tpu.memory_space<hbm>>) target(%arg18 : memref<200xi32, #tpu.memory_space<vmem>>) target_semaphore(%arg26 : memref<!tpu.dma_semaphore, #tpu.memory_space<semaphore_mem>>)
    %add3A_79 = arith.constant 416 : i32
    %add3A_80 = arith.addi %add3A, %add3A_79 : i32
    %mul3A_81 = arith.constant 200 : i32
    %mul3A_82 = arith.muli %add3A_80, %mul3A_81 : i32
    %dma_start3A_83 = tpu.memref_slice %arg4[%mul3A_82] : memref<100000xi32, #tpu.memory_space<hbm>> -> memref<200xi32, #tpu.memory_space<hbm>>
    %dma_start3A_84 = tpu.memref_slice %arg4[%mul3A_82] : memref<100000xi32, #tpu.memory_space<hbm>> -> memref<200xi32, #tpu.memory_space<hbm>>
    tpu.enqueue_dma source(%dma_start3A_84 : memref<200xi32, #tpu.memory_space<hbm>>) target(%arg19 : memref<200xi32, #tpu.memory_space<vmem>>) target_semaphore(%arg26 : memref<!tpu.dma_semaphore, #tpu.memory_space<semaphore_mem>>)
    %add3A_85 = arith.constant 448 : i32
    %add3A_86 = arith.addi %add3A, %add3A_85 : i32
    %mul3A_87 = arith.constant 200 : i32
    %mul3A_88 = arith.muli %add3A_86, %mul3A_87 : i32
    %dma_start3A_89 = tpu.memref_slice %arg4[%mul3A_88] : memref<100000xi32, #tpu.memory_space<hbm>> -> memref<200xi32, #tpu.memory_space<hbm>>
    %dma_start3A_90 = tpu.memref_slice %arg4[%mul3A_88] : memref<100000xi32, #tpu.memory_space<hbm>> -> memref<200xi32, #tpu.memory_space<hbm>>
    tpu.enqueue_dma source(%dma_start3A_90 : memref<200xi32, #tpu.memory_space<hbm>>) target(%arg20 : memref<200xi32, #tpu.memory_space<vmem>>) target_semaphore(%arg26 : memref<!tpu.dma_semaphore, #tpu.memory_space<semaphore_mem>>)
    %add3A_91 = arith.constant 480 : i32
    %add3A_92 = arith.addi %add3A, %add3A_91 : i32
    %mul3A_93 = arith.constant 200 : i32
    %mul3A_94 = arith.muli %add3A_92, %mul3A_93 : i32
    %convert_element_type3A = arith.extui %lt3A_1 : i1 to i32
    %cond3A = arith.constant 0 : i32
    %cond3A_95 = arith.cmpi ne, %convert_element_type3A, %cond3A : i32
    scf.if %cond3A_95 {
      %dma_start3A_794 = tpu.memref_slice %arg4[%mul3A_94] : memref<100000xi32, #tpu.memory_space<hbm>> -> memref<200xi32, #tpu.memory_space<hbm>>
      %dma_start3A_795 = tpu.memref_slice %arg4[%mul3A_94] : memref<100000xi32, #tpu.memory_space<hbm>> -> memref<200xi32, #tpu.memory_space<hbm>>
      tpu.enqueue_dma source(%dma_start3A_795 : memref<200xi32, #tpu.memory_space<hbm>>) target(%arg21 : memref<200xi32, #tpu.memory_space<vmem>>) target_semaphore(%arg26 : memref<!tpu.dma_semaphore, #tpu.memory_space<semaphore_mem>>)
    } else {
    }
    %dma_wait3A = tpu.memref_slice %arg4[%mul3A_5] : memref<100000xi32, #tpu.memory_space<hbm>> -> memref<200xi32, #tpu.memory_space<hbm>>
    %dma_wait3A_96 = tpu.memref_slice %arg4[%mul3A_5] : memref<100000xi32, #tpu.memory_space<hbm>> -> memref<200xi32, #tpu.memory_space<hbm>>
    tpu.wait_dma2 semaphore(%arg26 : memref<!tpu.dma_semaphore, #tpu.memory_space<semaphore_mem>>) src(%dma_wait3A_96 : memref<200xi32, #tpu.memory_space<hbm>>) dst(%arg6 : memref<200xi32, #tpu.memory_space<vmem>>)
    %dma_wait3A_97 = tpu.memref_slice %arg4[%mul3A_10] : memref<100000xi32, #tpu.memory_space<hbm>> -> memref<200xi32, #tpu.memory_space<hbm>>
    %dma_wait3A_98 = tpu.memref_slice %arg4[%mul3A_10] : memref<100000xi32, #tpu.memory_space<hbm>> -> memref<200xi32, #tpu.memory_space<hbm>>
    tpu.wait_dma2 semaphore(%arg26 : memref<!tpu.dma_semaphore, #tpu.memory_space<semaphore_mem>>) src(%dma_wait3A_98 : memref<200xi32, #tpu.memory_space<hbm>>) dst(%arg7 : memref<200xi32, #tpu.memory_space<vmem>>)
    %dma_wait3A_99 = tpu.memref_slice %arg4[%mul3A_16] : memref<100000xi32, #tpu.memory_space<hbm>> -> memref<200xi32, #tpu.memory_space<hbm>>
    %dma_wait3A_100 = tpu.memref_slice %arg4[%mul3A_16] : memref<100000xi32, #tpu.memory_space<hbm>> -> memref<200xi32, #tpu.memory_space<hbm>>
    tpu.wait_dma2 semaphore(%arg26 : memref<!tpu.dma_semaphore, #tpu.memory_space<semaphore_mem>>) src(%dma_wait3A_100 : memref<200xi32, #tpu.memory_space<hbm>>) dst(%arg8 : memref<200xi32, #tpu.memory_space<vmem>>)
    %dma_wait3A_101 = tpu.memref_slice %arg4[%mul3A_22] : memref<100000xi32, #tpu.memory_space<hbm>> -> memref<200xi32, #tpu.memory_space<hbm>>
    %dma_wait3A_102 = tpu.memref_slice %arg4[%mul3A_22] : memref<100000xi32, #tpu.memory_space<hbm>> -> memref<200xi32, #tpu.memory_space<hbm>>
    tpu.wait_dma2 semaphore(%arg26 : memref<!tpu.dma_semaphore, #tpu.memory_space<semaphore_mem>>) src(%dma_wait3A_102 : memref<200xi32, #tpu.memory_space<hbm>>) dst(%arg9 : memref<200xi32, #tpu.memory_space<vmem>>)
    %dma_wait3A_103 = tpu.memref_slice %arg4[%mul3A_28] : memref<100000xi32, #tpu.memory_space<hbm>> -> memref<200xi32, #tpu.memory_space<hbm>>
    %dma_wait3A_104 = tpu.memref_slice %arg4[%mul3A_28] : memref<100000xi32, #tpu.memory_space<hbm>> -> memref<200xi32, #tpu.memory_space<hbm>>
    tpu.wait_dma2 semaphore(%arg26 : memref<!tpu.dma_semaphore, #tpu.memory_space<semaphore_mem>>) src(%dma_wait3A_104 : memref<200xi32, #tpu.memory_space<hbm>>) dst(%arg10 : memref<200xi32, #tpu.memory_space<vmem>>)
    %dma_wait3A_105 = tpu.memref_slice %arg4[%mul3A_34] : memref<100000xi32, #tpu.memory_space<hbm>> -> memref<200xi32, #tpu.memory_space<hbm>>
    %dma_wait3A_106 = tpu.memref_slice %arg4[%mul3A_34] : memref<100000xi32, #tpu.memory_space<hbm>> -> memref<200xi32, #tpu.memory_space<hbm>>
    tpu.wait_dma2 semaphore(%arg26 : memref<!tpu.dma_semaphore, #tpu.memory_space<semaphore_mem>>) src(%dma_wait3A_106 : memref<200xi32, #tpu.memory_space<hbm>>) dst(%arg11 : memref<200xi32, #tpu.memory_space<vmem>>)
    %dma_wait3A_107 = tpu.memref_slice %arg4[%mul3A_40] : memref<100000xi32, #tpu.memory_space<hbm>> -> memref<200xi32, #tpu.memory_space<hbm>>
    %dma_wait3A_108 = tpu.memref_slice %arg4[%mul3A_40] : memref<100000xi32, #tpu.memory_space<hbm>> -> memref<200xi32, #tpu.memory_space<hbm>>
    tpu.wait_dma2 semaphore(%arg26 : memref<!tpu.dma_semaphore, #tpu.memory_space<semaphore_mem>>) src(%dma_wait3A_108 : memref<200xi32, #tpu.memory_space<hbm>>) dst(%arg12 : memref<200xi32, #tpu.memory_space<vmem>>)
    %dma_wait3A_109 = tpu.memref_slice %arg4[%mul3A_46] : memref<100000xi32, #tpu.memory_space<hbm>> -> memref<200xi32, #tpu.memory_space<hbm>>
    %dma_wait3A_110 = tpu.memref_slice %arg4[%mul3A_46] : memref<100000xi32, #tpu.memory_space<hbm>> -> memref<200xi32, #tpu.memory_space<hbm>>
    tpu.wait_dma2 semaphore(%arg26 : memref<!tpu.dma_semaphore, #tpu.memory_space<semaphore_mem>>) src(%dma_wait3A_110 : memref<200xi32, #tpu.memory_space<hbm>>) dst(%arg13 : memref<200xi32, #tpu.memory_space<vmem>>)
    %dma_wait3A_111 = tpu.memref_slice %arg4[%mul3A_52] : memref<100000xi32, #tpu.memory_space<hbm>> -> memref<200xi32, #tpu.memory_space<hbm>>
    %dma_wait3A_112 = tpu.memref_slice %arg4[%mul3A_52] : memref<100000xi32, #tpu.memory_space<hbm>> -> memref<200xi32, #tpu.memory_space<hbm>>
    tpu.wait_dma2 semaphore(%arg26 : memref<!tpu.dma_semaphore, #tpu.memory_space<semaphore_mem>>) src(%dma_wait3A_112 : memref<200xi32, #tpu.memory_space<hbm>>) dst(%arg14 : memref<200xi32, #tpu.memory_space<vmem>>)
    %dma_wait3A_113 = tpu.memref_slice %arg4[%mul3A_58] : memref<100000xi32, #tpu.memory_space<hbm>> -> memref<200xi32, #tpu.memory_space<hbm>>
    %dma_wait3A_114 = tpu.memref_slice %arg4[%mul3A_58] : memref<100000xi32, #tpu.memory_space<hbm>> -> memref<200xi32, #tpu.memory_space<hbm>>
    tpu.wait_dma2 semaphore(%arg26 : memref<!tpu.dma_semaphore, #tpu.memory_space<semaphore_mem>>) src(%dma_wait3A_114 : memref<200xi32, #tpu.memory_space<hbm>>) dst(%arg15 : memref<200xi32, #tpu.memory_space<vmem>>)
    %dma_wait3A_115 = tpu.memref_slice %arg4[%mul3A_64] : memref<100000xi32, #tpu.memory_space<hbm>> -> memref<200xi32, #tpu.memory_space<hbm>>
    %dma_wait3A_116 = tpu.memref_slice %arg4[%mul3A_64] : memref<100000xi32, #tpu.memory_space<hbm>> -> memref<200xi32, #tpu.memory_space<hbm>>
    tpu.wait_dma2 semaphore(%arg26 : memref<!tpu.dma_semaphore, #tpu.memory_space<semaphore_mem>>) src(%dma_wait3A_116 : memref<200xi32, #tpu.memory_space<hbm>>) dst(%arg16 : memref<200xi32, #tpu.memory_space<vmem>>)
    %dma_wait3A_117 = tpu.memref_slice %arg4[%mul3A_70] : memref<100000xi32, #tpu.memory_space<hbm>> -> memref<200xi32, #tpu.memory_space<hbm>>
    %dma_wait3A_118 = tpu.memref_slice %arg4[%mul3A_70] : memref<100000xi32, #tpu.memory_space<hbm>> -> memref<200xi32, #tpu.memory_space<hbm>>
    tpu.wait_dma2 semaphore(%arg26 : memref<!tpu.dma_semaphore, #tpu.memory_space<semaphore_mem>>) src(%dma_wait3A_118 : memref<200xi32, #tpu.memory_space<hbm>>) dst(%arg17 : memref<200xi32, #tpu.memory_space<vmem>>)
    %dma_wait3A_119 = tpu.memref_slice %arg4[%mul3A_76] : memref<100000xi32, #tpu.memory_space<hbm>> -> memref<200xi32, #tpu.memory_space<hbm>>
    %dma_wait3A_120 = tpu.memref_slice %arg4[%mul3A_76] : memref<100000xi32, #tpu.memory_space<hbm>> -> memref<200xi32, #tpu.memory_space<hbm>>
    tpu.wait_dma2 semaphore(%arg26 : memref<!tpu.dma_semaphore, #tpu.memory_space<semaphore_mem>>) src(%dma_wait3A_120 : memref<200xi32, #tpu.memory_space<hbm>>) dst(%arg18 : memref<200xi32, #tpu.memory_space<vmem>>)
    %dma_wait3A_121 = tpu.memref_slice %arg4[%mul3A_82] : memref<100000xi32, #tpu.memory_space<hbm>> -> memref<200xi32, #tpu.memory_space<hbm>>
    %dma_wait3A_122 = tpu.memref_slice %arg4[%mul3A_82] : memref<100000xi32, #tpu.memory_space<hbm>> -> memref<200xi32, #tpu.memory_space<hbm>>
    tpu.wait_dma2 semaphore(%arg26 : memref<!tpu.dma_semaphore, #tpu.memory_space<semaphore_mem>>) src(%dma_wait3A_122 : memref<200xi32, #tpu.memory_space<hbm>>) dst(%arg19 : memref<200xi32, #tpu.memory_space<vmem>>)
    %dma_wait3A_123 = tpu.memref_slice %arg4[%mul3A_88] : memref<100000xi32, #tpu.memory_space<hbm>> -> memref<200xi32, #tpu.memory_space<hbm>>
    %dma_wait3A_124 = tpu.memref_slice %arg4[%mul3A_88] : memref<100000xi32, #tpu.memory_space<hbm>> -> memref<200xi32, #tpu.memory_space<hbm>>
    tpu.wait_dma2 semaphore(%arg26 : memref<!tpu.dma_semaphore, #tpu.memory_space<semaphore_mem>>) src(%dma_wait3A_124 : memref<200xi32, #tpu.memory_space<hbm>>) dst(%arg20 : memref<200xi32, #tpu.memory_space<vmem>>)
    %convert_element_type3A_125 = arith.extui %lt3A_1 : i1 to i32
    %cond3A_126 = arith.constant 0 : i32
    %cond3A_127 = arith.cmpi ne, %convert_element_type3A_125, %cond3A_126 : i32
    scf.if %cond3A_127 {
      %dma_wait3A_794 = tpu.memref_slice %arg4[%mul3A_94] : memref<100000xi32, #tpu.memory_space<hbm>> -> memref<200xi32, #tpu.memory_space<hbm>>
      %dma_wait3A_795 = tpu.memref_slice %arg4[%mul3A_94] : memref<100000xi32, #tpu.memory_space<hbm>> -> memref<200xi32, #tpu.memory_space<hbm>>
      tpu.wait_dma2 semaphore(%arg26 : memref<!tpu.dma_semaphore, #tpu.memory_space<semaphore_mem>>) src(%dma_wait3A_795 : memref<200xi32, #tpu.memory_space<hbm>>) dst(%arg21 : memref<200xi32, #tpu.memory_space<vmem>>)
    } else {
    }
    %add3A_128 = arith.constant 0 : i32
    %add3A_129 = arith.addi %add3A, %add3A_128 : i32
    %mul3A_130 = arith.constant 200 : i32
    %mul3A_131 = arith.muli %add3A_129, %mul3A_130 : i32
    %dma_start3A_132 = arith.constant 0 : i32
    %dma_start3A_133 = arith.constant 0 : i32
    %dma_start3A_134 = tpu.memref_slice %arg2[%dma_start3A_132, %dma_start3A_133] : memref<100000x128xf32, #tpu.memory_space<hbm>> -> memref<100000x128xf32, #tpu.memory_space<hbm>>
    tpu.enqueue_indirect_dma source(%dma_start3A_134 : memref<100000x128xf32, #tpu.memory_space<hbm>>) target(%arg22 : memref<200x128xf32, #tpu.memory_space<vmem>>) offsets(%arg6 : memref<200xi32, #tpu.memory_space<vmem>>) semaphore(%arg27 : memref<!tpu.dma_semaphore, #tpu.memory_space<semaphore_mem>>)
    %dma_start3A_135 = arith.constant 0 : i32
    %dma_start3A_136 = tpu.memref_slice %arg3[%mul3A_131, %dma_start3A_135] : memref<100000x128xf32, #tpu.memory_space<hbm>> -> memref<200x128xf32, #tpu.memory_space<hbm>>
    %dma_start3A_137 = arith.constant 0 : i32
    %dma_start3A_138 = tpu.memref_slice %arg3[%mul3A_131, %dma_start3A_137] : memref<100000x128xf32, #tpu.memory_space<hbm>> -> memref<200x128xf32, #tpu.memory_space<hbm>>
    tpu.enqueue_dma source(%dma_start3A_138 : memref<200x128xf32, #tpu.memory_space<hbm>>) target(%arg24 : memref<200x128xf32, #tpu.memory_space<vmem>>) target_semaphore(%arg29 : memref<!tpu.dma_semaphore, #tpu.memory_space<semaphore_mem>>)
    %add3A_139 = arith.constant 32 : i32
    %add3A_140 = arith.addi %add3A, %add3A_139 : i32
    %mul3A_141 = arith.constant 200 : i32
    %mul3A_142 = arith.muli %add3A_140, %mul3A_141 : i32
    %dma_start3A_143 = arith.constant 0 : i32
    %dma_start3A_144 = arith.constant 0 : i32
    %dma_start3A_145 = tpu.memref_slice %arg2[%dma_start3A_143, %dma_start3A_144] : memref<100000x128xf32, #tpu.memory_space<hbm>> -> memref<100000x128xf32, #tpu.memory_space<hbm>>
    tpu.enqueue_indirect_dma source(%dma_start3A_145 : memref<100000x128xf32, #tpu.memory_space<hbm>>) target(%arg23 : memref<200x128xf32, #tpu.memory_space<vmem>>) offsets(%arg7 : memref<200xi32, #tpu.memory_space<vmem>>) semaphore(%arg28 : memref<!tpu.dma_semaphore, #tpu.memory_space<semaphore_mem>>)
    %dma_start3A_146 = arith.constant 0 : i32
    %dma_start3A_147 = tpu.memref_slice %arg3[%mul3A_142, %dma_start3A_146] : memref<100000x128xf32, #tpu.memory_space<hbm>> -> memref<200x128xf32, #tpu.memory_space<hbm>>
    %dma_start3A_148 = arith.constant 0 : i32
    %dma_start3A_149 = tpu.memref_slice %arg3[%mul3A_142, %dma_start3A_148] : memref<100000x128xf32, #tpu.memory_space<hbm>> -> memref<200x128xf32, #tpu.memory_space<hbm>>
    tpu.enqueue_dma source(%dma_start3A_149 : memref<200x128xf32, #tpu.memory_space<hbm>>) target(%arg25 : memref<200x128xf32, #tpu.memory_space<vmem>>) target_semaphore(%arg30 : memref<!tpu.dma_semaphore, #tpu.memory_space<semaphore_mem>>)
    %add3A_150 = arith.constant 0 : i32
    %add3A_151 = arith.addi %add3A, %add3A_150 : i32
    %mul3A_152 = arith.constant 200 : i32
    %mul3A_153 = arith.muli %add3A_151, %mul3A_152 : i32
    %add3A_154 = arith.constant 0 : i32
    %add3A_155 = arith.addi %add3A, %add3A_154 : i32
    %mul3A_156 = arith.constant 200 : i32
    %mul3A_157 = arith.muli %add3A_155, %mul3A_156 : i32
    %dma_wait3A_158 = arith.constant 0 : i32
    %dma_wait3A_159 = arith.constant 0 : i32
    %dma_wait3A_160 = tpu.memref_slice %arg2[%dma_wait3A_158, %dma_wait3A_159] : memref<100000x128xf32, #tpu.memory_space<hbm>> -> memref<100000x128xf32, #tpu.memory_space<hbm>>
    tpu.wait_indirect_dma semaphore(%arg27 : memref<!tpu.dma_semaphore, #tpu.memory_space<semaphore_mem>>) src(%dma_wait3A_160 : memref<100000x128xf32, #tpu.memory_space<hbm>>) dst(%arg22 : memref<200x128xf32, #tpu.memory_space<vmem>>)
    %dma_wait3A_161 = arith.constant 0 : i32
    %dma_wait3A_162 = tpu.memref_slice %arg3[%mul3A_131, %dma_wait3A_161] : memref<100000x128xf32, #tpu.memory_space<hbm>> -> memref<200x128xf32, #tpu.memory_space<hbm>>
    %dma_wait3A_163 = arith.constant 0 : i32
    %dma_wait3A_164 = tpu.memref_slice %arg3[%mul3A_131, %dma_wait3A_163] : memref<100000x128xf32, #tpu.memory_space<hbm>> -> memref<200x128xf32, #tpu.memory_space<hbm>>
    tpu.wait_dma2 semaphore(%arg29 : memref<!tpu.dma_semaphore, #tpu.memory_space<semaphore_mem>>) src(%dma_wait3A_164 : memref<200x128xf32, #tpu.memory_space<hbm>>) dst(%arg24 : memref<200x128xf32, #tpu.memory_space<vmem>>)
    %dma_start3A_165 = arith.constant 0 : i32
    %dma_start3A_166 = tpu.memref_slice %arg5[%mul3A_153, %dma_start3A_165] : memref<100000x256xf32, #tpu.memory_space<hbm>> -> memref<200x128xf32, #tpu.memory_space<hbm>>
    %dma_start3A_167 = arith.constant 0 : i32
    %dma_start3A_168 = tpu.memref_slice %arg5[%mul3A_153, %dma_start3A_167] : memref<100000x256xf32, #tpu.memory_space<hbm>> -> memref<200x128xf32, #tpu.memory_space<hbm>>
    tpu.enqueue_dma source(%arg22 : memref<200x128xf32, #tpu.memory_space<vmem>>) target(%dma_start3A_168 : memref<200x128xf32, #tpu.memory_space<hbm>>) target_semaphore(%arg31 : memref<!tpu.dma_semaphore, #tpu.memory_space<semaphore_mem>>)
    %dma_start3A_169 = arith.constant 128 : i32
    %dma_start3A_170 = tpu.memref_slice %arg5[%mul3A_157, %dma_start3A_169] : memref<100000x256xf32, #tpu.memory_space<hbm>> -> memref<200x128xf32, #tpu.memory_space<hbm>>
    %dma_start3A_171 = arith.constant 128 : i32
    %dma_start3A_172 = tpu.memref_slice %arg5[%mul3A_157, %dma_start3A_171] : memref<100000x256xf32, #tpu.memory_space<hbm>> -> memref<200x128xf32, #tpu.memory_space<hbm>>
    tpu.enqueue_dma source(%arg24 : memref<200x128xf32, #tpu.memory_space<vmem>>) target(%dma_start3A_172 : memref<200x128xf32, #tpu.memory_space<hbm>>) target_semaphore(%arg33 : memref<!tpu.dma_semaphore, #tpu.memory_space<semaphore_mem>>)
    %dma_wait3A_173 = arith.constant 0 : i32
    %dma_wait3A_174 = tpu.memref_slice %arg5[%mul3A_153, %dma_wait3A_173] : memref<100000x256xf32, #tpu.memory_space<hbm>> -> memref<200x128xf32, #tpu.memory_space<hbm>>
    %dma_wait3A_175 = arith.constant 0 : i32
    %dma_wait3A_176 = tpu.memref_slice %arg5[%mul3A_153, %dma_wait3A_175] : memref<100000x256xf32, #tpu.memory_space<hbm>> -> memref<200x128xf32, #tpu.memory_space<hbm>>
    tpu.wait_dma2 semaphore(%arg31 : memref<!tpu.dma_semaphore, #tpu.memory_space<semaphore_mem>>) src(%arg22 : memref<200x128xf32, #tpu.memory_space<vmem>>) dst(%dma_wait3A_176 : memref<200x128xf32, #tpu.memory_space<hbm>>)
    %dma_wait3A_177 = arith.constant 128 : i32
    %dma_wait3A_178 = tpu.memref_slice %arg5[%mul3A_157, %dma_wait3A_177] : memref<100000x256xf32, #tpu.memory_space<hbm>> -> memref<200x128xf32, #tpu.memory_space<hbm>>
    %dma_wait3A_179 = arith.constant 128 : i32
    %dma_wait3A_180 = tpu.memref_slice %arg5[%mul3A_157, %dma_wait3A_179] : memref<100000x256xf32, #tpu.memory_space<hbm>> -> memref<200x128xf32, #tpu.memory_space<hbm>>
    tpu.wait_dma2 semaphore(%arg33 : memref<!tpu.dma_semaphore, #tpu.memory_space<semaphore_mem>>) src(%arg24 : memref<200x128xf32, #tpu.memory_space<vmem>>) dst(%dma_wait3A_180 : memref<200x128xf32, #tpu.memory_space<hbm>>)
    %add3A_181 = arith.constant 64 : i32
    %add3A_182 = arith.addi %add3A, %add3A_181 : i32
    %mul3A_183 = arith.constant 200 : i32
    %mul3A_184 = arith.muli %add3A_182, %mul3A_183 : i32
    %dma_start3A_185 = arith.constant 0 : i32
    %dma_start3A_186 = arith.constant 0 : i32
    %dma_start3A_187 = tpu.memref_slice %arg2[%dma_start3A_185, %dma_start3A_186] : memref<100000x128xf32, #tpu.memory_space<hbm>> -> memref<100000x128xf32, #tpu.memory_space<hbm>>
    tpu.enqueue_indirect_dma source(%dma_start3A_187 : memref<100000x128xf32, #tpu.memory_space<hbm>>) target(%arg22 : memref<200x128xf32, #tpu.memory_space<vmem>>) offsets(%arg8 : memref<200xi32, #tpu.memory_space<vmem>>) semaphore(%arg27 : memref<!tpu.dma_semaphore, #tpu.memory_space<semaphore_mem>>)
    %dma_start3A_188 = arith.constant 0 : i32
    %dma_start3A_189 = tpu.memref_slice %arg3[%mul3A_184, %dma_start3A_188] : memref<100000x128xf32, #tpu.memory_space<hbm>> -> memref<200x128xf32, #tpu.memory_space<hbm>>
    %dma_start3A_190 = arith.constant 0 : i32
    %dma_start3A_191 = tpu.memref_slice %arg3[%mul3A_184, %dma_start3A_190] : memref<100000x128xf32, #tpu.memory_space<hbm>> -> memref<200x128xf32, #tpu.memory_space<hbm>>
    tpu.enqueue_dma source(%dma_start3A_191 : memref<200x128xf32, #tpu.memory_space<hbm>>) target(%arg24 : memref<200x128xf32, #tpu.memory_space<vmem>>) target_semaphore(%arg29 : memref<!tpu.dma_semaphore, #tpu.memory_space<semaphore_mem>>)
    %add3A_192 = arith.constant 32 : i32
    %add3A_193 = arith.addi %add3A, %add3A_192 : i32
    %mul3A_194 = arith.constant 200 : i32
    %mul3A_195 = arith.muli %add3A_193, %mul3A_194 : i32
    %add3A_196 = arith.constant 32 : i32
    %add3A_197 = arith.addi %add3A, %add3A_196 : i32
    %mul3A_198 = arith.constant 200 : i32
    %mul3A_199 = arith.muli %add3A_197, %mul3A_198 : i32
    %dma_wait3A_200 = arith.constant 0 : i32
    %dma_wait3A_201 = arith.constant 0 : i32
    %dma_wait3A_202 = tpu.memref_slice %arg2[%dma_wait3A_200, %dma_wait3A_201] : memref<100000x128xf32, #tpu.memory_space<hbm>> -> memref<100000x128xf32, #tpu.memory_space<hbm>>
    tpu.wait_indirect_dma semaphore(%arg28 : memref<!tpu.dma_semaphore, #tpu.memory_space<semaphore_mem>>) src(%dma_wait3A_202 : memref<100000x128xf32, #tpu.memory_space<hbm>>) dst(%arg23 : memref<200x128xf32, #tpu.memory_space<vmem>>)
    %dma_wait3A_203 = arith.constant 0 : i32
    %dma_wait3A_204 = tpu.memref_slice %arg3[%mul3A_142, %dma_wait3A_203] : memref<100000x128xf32, #tpu.memory_space<hbm>> -> memref<200x128xf32, #tpu.memory_space<hbm>>
    %dma_wait3A_205 = arith.constant 0 : i32
    %dma_wait3A_206 = tpu.memref_slice %arg3[%mul3A_142, %dma_wait3A_205] : memref<100000x128xf32, #tpu.memory_space<hbm>> -> memref<200x128xf32, #tpu.memory_space<hbm>>
    tpu.wait_dma2 semaphore(%arg30 : memref<!tpu.dma_semaphore, #tpu.memory_space<semaphore_mem>>) src(%dma_wait3A_206 : memref<200x128xf32, #tpu.memory_space<hbm>>) dst(%arg25 : memref<200x128xf32, #tpu.memory_space<vmem>>)
    %dma_start3A_207 = arith.constant 0 : i32
    %dma_start3A_208 = tpu.memref_slice %arg5[%mul3A_195, %dma_start3A_207] : memref<100000x256xf32, #tpu.memory_space<hbm>> -> memref<200x128xf32, #tpu.memory_space<hbm>>
    %dma_start3A_209 = arith.constant 0 : i32
    %dma_start3A_210 = tpu.memref_slice %arg5[%mul3A_195, %dma_start3A_209] : memref<100000x256xf32, #tpu.memory_space<hbm>> -> memref<200x128xf32, #tpu.memory_space<hbm>>
    tpu.enqueue_dma source(%arg23 : memref<200x128xf32, #tpu.memory_space<vmem>>) target(%dma_start3A_210 : memref<200x128xf32, #tpu.memory_space<hbm>>) target_semaphore(%arg32 : memref<!tpu.dma_semaphore, #tpu.memory_space<semaphore_mem>>)
    %dma_start3A_211 = arith.constant 128 : i32
    %dma_start3A_212 = tpu.memref_slice %arg5[%mul3A_199, %dma_start3A_211] : memref<100000x256xf32, #tpu.memory_space<hbm>> -> memref<200x128xf32, #tpu.memory_space<hbm>>
    %dma_start3A_213 = arith.constant 128 : i32
    %dma_start3A_214 = tpu.memref_slice %arg5[%mul3A_199, %dma_start3A_213] : memref<100000x256xf32, #tpu.memory_space<hbm>> -> memref<200x128xf32, #tpu.memory_space<hbm>>
    tpu.enqueue_dma source(%arg25 : memref<200x128xf32, #tpu.memory_space<vmem>>) target(%dma_start3A_214 : memref<200x128xf32, #tpu.memory_space<hbm>>) target_semaphore(%arg34 : memref<!tpu.dma_semaphore, #tpu.memory_space<semaphore_mem>>)
    %dma_wait3A_215 = arith.constant 0 : i32
    %dma_wait3A_216 = tpu.memref_slice %arg5[%mul3A_195, %dma_wait3A_215] : memref<100000x256xf32, #tpu.memory_space<hbm>> -> memref<200x128xf32, #tpu.memory_space<hbm>>
    %dma_wait3A_217 = arith.constant 0 : i32
    %dma_wait3A_218 = tpu.memref_slice %arg5[%mul3A_195, %dma_wait3A_217] : memref<100000x256xf32, #tpu.memory_space<hbm>> -> memref<200x128xf32, #tpu.memory_space<hbm>>
    tpu.wait_dma2 semaphore(%arg32 : memref<!tpu.dma_semaphore, #tpu.memory_space<semaphore_mem>>) src(%arg23 : memref<200x128xf32, #tpu.memory_space<vmem>>) dst(%dma_wait3A_218 : memref<200x128xf32, #tpu.memory_space<hbm>>)
    %dma_wait3A_219 = arith.constant 128 : i32
    %dma_wait3A_220 = tpu.memref_slice %arg5[%mul3A_199, %dma_wait3A_219] : memref<100000x256xf32, #tpu.memory_space<hbm>> -> memref<200x128xf32, #tpu.memory_space<hbm>>
    %dma_wait3A_221 = arith.constant 128 : i32
    %dma_wait3A_222 = tpu.memref_slice %arg5[%mul3A_199, %dma_wait3A_221] : memref<100000x256xf32, #tpu.memory_space<hbm>> -> memref<200x128xf32, #tpu.memory_space<hbm>>
    tpu.wait_dma2 semaphore(%arg34 : memref<!tpu.dma_semaphore, #tpu.memory_space<semaphore_mem>>) src(%arg25 : memref<200x128xf32, #tpu.memory_space<vmem>>) dst(%dma_wait3A_222 : memref<200x128xf32, #tpu.memory_space<hbm>>)
    %add3A_223 = arith.constant 96 : i32
    %add3A_224 = arith.addi %add3A, %add3A_223 : i32
    %mul3A_225 = arith.constant 200 : i32
    %mul3A_226 = arith.muli %add3A_224, %mul3A_225 : i32
    %dma_start3A_227 = arith.constant 0 : i32
    %dma_start3A_228 = arith.constant 0 : i32
    %dma_start3A_229 = tpu.memref_slice %arg2[%dma_start3A_227, %dma_start3A_228] : memref<100000x128xf32, #tpu.memory_space<hbm>> -> memref<100000x128xf32, #tpu.memory_space<hbm>>
    tpu.enqueue_indirect_dma source(%dma_start3A_229 : memref<100000x128xf32, #tpu.memory_space<hbm>>) target(%arg23 : memref<200x128xf32, #tpu.memory_space<vmem>>) offsets(%arg9 : memref<200xi32, #tpu.memory_space<vmem>>) semaphore(%arg28 : memref<!tpu.dma_semaphore, #tpu.memory_space<semaphore_mem>>)
    %dma_start3A_230 = arith.constant 0 : i32
    %dma_start3A_231 = tpu.memref_slice %arg3[%mul3A_226, %dma_start3A_230] : memref<100000x128xf32, #tpu.memory_space<hbm>> -> memref<200x128xf32, #tpu.memory_space<hbm>>
    %dma_start3A_232 = arith.constant 0 : i32
    %dma_start3A_233 = tpu.memref_slice %arg3[%mul3A_226, %dma_start3A_232] : memref<100000x128xf32, #tpu.memory_space<hbm>> -> memref<200x128xf32, #tpu.memory_space<hbm>>
    tpu.enqueue_dma source(%dma_start3A_233 : memref<200x128xf32, #tpu.memory_space<hbm>>) target(%arg25 : memref<200x128xf32, #tpu.memory_space<vmem>>) target_semaphore(%arg30 : memref<!tpu.dma_semaphore, #tpu.memory_space<semaphore_mem>>)
    %add3A_234 = arith.constant 64 : i32
    %add3A_235 = arith.addi %add3A, %add3A_234 : i32
    %mul3A_236 = arith.constant 200 : i32
    %mul3A_237 = arith.muli %add3A_235, %mul3A_236 : i32
    %add3A_238 = arith.constant 64 : i32
    %add3A_239 = arith.addi %add3A, %add3A_238 : i32
    %mul3A_240 = arith.constant 200 : i32
    %mul3A_241 = arith.muli %add3A_239, %mul3A_240 : i32
    %dma_wait3A_242 = arith.constant 0 : i32
    %dma_wait3A_243 = arith.constant 0 : i32
    %dma_wait3A_244 = tpu.memref_slice %arg2[%dma_wait3A_242, %dma_wait3A_243] : memref<100000x128xf32, #tpu.memory_space<hbm>> -> memref<100000x128xf32, #tpu.memory_space<hbm>>
    tpu.wait_indirect_dma semaphore(%arg27 : memref<!tpu.dma_semaphore, #tpu.memory_space<semaphore_mem>>) src(%dma_wait3A_244 : memref<100000x128xf32, #tpu.memory_space<hbm>>) dst(%arg22 : memref<200x128xf32, #tpu.memory_space<vmem>>)
    %dma_wait3A_245 = arith.constant 0 : i32
    %dma_wait3A_246 = tpu.memref_slice %arg3[%mul3A_184, %dma_wait3A_245] : memref<100000x128xf32, #tpu.memory_space<hbm>> -> memref<200x128xf32, #tpu.memory_space<hbm>>
    %dma_wait3A_247 = arith.constant 0 : i32
    %dma_wait3A_248 = tpu.memref_slice %arg3[%mul3A_184, %dma_wait3A_247] : memref<100000x128xf32, #tpu.memory_space<hbm>> -> memref<200x128xf32, #tpu.memory_space<hbm>>
    tpu.wait_dma2 semaphore(%arg29 : memref<!tpu.dma_semaphore, #tpu.memory_space<semaphore_mem>>) src(%dma_wait3A_248 : memref<200x128xf32, #tpu.memory_space<hbm>>) dst(%arg24 : memref<200x128xf32, #tpu.memory_space<vmem>>)
    %dma_start3A_249 = arith.constant 0 : i32
    %dma_start3A_250 = tpu.memref_slice %arg5[%mul3A_237, %dma_start3A_249] : memref<100000x256xf32, #tpu.memory_space<hbm>> -> memref<200x128xf32, #tpu.memory_space<hbm>>
    %dma_start3A_251 = arith.constant 0 : i32
    %dma_start3A_252 = tpu.memref_slice %arg5[%mul3A_237, %dma_start3A_251] : memref<100000x256xf32, #tpu.memory_space<hbm>> -> memref<200x128xf32, #tpu.memory_space<hbm>>
    tpu.enqueue_dma source(%arg22 : memref<200x128xf32, #tpu.memory_space<vmem>>) target(%dma_start3A_252 : memref<200x128xf32, #tpu.memory_space<hbm>>) target_semaphore(%arg31 : memref<!tpu.dma_semaphore, #tpu.memory_space<semaphore_mem>>)
    %dma_start3A_253 = arith.constant 128 : i32
    %dma_start3A_254 = tpu.memref_slice %arg5[%mul3A_241, %dma_start3A_253] : memref<100000x256xf32, #tpu.memory_space<hbm>> -> memref<200x128xf32, #tpu.memory_space<hbm>>
    %dma_start3A_255 = arith.constant 128 : i32
    %dma_start3A_256 = tpu.memref_slice %arg5[%mul3A_241, %dma_start3A_255] : memref<100000x256xf32, #tpu.memory_space<hbm>> -> memref<200x128xf32, #tpu.memory_space<hbm>>
    tpu.enqueue_dma source(%arg24 : memref<200x128xf32, #tpu.memory_space<vmem>>) target(%dma_start3A_256 : memref<200x128xf32, #tpu.memory_space<hbm>>) target_semaphore(%arg33 : memref<!tpu.dma_semaphore, #tpu.memory_space<semaphore_mem>>)
    %dma_wait3A_257 = arith.constant 0 : i32
    %dma_wait3A_258 = tpu.memref_slice %arg5[%mul3A_237, %dma_wait3A_257] : memref<100000x256xf32, #tpu.memory_space<hbm>> -> memref<200x128xf32, #tpu.memory_space<hbm>>
    %dma_wait3A_259 = arith.constant 0 : i32
    %dma_wait3A_260 = tpu.memref_slice %arg5[%mul3A_237, %dma_wait3A_259] : memref<100000x256xf32, #tpu.memory_space<hbm>> -> memref<200x128xf32, #tpu.memory_space<hbm>>
    tpu.wait_dma2 semaphore(%arg31 : memref<!tpu.dma_semaphore, #tpu.memory_space<semaphore_mem>>) src(%arg22 : memref<200x128xf32, #tpu.memory_space<vmem>>) dst(%dma_wait3A_260 : memref<200x128xf32, #tpu.memory_space<hbm>>)
    %dma_wait3A_261 = arith.constant 128 : i32
    %dma_wait3A_262 = tpu.memref_slice %arg5[%mul3A_241, %dma_wait3A_261] : memref<100000x256xf32, #tpu.memory_space<hbm>> -> memref<200x128xf32, #tpu.memory_space<hbm>>
    %dma_wait3A_263 = arith.constant 128 : i32
    %dma_wait3A_264 = tpu.memref_slice %arg5[%mul3A_241, %dma_wait3A_263] : memref<100000x256xf32, #tpu.memory_space<hbm>> -> memref<200x128xf32, #tpu.memory_space<hbm>>
    tpu.wait_dma2 semaphore(%arg33 : memref<!tpu.dma_semaphore, #tpu.memory_space<semaphore_mem>>) src(%arg24 : memref<200x128xf32, #tpu.memory_space<vmem>>) dst(%dma_wait3A_264 : memref<200x128xf32, #tpu.memory_space<hbm>>)
    %add3A_265 = arith.constant 128 : i32
    %add3A_266 = arith.addi %add3A, %add3A_265 : i32
    %mul3A_267 = arith.constant 200 : i32
    %mul3A_268 = arith.muli %add3A_266, %mul3A_267 : i32
    %dma_start3A_269 = arith.constant 0 : i32
    %dma_start3A_270 = arith.constant 0 : i32
    %dma_start3A_271 = tpu.memref_slice %arg2[%dma_start3A_269, %dma_start3A_270] : memref<100000x128xf32, #tpu.memory_space<hbm>> -> memref<100000x128xf32, #tpu.memory_space<hbm>>
    tpu.enqueue_indirect_dma source(%dma_start3A_271 : memref<100000x128xf32, #tpu.memory_space<hbm>>) target(%arg22 : memref<200x128xf32, #tpu.memory_space<vmem>>) offsets(%arg10 : memref<200xi32, #tpu.memory_space<vmem>>) semaphore(%arg27 : memref<!tpu.dma_semaphore, #tpu.memory_space<semaphore_mem>>)
    %dma_start3A_272 = arith.constant 0 : i32
    %dma_start3A_273 = tpu.memref_slice %arg3[%mul3A_268, %dma_start3A_272] : memref<100000x128xf32, #tpu.memory_space<hbm>> -> memref<200x128xf32, #tpu.memory_space<hbm>>
    %dma_start3A_274 = arith.constant 0 : i32
    %dma_start3A_275 = tpu.memref_slice %arg3[%mul3A_268, %dma_start3A_274] : memref<100000x128xf32, #tpu.memory_space<hbm>> -> memref<200x128xf32, #tpu.memory_space<hbm>>
    tpu.enqueue_dma source(%dma_start3A_275 : memref<200x128xf32, #tpu.memory_space<hbm>>) target(%arg24 : memref<200x128xf32, #tpu.memory_space<vmem>>) target_semaphore(%arg29 : memref<!tpu.dma_semaphore, #tpu.memory_space<semaphore_mem>>)
    %add3A_276 = arith.constant 96 : i32
    %add3A_277 = arith.addi %add3A, %add3A_276 : i32
    %mul3A_278 = arith.constant 200 : i32
    %mul3A_279 = arith.muli %add3A_277, %mul3A_278 : i32
    %add3A_280 = arith.constant 96 : i32
    %add3A_281 = arith.addi %add3A, %add3A_280 : i32
    %mul3A_282 = arith.constant 200 : i32
    %mul3A_283 = arith.muli %add3A_281, %mul3A_282 : i32
    %dma_wait3A_284 = arith.constant 0 : i32
    %dma_wait3A_285 = arith.constant 0 : i32
    %dma_wait3A_286 = tpu.memref_slice %arg2[%dma_wait3A_284, %dma_wait3A_285] : memref<100000x128xf32, #tpu.memory_space<hbm>> -> memref<100000x128xf32, #tpu.memory_space<hbm>>
    tpu.wait_indirect_dma semaphore(%arg28 : memref<!tpu.dma_semaphore, #tpu.memory_space<semaphore_mem>>) src(%dma_wait3A_286 : memref<100000x128xf32, #tpu.memory_space<hbm>>) dst(%arg23 : memref<200x128xf32, #tpu.memory_space<vmem>>)
    %dma_wait3A_287 = arith.constant 0 : i32
    %dma_wait3A_288 = tpu.memref_slice %arg3[%mul3A_226, %dma_wait3A_287] : memref<100000x128xf32, #tpu.memory_space<hbm>> -> memref<200x128xf32, #tpu.memory_space<hbm>>
    %dma_wait3A_289 = arith.constant 0 : i32
    %dma_wait3A_290 = tpu.memref_slice %arg3[%mul3A_226, %dma_wait3A_289] : memref<100000x128xf32, #tpu.memory_space<hbm>> -> memref<200x128xf32, #tpu.memory_space<hbm>>
    tpu.wait_dma2 semaphore(%arg30 : memref<!tpu.dma_semaphore, #tpu.memory_space<semaphore_mem>>) src(%dma_wait3A_290 : memref<200x128xf32, #tpu.memory_space<hbm>>) dst(%arg25 : memref<200x128xf32, #tpu.memory_space<vmem>>)
    %dma_start3A_291 = arith.constant 0 : i32
    %dma_start3A_292 = tpu.memref_slice %arg5[%mul3A_279, %dma_start3A_291] : memref<100000x256xf32, #tpu.memory_space<hbm>> -> memref<200x128xf32, #tpu.memory_space<hbm>>
    %dma_start3A_293 = arith.constant 0 : i32
    %dma_start3A_294 = tpu.memref_slice %arg5[%mul3A_279, %dma_start3A_293] : memref<100000x256xf32, #tpu.memory_space<hbm>> -> memref<200x128xf32, #tpu.memory_space<hbm>>
    tpu.enqueue_dma source(%arg23 : memref<200x128xf32, #tpu.memory_space<vmem>>) target(%dma_start3A_294 : memref<200x128xf32, #tpu.memory_space<hbm>>) target_semaphore(%arg32 : memref<!tpu.dma_semaphore, #tpu.memory_space<semaphore_mem>>)
    %dma_start3A_295 = arith.constant 128 : i32
    %dma_start3A_296 = tpu.memref_slice %arg5[%mul3A_283, %dma_start3A_295] : memref<100000x256xf32, #tpu.memory_space<hbm>> -> memref<200x128xf32, #tpu.memory_space<hbm>>
    %dma_start3A_297 = arith.constant 128 : i32
    %dma_start3A_298 = tpu.memref_slice %arg5[%mul3A_283, %dma_start3A_297] : memref<100000x256xf32, #tpu.memory_space<hbm>> -> memref<200x128xf32, #tpu.memory_space<hbm>>
    tpu.enqueue_dma source(%arg25 : memref<200x128xf32, #tpu.memory_space<vmem>>) target(%dma_start3A_298 : memref<200x128xf32, #tpu.memory_space<hbm>>) target_semaphore(%arg34 : memref<!tpu.dma_semaphore, #tpu.memory_space<semaphore_mem>>)
    %dma_wait3A_299 = arith.constant 0 : i32
    %dma_wait3A_300 = tpu.memref_slice %arg5[%mul3A_279, %dma_wait3A_299] : memref<100000x256xf32, #tpu.memory_space<hbm>> -> memref<200x128xf32, #tpu.memory_space<hbm>>
    %dma_wait3A_301 = arith.constant 0 : i32
    %dma_wait3A_302 = tpu.memref_slice %arg5[%mul3A_279, %dma_wait3A_301] : memref<100000x256xf32, #tpu.memory_space<hbm>> -> memref<200x128xf32, #tpu.memory_space<hbm>>
    tpu.wait_dma2 semaphore(%arg32 : memref<!tpu.dma_semaphore, #tpu.memory_space<semaphore_mem>>) src(%arg23 : memref<200x128xf32, #tpu.memory_space<vmem>>) dst(%dma_wait3A_302 : memref<200x128xf32, #tpu.memory_space<hbm>>)
    %dma_wait3A_303 = arith.constant 128 : i32
    %dma_wait3A_304 = tpu.memref_slice %arg5[%mul3A_283, %dma_wait3A_303] : memref<100000x256xf32, #tpu.memory_space<hbm>> -> memref<200x128xf32, #tpu.memory_space<hbm>>
    %dma_wait3A_305 = arith.constant 128 : i32
    %dma_wait3A_306 = tpu.memref_slice %arg5[%mul3A_283, %dma_wait3A_305] : memref<100000x256xf32, #tpu.memory_space<hbm>> -> memref<200x128xf32, #tpu.memory_space<hbm>>
    tpu.wait_dma2 semaphore(%arg34 : memref<!tpu.dma_semaphore, #tpu.memory_space<semaphore_mem>>) src(%arg25 : memref<200x128xf32, #tpu.memory_space<vmem>>) dst(%dma_wait3A_306 : memref<200x128xf32, #tpu.memory_space<hbm>>)
    %add3A_307 = arith.constant 160 : i32
    %add3A_308 = arith.addi %add3A, %add3A_307 : i32
    %mul3A_309 = arith.constant 200 : i32
    %mul3A_310 = arith.muli %add3A_308, %mul3A_309 : i32
    %dma_start3A_311 = arith.constant 0 : i32
    %dma_start3A_312 = arith.constant 0 : i32
    %dma_start3A_313 = tpu.memref_slice %arg2[%dma_start3A_311, %dma_start3A_312] : memref<100000x128xf32, #tpu.memory_space<hbm>> -> memref<100000x128xf32, #tpu.memory_space<hbm>>
    tpu.enqueue_indirect_dma source(%dma_start3A_313 : memref<100000x128xf32, #tpu.memory_space<hbm>>) target(%arg23 : memref<200x128xf32, #tpu.memory_space<vmem>>) offsets(%arg11 : memref<200xi32, #tpu.memory_space<vmem>>) semaphore(%arg28 : memref<!tpu.dma_semaphore, #tpu.memory_space<semaphore_mem>>)
    %dma_start3A_314 = arith.constant 0 : i32
    %dma_start3A_315 = tpu.memref_slice %arg3[%mul3A_310, %dma_start3A_314] : memref<100000x128xf32, #tpu.memory_space<hbm>> -> memref<200x128xf32, #tpu.memory_space<hbm>>
    %dma_start3A_316 = arith.constant 0 : i32
    %dma_start3A_317 = tpu.memref_slice %arg3[%mul3A_310, %dma_start3A_316] : memref<100000x128xf32, #tpu.memory_space<hbm>> -> memref<200x128xf32, #tpu.memory_space<hbm>>
    tpu.enqueue_dma source(%dma_start3A_317 : memref<200x128xf32, #tpu.memory_space<hbm>>) target(%arg25 : memref<200x128xf32, #tpu.memory_space<vmem>>) target_semaphore(%arg30 : memref<!tpu.dma_semaphore, #tpu.memory_space<semaphore_mem>>)
    %add3A_318 = arith.constant 128 : i32
    %add3A_319 = arith.addi %add3A, %add3A_318 : i32
    %mul3A_320 = arith.constant 200 : i32
    %mul3A_321 = arith.muli %add3A_319, %mul3A_320 : i32
    %add3A_322 = arith.constant 128 : i32
    %add3A_323 = arith.addi %add3A, %add3A_322 : i32
    %mul3A_324 = arith.constant 200 : i32
    %mul3A_325 = arith.muli %add3A_323, %mul3A_324 : i32
    %dma_wait3A_326 = arith.constant 0 : i32
    %dma_wait3A_327 = arith.constant 0 : i32
    %dma_wait3A_328 = tpu.memref_slice %arg2[%dma_wait3A_326, %dma_wait3A_327] : memref<100000x128xf32, #tpu.memory_space<hbm>> -> memref<100000x128xf32, #tpu.memory_space<hbm>>
    tpu.wait_indirect_dma semaphore(%arg27 : memref<!tpu.dma_semaphore, #tpu.memory_space<semaphore_mem>>) src(%dma_wait3A_328 : memref<100000x128xf32, #tpu.memory_space<hbm>>) dst(%arg22 : memref<200x128xf32, #tpu.memory_space<vmem>>)
    %dma_wait3A_329 = arith.constant 0 : i32
    %dma_wait3A_330 = tpu.memref_slice %arg3[%mul3A_268, %dma_wait3A_329] : memref<100000x128xf32, #tpu.memory_space<hbm>> -> memref<200x128xf32, #tpu.memory_space<hbm>>
    %dma_wait3A_331 = arith.constant 0 : i32
    %dma_wait3A_332 = tpu.memref_slice %arg3[%mul3A_268, %dma_wait3A_331] : memref<100000x128xf32, #tpu.memory_space<hbm>> -> memref<200x128xf32, #tpu.memory_space<hbm>>
    tpu.wait_dma2 semaphore(%arg29 : memref<!tpu.dma_semaphore, #tpu.memory_space<semaphore_mem>>) src(%dma_wait3A_332 : memref<200x128xf32, #tpu.memory_space<hbm>>) dst(%arg24 : memref<200x128xf32, #tpu.memory_space<vmem>>)
    %dma_start3A_333 = arith.constant 0 : i32
    %dma_start3A_334 = tpu.memref_slice %arg5[%mul3A_321, %dma_start3A_333] : memref<100000x256xf32, #tpu.memory_space<hbm>> -> memref<200x128xf32, #tpu.memory_space<hbm>>
    %dma_start3A_335 = arith.constant 0 : i32
    %dma_start3A_336 = tpu.memref_slice %arg5[%mul3A_321, %dma_start3A_335] : memref<100000x256xf32, #tpu.memory_space<hbm>> -> memref<200x128xf32, #tpu.memory_space<hbm>>
    tpu.enqueue_dma source(%arg22 : memref<200x128xf32, #tpu.memory_space<vmem>>) target(%dma_start3A_336 : memref<200x128xf32, #tpu.memory_space<hbm>>) target_semaphore(%arg31 : memref<!tpu.dma_semaphore, #tpu.memory_space<semaphore_mem>>)
    %dma_start3A_337 = arith.constant 128 : i32
    %dma_start3A_338 = tpu.memref_slice %arg5[%mul3A_325, %dma_start3A_337] : memref<100000x256xf32, #tpu.memory_space<hbm>> -> memref<200x128xf32, #tpu.memory_space<hbm>>
    %dma_start3A_339 = arith.constant 128 : i32
    %dma_start3A_340 = tpu.memref_slice %arg5[%mul3A_325, %dma_start3A_339] : memref<100000x256xf32, #tpu.memory_space<hbm>> -> memref<200x128xf32, #tpu.memory_space<hbm>>
    tpu.enqueue_dma source(%arg24 : memref<200x128xf32, #tpu.memory_space<vmem>>) target(%dma_start3A_340 : memref<200x128xf32, #tpu.memory_space<hbm>>) target_semaphore(%arg33 : memref<!tpu.dma_semaphore, #tpu.memory_space<semaphore_mem>>)
    %dma_wait3A_341 = arith.constant 0 : i32
    %dma_wait3A_342 = tpu.memref_slice %arg5[%mul3A_321, %dma_wait3A_341] : memref<100000x256xf32, #tpu.memory_space<hbm>> -> memref<200x128xf32, #tpu.memory_space<hbm>>
    %dma_wait3A_343 = arith.constant 0 : i32
    %dma_wait3A_344 = tpu.memref_slice %arg5[%mul3A_321, %dma_wait3A_343] : memref<100000x256xf32, #tpu.memory_space<hbm>> -> memref<200x128xf32, #tpu.memory_space<hbm>>
    tpu.wait_dma2 semaphore(%arg31 : memref<!tpu.dma_semaphore, #tpu.memory_space<semaphore_mem>>) src(%arg22 : memref<200x128xf32, #tpu.memory_space<vmem>>) dst(%dma_wait3A_344 : memref<200x128xf32, #tpu.memory_space<hbm>>)
    %dma_wait3A_345 = arith.constant 128 : i32
    %dma_wait3A_346 = tpu.memref_slice %arg5[%mul3A_325, %dma_wait3A_345] : memref<100000x256xf32, #tpu.memory_space<hbm>> -> memref<200x128xf32, #tpu.memory_space<hbm>>
    %dma_wait3A_347 = arith.constant 128 : i32
    %dma_wait3A_348 = tpu.memref_slice %arg5[%mul3A_325, %dma_wait3A_347] : memref<100000x256xf32, #tpu.memory_space<hbm>> -> memref<200x128xf32, #tpu.memory_space<hbm>>
    tpu.wait_dma2 semaphore(%arg33 : memref<!tpu.dma_semaphore, #tpu.memory_space<semaphore_mem>>) src(%arg24 : memref<200x128xf32, #tpu.memory_space<vmem>>) dst(%dma_wait3A_348 : memref<200x128xf32, #tpu.memory_space<hbm>>)
    %add3A_349 = arith.constant 192 : i32
    %add3A_350 = arith.addi %add3A, %add3A_349 : i32
    %mul3A_351 = arith.constant 200 : i32
    %mul3A_352 = arith.muli %add3A_350, %mul3A_351 : i32
    %dma_start3A_353 = arith.constant 0 : i32
    %dma_start3A_354 = arith.constant 0 : i32
    %dma_start3A_355 = tpu.memref_slice %arg2[%dma_start3A_353, %dma_start3A_354] : memref<100000x128xf32, #tpu.memory_space<hbm>> -> memref<100000x128xf32, #tpu.memory_space<hbm>>
    tpu.enqueue_indirect_dma source(%dma_start3A_355 : memref<100000x128xf32, #tpu.memory_space<hbm>>) target(%arg22 : memref<200x128xf32, #tpu.memory_space<vmem>>) offsets(%arg12 : memref<200xi32, #tpu.memory_space<vmem>>) semaphore(%arg27 : memref<!tpu.dma_semaphore, #tpu.memory_space<semaphore_mem>>)
    %dma_start3A_356 = arith.constant 0 : i32
    %dma_start3A_357 = tpu.memref_slice %arg3[%mul3A_352, %dma_start3A_356] : memref<100000x128xf32, #tpu.memory_space<hbm>> -> memref<200x128xf32, #tpu.memory_space<hbm>>
    %dma_start3A_358 = arith.constant 0 : i32
    %dma_start3A_359 = tpu.memref_slice %arg3[%mul3A_352, %dma_start3A_358] : memref<100000x128xf32, #tpu.memory_space<hbm>> -> memref<200x128xf32, #tpu.memory_space<hbm>>
    tpu.enqueue_dma source(%dma_start3A_359 : memref<200x128xf32, #tpu.memory_space<hbm>>) target(%arg24 : memref<200x128xf32, #tpu.memory_space<vmem>>) target_semaphore(%arg29 : memref<!tpu.dma_semaphore, #tpu.memory_space<semaphore_mem>>)
    %add3A_360 = arith.constant 160 : i32
    %add3A_361 = arith.addi %add3A, %add3A_360 : i32
    %mul3A_362 = arith.constant 200 : i32
    %mul3A_363 = arith.muli %add3A_361, %mul3A_362 : i32
    %add3A_364 = arith.constant 160 : i32
    %add3A_365 = arith.addi %add3A, %add3A_364 : i32
    %mul3A_366 = arith.constant 200 : i32
    %mul3A_367 = arith.muli %add3A_365, %mul3A_366 : i32
    %dma_wait3A_368 = arith.constant 0 : i32
    %dma_wait3A_369 = arith.constant 0 : i32
    %dma_wait3A_370 = tpu.memref_slice %arg2[%dma_wait3A_368, %dma_wait3A_369] : memref<100000x128xf32, #tpu.memory_space<hbm>> -> memref<100000x128xf32, #tpu.memory_space<hbm>>
    tpu.wait_indirect_dma semaphore(%arg28 : memref<!tpu.dma_semaphore, #tpu.memory_space<semaphore_mem>>) src(%dma_wait3A_370 : memref<100000x128xf32, #tpu.memory_space<hbm>>) dst(%arg23 : memref<200x128xf32, #tpu.memory_space<vmem>>)
    %dma_wait3A_371 = arith.constant 0 : i32
    %dma_wait3A_372 = tpu.memref_slice %arg3[%mul3A_310, %dma_wait3A_371] : memref<100000x128xf32, #tpu.memory_space<hbm>> -> memref<200x128xf32, #tpu.memory_space<hbm>>
    %dma_wait3A_373 = arith.constant 0 : i32
    %dma_wait3A_374 = tpu.memref_slice %arg3[%mul3A_310, %dma_wait3A_373] : memref<100000x128xf32, #tpu.memory_space<hbm>> -> memref<200x128xf32, #tpu.memory_space<hbm>>
    tpu.wait_dma2 semaphore(%arg30 : memref<!tpu.dma_semaphore, #tpu.memory_space<semaphore_mem>>) src(%dma_wait3A_374 : memref<200x128xf32, #tpu.memory_space<hbm>>) dst(%arg25 : memref<200x128xf32, #tpu.memory_space<vmem>>)
    %dma_start3A_375 = arith.constant 0 : i32
    %dma_start3A_376 = tpu.memref_slice %arg5[%mul3A_363, %dma_start3A_375] : memref<100000x256xf32, #tpu.memory_space<hbm>> -> memref<200x128xf32, #tpu.memory_space<hbm>>
    %dma_start3A_377 = arith.constant 0 : i32
    %dma_start3A_378 = tpu.memref_slice %arg5[%mul3A_363, %dma_start3A_377] : memref<100000x256xf32, #tpu.memory_space<hbm>> -> memref<200x128xf32, #tpu.memory_space<hbm>>
    tpu.enqueue_dma source(%arg23 : memref<200x128xf32, #tpu.memory_space<vmem>>) target(%dma_start3A_378 : memref<200x128xf32, #tpu.memory_space<hbm>>) target_semaphore(%arg32 : memref<!tpu.dma_semaphore, #tpu.memory_space<semaphore_mem>>)
    %dma_start3A_379 = arith.constant 128 : i32
    %dma_start3A_380 = tpu.memref_slice %arg5[%mul3A_367, %dma_start3A_379] : memref<100000x256xf32, #tpu.memory_space<hbm>> -> memref<200x128xf32, #tpu.memory_space<hbm>>
    %dma_start3A_381 = arith.constant 128 : i32
    %dma_start3A_382 = tpu.memref_slice %arg5[%mul3A_367, %dma_start3A_381] : memref<100000x256xf32, #tpu.memory_space<hbm>> -> memref<200x128xf32, #tpu.memory_space<hbm>>
    tpu.enqueue_dma source(%arg25 : memref<200x128xf32, #tpu.memory_space<vmem>>) target(%dma_start3A_382 : memref<200x128xf32, #tpu.memory_space<hbm>>) target_semaphore(%arg34 : memref<!tpu.dma_semaphore, #tpu.memory_space<semaphore_mem>>)
    %dma_wait3A_383 = arith.constant 0 : i32
    %dma_wait3A_384 = tpu.memref_slice %arg5[%mul3A_363, %dma_wait3A_383] : memref<100000x256xf32, #tpu.memory_space<hbm>> -> memref<200x128xf32, #tpu.memory_space<hbm>>
    %dma_wait3A_385 = arith.constant 0 : i32
    %dma_wait3A_386 = tpu.memref_slice %arg5[%mul3A_363, %dma_wait3A_385] : memref<100000x256xf32, #tpu.memory_space<hbm>> -> memref<200x128xf32, #tpu.memory_space<hbm>>
    tpu.wait_dma2 semaphore(%arg32 : memref<!tpu.dma_semaphore, #tpu.memory_space<semaphore_mem>>) src(%arg23 : memref<200x128xf32, #tpu.memory_space<vmem>>) dst(%dma_wait3A_386 : memref<200x128xf32, #tpu.memory_space<hbm>>)
    %dma_wait3A_387 = arith.constant 128 : i32
    %dma_wait3A_388 = tpu.memref_slice %arg5[%mul3A_367, %dma_wait3A_387] : memref<100000x256xf32, #tpu.memory_space<hbm>> -> memref<200x128xf32, #tpu.memory_space<hbm>>
    %dma_wait3A_389 = arith.constant 128 : i32
    %dma_wait3A_390 = tpu.memref_slice %arg5[%mul3A_367, %dma_wait3A_389] : memref<100000x256xf32, #tpu.memory_space<hbm>> -> memref<200x128xf32, #tpu.memory_space<hbm>>
    tpu.wait_dma2 semaphore(%arg34 : memref<!tpu.dma_semaphore, #tpu.memory_space<semaphore_mem>>) src(%arg25 : memref<200x128xf32, #tpu.memory_space<vmem>>) dst(%dma_wait3A_390 : memref<200x128xf32, #tpu.memory_space<hbm>>)
    %add3A_391 = arith.constant 224 : i32
    %add3A_392 = arith.addi %add3A, %add3A_391 : i32
    %mul3A_393 = arith.constant 200 : i32
    %mul3A_394 = arith.muli %add3A_392, %mul3A_393 : i32
    %dma_start3A_395 = arith.constant 0 : i32
    %dma_start3A_396 = arith.constant 0 : i32
    %dma_start3A_397 = tpu.memref_slice %arg2[%dma_start3A_395, %dma_start3A_396] : memref<100000x128xf32, #tpu.memory_space<hbm>> -> memref<100000x128xf32, #tpu.memory_space<hbm>>
    tpu.enqueue_indirect_dma source(%dma_start3A_397 : memref<100000x128xf32, #tpu.memory_space<hbm>>) target(%arg23 : memref<200x128xf32, #tpu.memory_space<vmem>>) offsets(%arg13 : memref<200xi32, #tpu.memory_space<vmem>>) semaphore(%arg28 : memref<!tpu.dma_semaphore, #tpu.memory_space<semaphore_mem>>)
    %dma_start3A_398 = arith.constant 0 : i32
    %dma_start3A_399 = tpu.memref_slice %arg3[%mul3A_394, %dma_start3A_398] : memref<100000x128xf32, #tpu.memory_space<hbm>> -> memref<200x128xf32, #tpu.memory_space<hbm>>
    %dma_start3A_400 = arith.constant 0 : i32
    %dma_start3A_401 = tpu.memref_slice %arg3[%mul3A_394, %dma_start3A_400] : memref<100000x128xf32, #tpu.memory_space<hbm>> -> memref<200x128xf32, #tpu.memory_space<hbm>>
    tpu.enqueue_dma source(%dma_start3A_401 : memref<200x128xf32, #tpu.memory_space<hbm>>) target(%arg25 : memref<200x128xf32, #tpu.memory_space<vmem>>) target_semaphore(%arg30 : memref<!tpu.dma_semaphore, #tpu.memory_space<semaphore_mem>>)
    %add3A_402 = arith.constant 192 : i32
    %add3A_403 = arith.addi %add3A, %add3A_402 : i32
    %mul3A_404 = arith.constant 200 : i32
    %mul3A_405 = arith.muli %add3A_403, %mul3A_404 : i32
    %add3A_406 = arith.constant 192 : i32
    %add3A_407 = arith.addi %add3A, %add3A_406 : i32
    %mul3A_408 = arith.constant 200 : i32
    %mul3A_409 = arith.muli %add3A_407, %mul3A_408 : i32
    %dma_wait3A_410 = arith.constant 0 : i32
    %dma_wait3A_411 = arith.constant 0 : i32
    %dma_wait3A_412 = tpu.memref_slice %arg2[%dma_wait3A_410, %dma_wait3A_411] : memref<100000x128xf32, #tpu.memory_space<hbm>> -> memref<100000x128xf32, #tpu.memory_space<hbm>>
    tpu.wait_indirect_dma semaphore(%arg27 : memref<!tpu.dma_semaphore, #tpu.memory_space<semaphore_mem>>) src(%dma_wait3A_412 : memref<100000x128xf32, #tpu.memory_space<hbm>>) dst(%arg22 : memref<200x128xf32, #tpu.memory_space<vmem>>)
    %dma_wait3A_413 = arith.constant 0 : i32
    %dma_wait3A_414 = tpu.memref_slice %arg3[%mul3A_352, %dma_wait3A_413] : memref<100000x128xf32, #tpu.memory_space<hbm>> -> memref<200x128xf32, #tpu.memory_space<hbm>>
    %dma_wait3A_415 = arith.constant 0 : i32
    %dma_wait3A_416 = tpu.memref_slice %arg3[%mul3A_352, %dma_wait3A_415] : memref<100000x128xf32, #tpu.memory_space<hbm>> -> memref<200x128xf32, #tpu.memory_space<hbm>>
    tpu.wait_dma2 semaphore(%arg29 : memref<!tpu.dma_semaphore, #tpu.memory_space<semaphore_mem>>) src(%dma_wait3A_416 : memref<200x128xf32, #tpu.memory_space<hbm>>) dst(%arg24 : memref<200x128xf32, #tpu.memory_space<vmem>>)
    %dma_start3A_417 = arith.constant 0 : i32
    %dma_start3A_418 = tpu.memref_slice %arg5[%mul3A_405, %dma_start3A_417] : memref<100000x256xf32, #tpu.memory_space<hbm>> -> memref<200x128xf32, #tpu.memory_space<hbm>>
    %dma_start3A_419 = arith.constant 0 : i32
    %dma_start3A_420 = tpu.memref_slice %arg5[%mul3A_405, %dma_start3A_419] : memref<100000x256xf32, #tpu.memory_space<hbm>> -> memref<200x128xf32, #tpu.memory_space<hbm>>
    tpu.enqueue_dma source(%arg22 : memref<200x128xf32, #tpu.memory_space<vmem>>) target(%dma_start3A_420 : memref<200x128xf32, #tpu.memory_space<hbm>>) target_semaphore(%arg31 : memref<!tpu.dma_semaphore, #tpu.memory_space<semaphore_mem>>)
    %dma_start3A_421 = arith.constant 128 : i32
    %dma_start3A_422 = tpu.memref_slice %arg5[%mul3A_409, %dma_start3A_421] : memref<100000x256xf32, #tpu.memory_space<hbm>> -> memref<200x128xf32, #tpu.memory_space<hbm>>
    %dma_start3A_423 = arith.constant 128 : i32
    %dma_start3A_424 = tpu.memref_slice %arg5[%mul3A_409, %dma_start3A_423] : memref<100000x256xf32, #tpu.memory_space<hbm>> -> memref<200x128xf32, #tpu.memory_space<hbm>>
    tpu.enqueue_dma source(%arg24 : memref<200x128xf32, #tpu.memory_space<vmem>>) target(%dma_start3A_424 : memref<200x128xf32, #tpu.memory_space<hbm>>) target_semaphore(%arg33 : memref<!tpu.dma_semaphore, #tpu.memory_space<semaphore_mem>>)
    %dma_wait3A_425 = arith.constant 0 : i32
    %dma_wait3A_426 = tpu.memref_slice %arg5[%mul3A_405, %dma_wait3A_425] : memref<100000x256xf32, #tpu.memory_space<hbm>> -> memref<200x128xf32, #tpu.memory_space<hbm>>
    %dma_wait3A_427 = arith.constant 0 : i32
    %dma_wait3A_428 = tpu.memref_slice %arg5[%mul3A_405, %dma_wait3A_427] : memref<100000x256xf32, #tpu.memory_space<hbm>> -> memref<200x128xf32, #tpu.memory_space<hbm>>
    tpu.wait_dma2 semaphore(%arg31 : memref<!tpu.dma_semaphore, #tpu.memory_space<semaphore_mem>>) src(%arg22 : memref<200x128xf32, #tpu.memory_space<vmem>>) dst(%dma_wait3A_428 : memref<200x128xf32, #tpu.memory_space<hbm>>)
    %dma_wait3A_429 = arith.constant 128 : i32
    %dma_wait3A_430 = tpu.memref_slice %arg5[%mul3A_409, %dma_wait3A_429] : memref<100000x256xf32, #tpu.memory_space<hbm>> -> memref<200x128xf32, #tpu.memory_space<hbm>>
    %dma_wait3A_431 = arith.constant 128 : i32
    %dma_wait3A_432 = tpu.memref_slice %arg5[%mul3A_409, %dma_wait3A_431] : memref<100000x256xf32, #tpu.memory_space<hbm>> -> memref<200x128xf32, #tpu.memory_space<hbm>>
    tpu.wait_dma2 semaphore(%arg33 : memref<!tpu.dma_semaphore, #tpu.memory_space<semaphore_mem>>) src(%arg24 : memref<200x128xf32, #tpu.memory_space<vmem>>) dst(%dma_wait3A_432 : memref<200x128xf32, #tpu.memory_space<hbm>>)
    %add3A_433 = arith.constant 256 : i32
    %add3A_434 = arith.addi %add3A, %add3A_433 : i32
    %mul3A_435 = arith.constant 200 : i32
    %mul3A_436 = arith.muli %add3A_434, %mul3A_435 : i32
    %dma_start3A_437 = arith.constant 0 : i32
    %dma_start3A_438 = arith.constant 0 : i32
    %dma_start3A_439 = tpu.memref_slice %arg2[%dma_start3A_437, %dma_start3A_438] : memref<100000x128xf32, #tpu.memory_space<hbm>> -> memref<100000x128xf32, #tpu.memory_space<hbm>>
    tpu.enqueue_indirect_dma source(%dma_start3A_439 : memref<100000x128xf32, #tpu.memory_space<hbm>>) target(%arg22 : memref<200x128xf32, #tpu.memory_space<vmem>>) offsets(%arg14 : memref<200xi32, #tpu.memory_space<vmem>>) semaphore(%arg27 : memref<!tpu.dma_semaphore, #tpu.memory_space<semaphore_mem>>)
    %dma_start3A_440 = arith.constant 0 : i32
    %dma_start3A_441 = tpu.memref_slice %arg3[%mul3A_436, %dma_start3A_440] : memref<100000x128xf32, #tpu.memory_space<hbm>> -> memref<200x128xf32, #tpu.memory_space<hbm>>
    %dma_start3A_442 = arith.constant 0 : i32
    %dma_start3A_443 = tpu.memref_slice %arg3[%mul3A_436, %dma_start3A_442] : memref<100000x128xf32, #tpu.memory_space<hbm>> -> memref<200x128xf32, #tpu.memory_space<hbm>>
    tpu.enqueue_dma source(%dma_start3A_443 : memref<200x128xf32, #tpu.memory_space<hbm>>) target(%arg24 : memref<200x128xf32, #tpu.memory_space<vmem>>) target_semaphore(%arg29 : memref<!tpu.dma_semaphore, #tpu.memory_space<semaphore_mem>>)
    %add3A_444 = arith.constant 224 : i32
    %add3A_445 = arith.addi %add3A, %add3A_444 : i32
    %mul3A_446 = arith.constant 200 : i32
    %mul3A_447 = arith.muli %add3A_445, %mul3A_446 : i32
    %add3A_448 = arith.constant 224 : i32
    %add3A_449 = arith.addi %add3A, %add3A_448 : i32
    %mul3A_450 = arith.constant 200 : i32
    %mul3A_451 = arith.muli %add3A_449, %mul3A_450 : i32
    %dma_wait3A_452 = arith.constant 0 : i32
    %dma_wait3A_453 = arith.constant 0 : i32
    %dma_wait3A_454 = tpu.memref_slice %arg2[%dma_wait3A_452, %dma_wait3A_453] : memref<100000x128xf32, #tpu.memory_space<hbm>> -> memref<100000x128xf32, #tpu.memory_space<hbm>>
    tpu.wait_indirect_dma semaphore(%arg28 : memref<!tpu.dma_semaphore, #tpu.memory_space<semaphore_mem>>) src(%dma_wait3A_454 : memref<100000x128xf32, #tpu.memory_space<hbm>>) dst(%arg23 : memref<200x128xf32, #tpu.memory_space<vmem>>)
    %dma_wait3A_455 = arith.constant 0 : i32
    %dma_wait3A_456 = tpu.memref_slice %arg3[%mul3A_394, %dma_wait3A_455] : memref<100000x128xf32, #tpu.memory_space<hbm>> -> memref<200x128xf32, #tpu.memory_space<hbm>>
    %dma_wait3A_457 = arith.constant 0 : i32
    %dma_wait3A_458 = tpu.memref_slice %arg3[%mul3A_394, %dma_wait3A_457] : memref<100000x128xf32, #tpu.memory_space<hbm>> -> memref<200x128xf32, #tpu.memory_space<hbm>>
    tpu.wait_dma2 semaphore(%arg30 : memref<!tpu.dma_semaphore, #tpu.memory_space<semaphore_mem>>) src(%dma_wait3A_458 : memref<200x128xf32, #tpu.memory_space<hbm>>) dst(%arg25 : memref<200x128xf32, #tpu.memory_space<vmem>>)
    %dma_start3A_459 = arith.constant 0 : i32
    %dma_start3A_460 = tpu.memref_slice %arg5[%mul3A_447, %dma_start3A_459] : memref<100000x256xf32, #tpu.memory_space<hbm>> -> memref<200x128xf32, #tpu.memory_space<hbm>>
    %dma_start3A_461 = arith.constant 0 : i32
    %dma_start3A_462 = tpu.memref_slice %arg5[%mul3A_447, %dma_start3A_461] : memref<100000x256xf32, #tpu.memory_space<hbm>> -> memref<200x128xf32, #tpu.memory_space<hbm>>
    tpu.enqueue_dma source(%arg23 : memref<200x128xf32, #tpu.memory_space<vmem>>) target(%dma_start3A_462 : memref<200x128xf32, #tpu.memory_space<hbm>>) target_semaphore(%arg32 : memref<!tpu.dma_semaphore, #tpu.memory_space<semaphore_mem>>)
    %dma_start3A_463 = arith.constant 128 : i32
    %dma_start3A_464 = tpu.memref_slice %arg5[%mul3A_451, %dma_start3A_463] : memref<100000x256xf32, #tpu.memory_space<hbm>> -> memref<200x128xf32, #tpu.memory_space<hbm>>
    %dma_start3A_465 = arith.constant 128 : i32
    %dma_start3A_466 = tpu.memref_slice %arg5[%mul3A_451, %dma_start3A_465] : memref<100000x256xf32, #tpu.memory_space<hbm>> -> memref<200x128xf32, #tpu.memory_space<hbm>>
    tpu.enqueue_dma source(%arg25 : memref<200x128xf32, #tpu.memory_space<vmem>>) target(%dma_start3A_466 : memref<200x128xf32, #tpu.memory_space<hbm>>) target_semaphore(%arg34 : memref<!tpu.dma_semaphore, #tpu.memory_space<semaphore_mem>>)
    %dma_wait3A_467 = arith.constant 0 : i32
    %dma_wait3A_468 = tpu.memref_slice %arg5[%mul3A_447, %dma_wait3A_467] : memref<100000x256xf32, #tpu.memory_space<hbm>> -> memref<200x128xf32, #tpu.memory_space<hbm>>
    %dma_wait3A_469 = arith.constant 0 : i32
    %dma_wait3A_470 = tpu.memref_slice %arg5[%mul3A_447, %dma_wait3A_469] : memref<100000x256xf32, #tpu.memory_space<hbm>> -> memref<200x128xf32, #tpu.memory_space<hbm>>
    tpu.wait_dma2 semaphore(%arg32 : memref<!tpu.dma_semaphore, #tpu.memory_space<semaphore_mem>>) src(%arg23 : memref<200x128xf32, #tpu.memory_space<vmem>>) dst(%dma_wait3A_470 : memref<200x128xf32, #tpu.memory_space<hbm>>)
    %dma_wait3A_471 = arith.constant 128 : i32
    %dma_wait3A_472 = tpu.memref_slice %arg5[%mul3A_451, %dma_wait3A_471] : memref<100000x256xf32, #tpu.memory_space<hbm>> -> memref<200x128xf32, #tpu.memory_space<hbm>>
    %dma_wait3A_473 = arith.constant 128 : i32
    %dma_wait3A_474 = tpu.memref_slice %arg5[%mul3A_451, %dma_wait3A_473] : memref<100000x256xf32, #tpu.memory_space<hbm>> -> memref<200x128xf32, #tpu.memory_space<hbm>>
    tpu.wait_dma2 semaphore(%arg34 : memref<!tpu.dma_semaphore, #tpu.memory_space<semaphore_mem>>) src(%arg25 : memref<200x128xf32, #tpu.memory_space<vmem>>) dst(%dma_wait3A_474 : memref<200x128xf32, #tpu.memory_space<hbm>>)
    %add3A_475 = arith.constant 288 : i32
    %add3A_476 = arith.addi %add3A, %add3A_475 : i32
    %mul3A_477 = arith.constant 200 : i32
    %mul3A_478 = arith.muli %add3A_476, %mul3A_477 : i32
    %dma_start3A_479 = arith.constant 0 : i32
    %dma_start3A_480 = arith.constant 0 : i32
    %dma_start3A_481 = tpu.memref_slice %arg2[%dma_start3A_479, %dma_start3A_480] : memref<100000x128xf32, #tpu.memory_space<hbm>> -> memref<100000x128xf32, #tpu.memory_space<hbm>>
    tpu.enqueue_indirect_dma source(%dma_start3A_481 : memref<100000x128xf32, #tpu.memory_space<hbm>>) target(%arg23 : memref<200x128xf32, #tpu.memory_space<vmem>>) offsets(%arg15 : memref<200xi32, #tpu.memory_space<vmem>>) semaphore(%arg28 : memref<!tpu.dma_semaphore, #tpu.memory_space<semaphore_mem>>)
    %dma_start3A_482 = arith.constant 0 : i32
    %dma_start3A_483 = tpu.memref_slice %arg3[%mul3A_478, %dma_start3A_482] : memref<100000x128xf32, #tpu.memory_space<hbm>> -> memref<200x128xf32, #tpu.memory_space<hbm>>
    %dma_start3A_484 = arith.constant 0 : i32
    %dma_start3A_485 = tpu.memref_slice %arg3[%mul3A_478, %dma_start3A_484] : memref<100000x128xf32, #tpu.memory_space<hbm>> -> memref<200x128xf32, #tpu.memory_space<hbm>>
    tpu.enqueue_dma source(%dma_start3A_485 : memref<200x128xf32, #tpu.memory_space<hbm>>) target(%arg25 : memref<200x128xf32, #tpu.memory_space<vmem>>) target_semaphore(%arg30 : memref<!tpu.dma_semaphore, #tpu.memory_space<semaphore_mem>>)
    %add3A_486 = arith.constant 256 : i32
    %add3A_487 = arith.addi %add3A, %add3A_486 : i32
    %mul3A_488 = arith.constant 200 : i32
    %mul3A_489 = arith.muli %add3A_487, %mul3A_488 : i32
    %add3A_490 = arith.constant 256 : i32
    %add3A_491 = arith.addi %add3A, %add3A_490 : i32
    %mul3A_492 = arith.constant 200 : i32
    %mul3A_493 = arith.muli %add3A_491, %mul3A_492 : i32
    %dma_wait3A_494 = arith.constant 0 : i32
    %dma_wait3A_495 = arith.constant 0 : i32
    %dma_wait3A_496 = tpu.memref_slice %arg2[%dma_wait3A_494, %dma_wait3A_495] : memref<100000x128xf32, #tpu.memory_space<hbm>> -> memref<100000x128xf32, #tpu.memory_space<hbm>>
    tpu.wait_indirect_dma semaphore(%arg27 : memref<!tpu.dma_semaphore, #tpu.memory_space<semaphore_mem>>) src(%dma_wait3A_496 : memref<100000x128xf32, #tpu.memory_space<hbm>>) dst(%arg22 : memref<200x128xf32, #tpu.memory_space<vmem>>)
    %dma_wait3A_497 = arith.constant 0 : i32
    %dma_wait3A_498 = tpu.memref_slice %arg3[%mul3A_436, %dma_wait3A_497] : memref<100000x128xf32, #tpu.memory_space<hbm>> -> memref<200x128xf32, #tpu.memory_space<hbm>>
    %dma_wait3A_499 = arith.constant 0 : i32
    %dma_wait3A_500 = tpu.memref_slice %arg3[%mul3A_436, %dma_wait3A_499] : memref<100000x128xf32, #tpu.memory_space<hbm>> -> memref<200x128xf32, #tpu.memory_space<hbm>>
    tpu.wait_dma2 semaphore(%arg29 : memref<!tpu.dma_semaphore, #tpu.memory_space<semaphore_mem>>) src(%dma_wait3A_500 : memref<200x128xf32, #tpu.memory_space<hbm>>) dst(%arg24 : memref<200x128xf32, #tpu.memory_space<vmem>>)
    %dma_start3A_501 = arith.constant 0 : i32
    %dma_start3A_502 = tpu.memref_slice %arg5[%mul3A_489, %dma_start3A_501] : memref<100000x256xf32, #tpu.memory_space<hbm>> -> memref<200x128xf32, #tpu.memory_space<hbm>>
    %dma_start3A_503 = arith.constant 0 : i32
    %dma_start3A_504 = tpu.memref_slice %arg5[%mul3A_489, %dma_start3A_503] : memref<100000x256xf32, #tpu.memory_space<hbm>> -> memref<200x128xf32, #tpu.memory_space<hbm>>
    tpu.enqueue_dma source(%arg22 : memref<200x128xf32, #tpu.memory_space<vmem>>) target(%dma_start3A_504 : memref<200x128xf32, #tpu.memory_space<hbm>>) target_semaphore(%arg31 : memref<!tpu.dma_semaphore, #tpu.memory_space<semaphore_mem>>)
    %dma_start3A_505 = arith.constant 128 : i32
    %dma_start3A_506 = tpu.memref_slice %arg5[%mul3A_493, %dma_start3A_505] : memref<100000x256xf32, #tpu.memory_space<hbm>> -> memref<200x128xf32, #tpu.memory_space<hbm>>
    %dma_start3A_507 = arith.constant 128 : i32
    %dma_start3A_508 = tpu.memref_slice %arg5[%mul3A_493, %dma_start3A_507] : memref<100000x256xf32, #tpu.memory_space<hbm>> -> memref<200x128xf32, #tpu.memory_space<hbm>>
    tpu.enqueue_dma source(%arg24 : memref<200x128xf32, #tpu.memory_space<vmem>>) target(%dma_start3A_508 : memref<200x128xf32, #tpu.memory_space<hbm>>) target_semaphore(%arg33 : memref<!tpu.dma_semaphore, #tpu.memory_space<semaphore_mem>>)
    %dma_wait3A_509 = arith.constant 0 : i32
    %dma_wait3A_510 = tpu.memref_slice %arg5[%mul3A_489, %dma_wait3A_509] : memref<100000x256xf32, #tpu.memory_space<hbm>> -> memref<200x128xf32, #tpu.memory_space<hbm>>
    %dma_wait3A_511 = arith.constant 0 : i32
    %dma_wait3A_512 = tpu.memref_slice %arg5[%mul3A_489, %dma_wait3A_511] : memref<100000x256xf32, #tpu.memory_space<hbm>> -> memref<200x128xf32, #tpu.memory_space<hbm>>
    tpu.wait_dma2 semaphore(%arg31 : memref<!tpu.dma_semaphore, #tpu.memory_space<semaphore_mem>>) src(%arg22 : memref<200x128xf32, #tpu.memory_space<vmem>>) dst(%dma_wait3A_512 : memref<200x128xf32, #tpu.memory_space<hbm>>)
    %dma_wait3A_513 = arith.constant 128 : i32
    %dma_wait3A_514 = tpu.memref_slice %arg5[%mul3A_493, %dma_wait3A_513] : memref<100000x256xf32, #tpu.memory_space<hbm>> -> memref<200x128xf32, #tpu.memory_space<hbm>>
    %dma_wait3A_515 = arith.constant 128 : i32
    %dma_wait3A_516 = tpu.memref_slice %arg5[%mul3A_493, %dma_wait3A_515] : memref<100000x256xf32, #tpu.memory_space<hbm>> -> memref<200x128xf32, #tpu.memory_space<hbm>>
    tpu.wait_dma2 semaphore(%arg33 : memref<!tpu.dma_semaphore, #tpu.memory_space<semaphore_mem>>) src(%arg24 : memref<200x128xf32, #tpu.memory_space<vmem>>) dst(%dma_wait3A_516 : memref<200x128xf32, #tpu.memory_space<hbm>>)
    %add3A_517 = arith.constant 320 : i32
    %add3A_518 = arith.addi %add3A, %add3A_517 : i32
    %mul3A_519 = arith.constant 200 : i32
    %mul3A_520 = arith.muli %add3A_518, %mul3A_519 : i32
    %dma_start3A_521 = arith.constant 0 : i32
    %dma_start3A_522 = arith.constant 0 : i32
    %dma_start3A_523 = tpu.memref_slice %arg2[%dma_start3A_521, %dma_start3A_522] : memref<100000x128xf32, #tpu.memory_space<hbm>> -> memref<100000x128xf32, #tpu.memory_space<hbm>>
    tpu.enqueue_indirect_dma source(%dma_start3A_523 : memref<100000x128xf32, #tpu.memory_space<hbm>>) target(%arg22 : memref<200x128xf32, #tpu.memory_space<vmem>>) offsets(%arg16 : memref<200xi32, #tpu.memory_space<vmem>>) semaphore(%arg27 : memref<!tpu.dma_semaphore, #tpu.memory_space<semaphore_mem>>)
    %dma_start3A_524 = arith.constant 0 : i32
    %dma_start3A_525 = tpu.memref_slice %arg3[%mul3A_520, %dma_start3A_524] : memref<100000x128xf32, #tpu.memory_space<hbm>> -> memref<200x128xf32, #tpu.memory_space<hbm>>
    %dma_start3A_526 = arith.constant 0 : i32
    %dma_start3A_527 = tpu.memref_slice %arg3[%mul3A_520, %dma_start3A_526] : memref<100000x128xf32, #tpu.memory_space<hbm>> -> memref<200x128xf32, #tpu.memory_space<hbm>>
    tpu.enqueue_dma source(%dma_start3A_527 : memref<200x128xf32, #tpu.memory_space<hbm>>) target(%arg24 : memref<200x128xf32, #tpu.memory_space<vmem>>) target_semaphore(%arg29 : memref<!tpu.dma_semaphore, #tpu.memory_space<semaphore_mem>>)
    %add3A_528 = arith.constant 288 : i32
    %add3A_529 = arith.addi %add3A, %add3A_528 : i32
    %mul3A_530 = arith.constant 200 : i32
    %mul3A_531 = arith.muli %add3A_529, %mul3A_530 : i32
    %add3A_532 = arith.constant 288 : i32
    %add3A_533 = arith.addi %add3A, %add3A_532 : i32
    %mul3A_534 = arith.constant 200 : i32
    %mul3A_535 = arith.muli %add3A_533, %mul3A_534 : i32
    %dma_wait3A_536 = arith.constant 0 : i32
    %dma_wait3A_537 = arith.constant 0 : i32
    %dma_wait3A_538 = tpu.memref_slice %arg2[%dma_wait3A_536, %dma_wait3A_537] : memref<100000x128xf32, #tpu.memory_space<hbm>> -> memref<100000x128xf32, #tpu.memory_space<hbm>>
    tpu.wait_indirect_dma semaphore(%arg28 : memref<!tpu.dma_semaphore, #tpu.memory_space<semaphore_mem>>) src(%dma_wait3A_538 : memref<100000x128xf32, #tpu.memory_space<hbm>>) dst(%arg23 : memref<200x128xf32, #tpu.memory_space<vmem>>)
    %dma_wait3A_539 = arith.constant 0 : i32
    %dma_wait3A_540 = tpu.memref_slice %arg3[%mul3A_478, %dma_wait3A_539] : memref<100000x128xf32, #tpu.memory_space<hbm>> -> memref<200x128xf32, #tpu.memory_space<hbm>>
    %dma_wait3A_541 = arith.constant 0 : i32
    %dma_wait3A_542 = tpu.memref_slice %arg3[%mul3A_478, %dma_wait3A_541] : memref<100000x128xf32, #tpu.memory_space<hbm>> -> memref<200x128xf32, #tpu.memory_space<hbm>>
    tpu.wait_dma2 semaphore(%arg30 : memref<!tpu.dma_semaphore, #tpu.memory_space<semaphore_mem>>) src(%dma_wait3A_542 : memref<200x128xf32, #tpu.memory_space<hbm>>) dst(%arg25 : memref<200x128xf32, #tpu.memory_space<vmem>>)
    %dma_start3A_543 = arith.constant 0 : i32
    %dma_start3A_544 = tpu.memref_slice %arg5[%mul3A_531, %dma_start3A_543] : memref<100000x256xf32, #tpu.memory_space<hbm>> -> memref<200x128xf32, #tpu.memory_space<hbm>>
    %dma_start3A_545 = arith.constant 0 : i32
    %dma_start3A_546 = tpu.memref_slice %arg5[%mul3A_531, %dma_start3A_545] : memref<100000x256xf32, #tpu.memory_space<hbm>> -> memref<200x128xf32, #tpu.memory_space<hbm>>
    tpu.enqueue_dma source(%arg23 : memref<200x128xf32, #tpu.memory_space<vmem>>) target(%dma_start3A_546 : memref<200x128xf32, #tpu.memory_space<hbm>>) target_semaphore(%arg32 : memref<!tpu.dma_semaphore, #tpu.memory_space<semaphore_mem>>)
    %dma_start3A_547 = arith.constant 128 : i32
    %dma_start3A_548 = tpu.memref_slice %arg5[%mul3A_535, %dma_start3A_547] : memref<100000x256xf32, #tpu.memory_space<hbm>> -> memref<200x128xf32, #tpu.memory_space<hbm>>
    %dma_start3A_549 = arith.constant 128 : i32
    %dma_start3A_550 = tpu.memref_slice %arg5[%mul3A_535, %dma_start3A_549] : memref<100000x256xf32, #tpu.memory_space<hbm>> -> memref<200x128xf32, #tpu.memory_space<hbm>>
    tpu.enqueue_dma source(%arg25 : memref<200x128xf32, #tpu.memory_space<vmem>>) target(%dma_start3A_550 : memref<200x128xf32, #tpu.memory_space<hbm>>) target_semaphore(%arg34 : memref<!tpu.dma_semaphore, #tpu.memory_space<semaphore_mem>>)
    %dma_wait3A_551 = arith.constant 0 : i32
    %dma_wait3A_552 = tpu.memref_slice %arg5[%mul3A_531, %dma_wait3A_551] : memref<100000x256xf32, #tpu.memory_space<hbm>> -> memref<200x128xf32, #tpu.memory_space<hbm>>
    %dma_wait3A_553 = arith.constant 0 : i32
    %dma_wait3A_554 = tpu.memref_slice %arg5[%mul3A_531, %dma_wait3A_553] : memref<100000x256xf32, #tpu.memory_space<hbm>> -> memref<200x128xf32, #tpu.memory_space<hbm>>
    tpu.wait_dma2 semaphore(%arg32 : memref<!tpu.dma_semaphore, #tpu.memory_space<semaphore_mem>>) src(%arg23 : memref<200x128xf32, #tpu.memory_space<vmem>>) dst(%dma_wait3A_554 : memref<200x128xf32, #tpu.memory_space<hbm>>)
    %dma_wait3A_555 = arith.constant 128 : i32
    %dma_wait3A_556 = tpu.memref_slice %arg5[%mul3A_535, %dma_wait3A_555] : memref<100000x256xf32, #tpu.memory_space<hbm>> -> memref<200x128xf32, #tpu.memory_space<hbm>>
    %dma_wait3A_557 = arith.constant 128 : i32
    %dma_wait3A_558 = tpu.memref_slice %arg5[%mul3A_535, %dma_wait3A_557] : memref<100000x256xf32, #tpu.memory_space<hbm>> -> memref<200x128xf32, #tpu.memory_space<hbm>>
    tpu.wait_dma2 semaphore(%arg34 : memref<!tpu.dma_semaphore, #tpu.memory_space<semaphore_mem>>) src(%arg25 : memref<200x128xf32, #tpu.memory_space<vmem>>) dst(%dma_wait3A_558 : memref<200x128xf32, #tpu.memory_space<hbm>>)
    %add3A_559 = arith.constant 352 : i32
    %add3A_560 = arith.addi %add3A, %add3A_559 : i32
    %mul3A_561 = arith.constant 200 : i32
    %mul3A_562 = arith.muli %add3A_560, %mul3A_561 : i32
    %dma_start3A_563 = arith.constant 0 : i32
    %dma_start3A_564 = arith.constant 0 : i32
    %dma_start3A_565 = tpu.memref_slice %arg2[%dma_start3A_563, %dma_start3A_564] : memref<100000x128xf32, #tpu.memory_space<hbm>> -> memref<100000x128xf32, #tpu.memory_space<hbm>>
    tpu.enqueue_indirect_dma source(%dma_start3A_565 : memref<100000x128xf32, #tpu.memory_space<hbm>>) target(%arg23 : memref<200x128xf32, #tpu.memory_space<vmem>>) offsets(%arg17 : memref<200xi32, #tpu.memory_space<vmem>>) semaphore(%arg28 : memref<!tpu.dma_semaphore, #tpu.memory_space<semaphore_mem>>)
    %dma_start3A_566 = arith.constant 0 : i32
    %dma_start3A_567 = tpu.memref_slice %arg3[%mul3A_562, %dma_start3A_566] : memref<100000x128xf32, #tpu.memory_space<hbm>> -> memref<200x128xf32, #tpu.memory_space<hbm>>
    %dma_start3A_568 = arith.constant 0 : i32
    %dma_start3A_569 = tpu.memref_slice %arg3[%mul3A_562, %dma_start3A_568] : memref<100000x128xf32, #tpu.memory_space<hbm>> -> memref<200x128xf32, #tpu.memory_space<hbm>>
    tpu.enqueue_dma source(%dma_start3A_569 : memref<200x128xf32, #tpu.memory_space<hbm>>) target(%arg25 : memref<200x128xf32, #tpu.memory_space<vmem>>) target_semaphore(%arg30 : memref<!tpu.dma_semaphore, #tpu.memory_space<semaphore_mem>>)
    %add3A_570 = arith.constant 320 : i32
    %add3A_571 = arith.addi %add3A, %add3A_570 : i32
    %mul3A_572 = arith.constant 200 : i32
    %mul3A_573 = arith.muli %add3A_571, %mul3A_572 : i32
    %add3A_574 = arith.constant 320 : i32
    %add3A_575 = arith.addi %add3A, %add3A_574 : i32
    %mul3A_576 = arith.constant 200 : i32
    %mul3A_577 = arith.muli %add3A_575, %mul3A_576 : i32
    %dma_wait3A_578 = arith.constant 0 : i32
    %dma_wait3A_579 = arith.constant 0 : i32
    %dma_wait3A_580 = tpu.memref_slice %arg2[%dma_wait3A_578, %dma_wait3A_579] : memref<100000x128xf32, #tpu.memory_space<hbm>> -> memref<100000x128xf32, #tpu.memory_space<hbm>>
    tpu.wait_indirect_dma semaphore(%arg27 : memref<!tpu.dma_semaphore, #tpu.memory_space<semaphore_mem>>) src(%dma_wait3A_580 : memref<100000x128xf32, #tpu.memory_space<hbm>>) dst(%arg22 : memref<200x128xf32, #tpu.memory_space<vmem>>)
    %dma_wait3A_581 = arith.constant 0 : i32
    %dma_wait3A_582 = tpu.memref_slice %arg3[%mul3A_520, %dma_wait3A_581] : memref<100000x128xf32, #tpu.memory_space<hbm>> -> memref<200x128xf32, #tpu.memory_space<hbm>>
    %dma_wait3A_583 = arith.constant 0 : i32
    %dma_wait3A_584 = tpu.memref_slice %arg3[%mul3A_520, %dma_wait3A_583] : memref<100000x128xf32, #tpu.memory_space<hbm>> -> memref<200x128xf32, #tpu.memory_space<hbm>>
    tpu.wait_dma2 semaphore(%arg29 : memref<!tpu.dma_semaphore, #tpu.memory_space<semaphore_mem>>) src(%dma_wait3A_584 : memref<200x128xf32, #tpu.memory_space<hbm>>) dst(%arg24 : memref<200x128xf32, #tpu.memory_space<vmem>>)
    %dma_start3A_585 = arith.constant 0 : i32
    %dma_start3A_586 = tpu.memref_slice %arg5[%mul3A_573, %dma_start3A_585] : memref<100000x256xf32, #tpu.memory_space<hbm>> -> memref<200x128xf32, #tpu.memory_space<hbm>>
    %dma_start3A_587 = arith.constant 0 : i32
    %dma_start3A_588 = tpu.memref_slice %arg5[%mul3A_573, %dma_start3A_587] : memref<100000x256xf32, #tpu.memory_space<hbm>> -> memref<200x128xf32, #tpu.memory_space<hbm>>
    tpu.enqueue_dma source(%arg22 : memref<200x128xf32, #tpu.memory_space<vmem>>) target(%dma_start3A_588 : memref<200x128xf32, #tpu.memory_space<hbm>>) target_semaphore(%arg31 : memref<!tpu.dma_semaphore, #tpu.memory_space<semaphore_mem>>)
    %dma_start3A_589 = arith.constant 128 : i32
    %dma_start3A_590 = tpu.memref_slice %arg5[%mul3A_577, %dma_start3A_589] : memref<100000x256xf32, #tpu.memory_space<hbm>> -> memref<200x128xf32, #tpu.memory_space<hbm>>
    %dma_start3A_591 = arith.constant 128 : i32
    %dma_start3A_592 = tpu.memref_slice %arg5[%mul3A_577, %dma_start3A_591] : memref<100000x256xf32, #tpu.memory_space<hbm>> -> memref<200x128xf32, #tpu.memory_space<hbm>>
    tpu.enqueue_dma source(%arg24 : memref<200x128xf32, #tpu.memory_space<vmem>>) target(%dma_start3A_592 : memref<200x128xf32, #tpu.memory_space<hbm>>) target_semaphore(%arg33 : memref<!tpu.dma_semaphore, #tpu.memory_space<semaphore_mem>>)
    %dma_wait3A_593 = arith.constant 0 : i32
    %dma_wait3A_594 = tpu.memref_slice %arg5[%mul3A_573, %dma_wait3A_593] : memref<100000x256xf32, #tpu.memory_space<hbm>> -> memref<200x128xf32, #tpu.memory_space<hbm>>
    %dma_wait3A_595 = arith.constant 0 : i32
    %dma_wait3A_596 = tpu.memref_slice %arg5[%mul3A_573, %dma_wait3A_595] : memref<100000x256xf32, #tpu.memory_space<hbm>> -> memref<200x128xf32, #tpu.memory_space<hbm>>
    tpu.wait_dma2 semaphore(%arg31 : memref<!tpu.dma_semaphore, #tpu.memory_space<semaphore_mem>>) src(%arg22 : memref<200x128xf32, #tpu.memory_space<vmem>>) dst(%dma_wait3A_596 : memref<200x128xf32, #tpu.memory_space<hbm>>)
    %dma_wait3A_597 = arith.constant 128 : i32
    %dma_wait3A_598 = tpu.memref_slice %arg5[%mul3A_577, %dma_wait3A_597] : memref<100000x256xf32, #tpu.memory_space<hbm>> -> memref<200x128xf32, #tpu.memory_space<hbm>>
    %dma_wait3A_599 = arith.constant 128 : i32
    %dma_wait3A_600 = tpu.memref_slice %arg5[%mul3A_577, %dma_wait3A_599] : memref<100000x256xf32, #tpu.memory_space<hbm>> -> memref<200x128xf32, #tpu.memory_space<hbm>>
    tpu.wait_dma2 semaphore(%arg33 : memref<!tpu.dma_semaphore, #tpu.memory_space<semaphore_mem>>) src(%arg24 : memref<200x128xf32, #tpu.memory_space<vmem>>) dst(%dma_wait3A_600 : memref<200x128xf32, #tpu.memory_space<hbm>>)
    %add3A_601 = arith.constant 384 : i32
    %add3A_602 = arith.addi %add3A, %add3A_601 : i32
    %mul3A_603 = arith.constant 200 : i32
    %mul3A_604 = arith.muli %add3A_602, %mul3A_603 : i32
    %dma_start3A_605 = arith.constant 0 : i32
    %dma_start3A_606 = arith.constant 0 : i32
    %dma_start3A_607 = tpu.memref_slice %arg2[%dma_start3A_605, %dma_start3A_606] : memref<100000x128xf32, #tpu.memory_space<hbm>> -> memref<100000x128xf32, #tpu.memory_space<hbm>>
    tpu.enqueue_indirect_dma source(%dma_start3A_607 : memref<100000x128xf32, #tpu.memory_space<hbm>>) target(%arg22 : memref<200x128xf32, #tpu.memory_space<vmem>>) offsets(%arg18 : memref<200xi32, #tpu.memory_space<vmem>>) semaphore(%arg27 : memref<!tpu.dma_semaphore, #tpu.memory_space<semaphore_mem>>)
    %dma_start3A_608 = arith.constant 0 : i32
    %dma_start3A_609 = tpu.memref_slice %arg3[%mul3A_604, %dma_start3A_608] : memref<100000x128xf32, #tpu.memory_space<hbm>> -> memref<200x128xf32, #tpu.memory_space<hbm>>
    %dma_start3A_610 = arith.constant 0 : i32
    %dma_start3A_611 = tpu.memref_slice %arg3[%mul3A_604, %dma_start3A_610] : memref<100000x128xf32, #tpu.memory_space<hbm>> -> memref<200x128xf32, #tpu.memory_space<hbm>>
    tpu.enqueue_dma source(%dma_start3A_611 : memref<200x128xf32, #tpu.memory_space<hbm>>) target(%arg24 : memref<200x128xf32, #tpu.memory_space<vmem>>) target_semaphore(%arg29 : memref<!tpu.dma_semaphore, #tpu.memory_space<semaphore_mem>>)
    %add3A_612 = arith.constant 352 : i32
    %add3A_613 = arith.addi %add3A, %add3A_612 : i32
    %mul3A_614 = arith.constant 200 : i32
    %mul3A_615 = arith.muli %add3A_613, %mul3A_614 : i32
    %add3A_616 = arith.constant 352 : i32
    %add3A_617 = arith.addi %add3A, %add3A_616 : i32
    %mul3A_618 = arith.constant 200 : i32
    %mul3A_619 = arith.muli %add3A_617, %mul3A_618 : i32
    %dma_wait3A_620 = arith.constant 0 : i32
    %dma_wait3A_621 = arith.constant 0 : i32
    %dma_wait3A_622 = tpu.memref_slice %arg2[%dma_wait3A_620, %dma_wait3A_621] : memref<100000x128xf32, #tpu.memory_space<hbm>> -> memref<100000x128xf32, #tpu.memory_space<hbm>>
    tpu.wait_indirect_dma semaphore(%arg28 : memref<!tpu.dma_semaphore, #tpu.memory_space<semaphore_mem>>) src(%dma_wait3A_622 : memref<100000x128xf32, #tpu.memory_space<hbm>>) dst(%arg23 : memref<200x128xf32, #tpu.memory_space<vmem>>)
    %dma_wait3A_623 = arith.constant 0 : i32
    %dma_wait3A_624 = tpu.memref_slice %arg3[%mul3A_562, %dma_wait3A_623] : memref<100000x128xf32, #tpu.memory_space<hbm>> -> memref<200x128xf32, #tpu.memory_space<hbm>>
    %dma_wait3A_625 = arith.constant 0 : i32
    %dma_wait3A_626 = tpu.memref_slice %arg3[%mul3A_562, %dma_wait3A_625] : memref<100000x128xf32, #tpu.memory_space<hbm>> -> memref<200x128xf32, #tpu.memory_space<hbm>>
    tpu.wait_dma2 semaphore(%arg30 : memref<!tpu.dma_semaphore, #tpu.memory_space<semaphore_mem>>) src(%dma_wait3A_626 : memref<200x128xf32, #tpu.memory_space<hbm>>) dst(%arg25 : memref<200x128xf32, #tpu.memory_space<vmem>>)
    %dma_start3A_627 = arith.constant 0 : i32
    %dma_start3A_628 = tpu.memref_slice %arg5[%mul3A_615, %dma_start3A_627] : memref<100000x256xf32, #tpu.memory_space<hbm>> -> memref<200x128xf32, #tpu.memory_space<hbm>>
    %dma_start3A_629 = arith.constant 0 : i32
    %dma_start3A_630 = tpu.memref_slice %arg5[%mul3A_615, %dma_start3A_629] : memref<100000x256xf32, #tpu.memory_space<hbm>> -> memref<200x128xf32, #tpu.memory_space<hbm>>
    tpu.enqueue_dma source(%arg23 : memref<200x128xf32, #tpu.memory_space<vmem>>) target(%dma_start3A_630 : memref<200x128xf32, #tpu.memory_space<hbm>>) target_semaphore(%arg32 : memref<!tpu.dma_semaphore, #tpu.memory_space<semaphore_mem>>)
    %dma_start3A_631 = arith.constant 128 : i32
    %dma_start3A_632 = tpu.memref_slice %arg5[%mul3A_619, %dma_start3A_631] : memref<100000x256xf32, #tpu.memory_space<hbm>> -> memref<200x128xf32, #tpu.memory_space<hbm>>
    %dma_start3A_633 = arith.constant 128 : i32
    %dma_start3A_634 = tpu.memref_slice %arg5[%mul3A_619, %dma_start3A_633] : memref<100000x256xf32, #tpu.memory_space<hbm>> -> memref<200x128xf32, #tpu.memory_space<hbm>>
    tpu.enqueue_dma source(%arg25 : memref<200x128xf32, #tpu.memory_space<vmem>>) target(%dma_start3A_634 : memref<200x128xf32, #tpu.memory_space<hbm>>) target_semaphore(%arg34 : memref<!tpu.dma_semaphore, #tpu.memory_space<semaphore_mem>>)
    %dma_wait3A_635 = arith.constant 0 : i32
    %dma_wait3A_636 = tpu.memref_slice %arg5[%mul3A_615, %dma_wait3A_635] : memref<100000x256xf32, #tpu.memory_space<hbm>> -> memref<200x128xf32, #tpu.memory_space<hbm>>
    %dma_wait3A_637 = arith.constant 0 : i32
    %dma_wait3A_638 = tpu.memref_slice %arg5[%mul3A_615, %dma_wait3A_637] : memref<100000x256xf32, #tpu.memory_space<hbm>> -> memref<200x128xf32, #tpu.memory_space<hbm>>
    tpu.wait_dma2 semaphore(%arg32 : memref<!tpu.dma_semaphore, #tpu.memory_space<semaphore_mem>>) src(%arg23 : memref<200x128xf32, #tpu.memory_space<vmem>>) dst(%dma_wait3A_638 : memref<200x128xf32, #tpu.memory_space<hbm>>)
    %dma_wait3A_639 = arith.constant 128 : i32
    %dma_wait3A_640 = tpu.memref_slice %arg5[%mul3A_619, %dma_wait3A_639] : memref<100000x256xf32, #tpu.memory_space<hbm>> -> memref<200x128xf32, #tpu.memory_space<hbm>>
    %dma_wait3A_641 = arith.constant 128 : i32
    %dma_wait3A_642 = tpu.memref_slice %arg5[%mul3A_619, %dma_wait3A_641] : memref<100000x256xf32, #tpu.memory_space<hbm>> -> memref<200x128xf32, #tpu.memory_space<hbm>>
    tpu.wait_dma2 semaphore(%arg34 : memref<!tpu.dma_semaphore, #tpu.memory_space<semaphore_mem>>) src(%arg25 : memref<200x128xf32, #tpu.memory_space<vmem>>) dst(%dma_wait3A_642 : memref<200x128xf32, #tpu.memory_space<hbm>>)
    %add3A_643 = arith.constant 416 : i32
    %add3A_644 = arith.addi %add3A, %add3A_643 : i32
    %mul3A_645 = arith.constant 200 : i32
    %mul3A_646 = arith.muli %add3A_644, %mul3A_645 : i32
    %dma_start3A_647 = arith.constant 0 : i32
    %dma_start3A_648 = arith.constant 0 : i32
    %dma_start3A_649 = tpu.memref_slice %arg2[%dma_start3A_647, %dma_start3A_648] : memref<100000x128xf32, #tpu.memory_space<hbm>> -> memref<100000x128xf32, #tpu.memory_space<hbm>>
    tpu.enqueue_indirect_dma source(%dma_start3A_649 : memref<100000x128xf32, #tpu.memory_space<hbm>>) target(%arg23 : memref<200x128xf32, #tpu.memory_space<vmem>>) offsets(%arg19 : memref<200xi32, #tpu.memory_space<vmem>>) semaphore(%arg28 : memref<!tpu.dma_semaphore, #tpu.memory_space<semaphore_mem>>)
    %dma_start3A_650 = arith.constant 0 : i32
    %dma_start3A_651 = tpu.memref_slice %arg3[%mul3A_646, %dma_start3A_650] : memref<100000x128xf32, #tpu.memory_space<hbm>> -> memref<200x128xf32, #tpu.memory_space<hbm>>
    %dma_start3A_652 = arith.constant 0 : i32
    %dma_start3A_653 = tpu.memref_slice %arg3[%mul3A_646, %dma_start3A_652] : memref<100000x128xf32, #tpu.memory_space<hbm>> -> memref<200x128xf32, #tpu.memory_space<hbm>>
    tpu.enqueue_dma source(%dma_start3A_653 : memref<200x128xf32, #tpu.memory_space<hbm>>) target(%arg25 : memref<200x128xf32, #tpu.memory_space<vmem>>) target_semaphore(%arg30 : memref<!tpu.dma_semaphore, #tpu.memory_space<semaphore_mem>>)
    %add3A_654 = arith.constant 384 : i32
    %add3A_655 = arith.addi %add3A, %add3A_654 : i32
    %mul3A_656 = arith.constant 200 : i32
    %mul3A_657 = arith.muli %add3A_655, %mul3A_656 : i32
    %add3A_658 = arith.constant 384 : i32
    %add3A_659 = arith.addi %add3A, %add3A_658 : i32
    %mul3A_660 = arith.constant 200 : i32
    %mul3A_661 = arith.muli %add3A_659, %mul3A_660 : i32
    %dma_wait3A_662 = arith.constant 0 : i32
    %dma_wait3A_663 = arith.constant 0 : i32
    %dma_wait3A_664 = tpu.memref_slice %arg2[%dma_wait3A_662, %dma_wait3A_663] : memref<100000x128xf32, #tpu.memory_space<hbm>> -> memref<100000x128xf32, #tpu.memory_space<hbm>>
    tpu.wait_indirect_dma semaphore(%arg27 : memref<!tpu.dma_semaphore, #tpu.memory_space<semaphore_mem>>) src(%dma_wait3A_664 : memref<100000x128xf32, #tpu.memory_space<hbm>>) dst(%arg22 : memref<200x128xf32, #tpu.memory_space<vmem>>)
    %dma_wait3A_665 = arith.constant 0 : i32
    %dma_wait3A_666 = tpu.memref_slice %arg3[%mul3A_604, %dma_wait3A_665] : memref<100000x128xf32, #tpu.memory_space<hbm>> -> memref<200x128xf32, #tpu.memory_space<hbm>>
    %dma_wait3A_667 = arith.constant 0 : i32
    %dma_wait3A_668 = tpu.memref_slice %arg3[%mul3A_604, %dma_wait3A_667] : memref<100000x128xf32, #tpu.memory_space<hbm>> -> memref<200x128xf32, #tpu.memory_space<hbm>>
    tpu.wait_dma2 semaphore(%arg29 : memref<!tpu.dma_semaphore, #tpu.memory_space<semaphore_mem>>) src(%dma_wait3A_668 : memref<200x128xf32, #tpu.memory_space<hbm>>) dst(%arg24 : memref<200x128xf32, #tpu.memory_space<vmem>>)
    %dma_start3A_669 = arith.constant 0 : i32
    %dma_start3A_670 = tpu.memref_slice %arg5[%mul3A_657, %dma_start3A_669] : memref<100000x256xf32, #tpu.memory_space<hbm>> -> memref<200x128xf32, #tpu.memory_space<hbm>>
    %dma_start3A_671 = arith.constant 0 : i32
    %dma_start3A_672 = tpu.memref_slice %arg5[%mul3A_657, %dma_start3A_671] : memref<100000x256xf32, #tpu.memory_space<hbm>> -> memref<200x128xf32, #tpu.memory_space<hbm>>
    tpu.enqueue_dma source(%arg22 : memref<200x128xf32, #tpu.memory_space<vmem>>) target(%dma_start3A_672 : memref<200x128xf32, #tpu.memory_space<hbm>>) target_semaphore(%arg31 : memref<!tpu.dma_semaphore, #tpu.memory_space<semaphore_mem>>)
    %dma_start3A_673 = arith.constant 128 : i32
    %dma_start3A_674 = tpu.memref_slice %arg5[%mul3A_661, %dma_start3A_673] : memref<100000x256xf32, #tpu.memory_space<hbm>> -> memref<200x128xf32, #tpu.memory_space<hbm>>
    %dma_start3A_675 = arith.constant 128 : i32
    %dma_start3A_676 = tpu.memref_slice %arg5[%mul3A_661, %dma_start3A_675] : memref<100000x256xf32, #tpu.memory_space<hbm>> -> memref<200x128xf32, #tpu.memory_space<hbm>>
    tpu.enqueue_dma source(%arg24 : memref<200x128xf32, #tpu.memory_space<vmem>>) target(%dma_start3A_676 : memref<200x128xf32, #tpu.memory_space<hbm>>) target_semaphore(%arg33 : memref<!tpu.dma_semaphore, #tpu.memory_space<semaphore_mem>>)
    %dma_wait3A_677 = arith.constant 0 : i32
    %dma_wait3A_678 = tpu.memref_slice %arg5[%mul3A_657, %dma_wait3A_677] : memref<100000x256xf32, #tpu.memory_space<hbm>> -> memref<200x128xf32, #tpu.memory_space<hbm>>
    %dma_wait3A_679 = arith.constant 0 : i32
    %dma_wait3A_680 = tpu.memref_slice %arg5[%mul3A_657, %dma_wait3A_679] : memref<100000x256xf32, #tpu.memory_space<hbm>> -> memref<200x128xf32, #tpu.memory_space<hbm>>
    tpu.wait_dma2 semaphore(%arg31 : memref<!tpu.dma_semaphore, #tpu.memory_space<semaphore_mem>>) src(%arg22 : memref<200x128xf32, #tpu.memory_space<vmem>>) dst(%dma_wait3A_680 : memref<200x128xf32, #tpu.memory_space<hbm>>)
    %dma_wait3A_681 = arith.constant 128 : i32
    %dma_wait3A_682 = tpu.memref_slice %arg5[%mul3A_661, %dma_wait3A_681] : memref<100000x256xf32, #tpu.memory_space<hbm>> -> memref<200x128xf32, #tpu.memory_space<hbm>>
    %dma_wait3A_683 = arith.constant 128 : i32
    %dma_wait3A_684 = tpu.memref_slice %arg5[%mul3A_661, %dma_wait3A_683] : memref<100000x256xf32, #tpu.memory_space<hbm>> -> memref<200x128xf32, #tpu.memory_space<hbm>>
    tpu.wait_dma2 semaphore(%arg33 : memref<!tpu.dma_semaphore, #tpu.memory_space<semaphore_mem>>) src(%arg24 : memref<200x128xf32, #tpu.memory_space<vmem>>) dst(%dma_wait3A_684 : memref<200x128xf32, #tpu.memory_space<hbm>>)
    %add3A_685 = arith.constant 448 : i32
    %add3A_686 = arith.addi %add3A, %add3A_685 : i32
    %mul3A_687 = arith.constant 200 : i32
    %mul3A_688 = arith.muli %add3A_686, %mul3A_687 : i32
    %dma_start3A_689 = arith.constant 0 : i32
    %dma_start3A_690 = arith.constant 0 : i32
    %dma_start3A_691 = tpu.memref_slice %arg2[%dma_start3A_689, %dma_start3A_690] : memref<100000x128xf32, #tpu.memory_space<hbm>> -> memref<100000x128xf32, #tpu.memory_space<hbm>>
    tpu.enqueue_indirect_dma source(%dma_start3A_691 : memref<100000x128xf32, #tpu.memory_space<hbm>>) target(%arg22 : memref<200x128xf32, #tpu.memory_space<vmem>>) offsets(%arg20 : memref<200xi32, #tpu.memory_space<vmem>>) semaphore(%arg27 : memref<!tpu.dma_semaphore, #tpu.memory_space<semaphore_mem>>)
    %dma_start3A_692 = arith.constant 0 : i32
    %dma_start3A_693 = tpu.memref_slice %arg3[%mul3A_688, %dma_start3A_692] : memref<100000x128xf32, #tpu.memory_space<hbm>> -> memref<200x128xf32, #tpu.memory_space<hbm>>
    %dma_start3A_694 = arith.constant 0 : i32
    %dma_start3A_695 = tpu.memref_slice %arg3[%mul3A_688, %dma_start3A_694] : memref<100000x128xf32, #tpu.memory_space<hbm>> -> memref<200x128xf32, #tpu.memory_space<hbm>>
    tpu.enqueue_dma source(%dma_start3A_695 : memref<200x128xf32, #tpu.memory_space<hbm>>) target(%arg24 : memref<200x128xf32, #tpu.memory_space<vmem>>) target_semaphore(%arg29 : memref<!tpu.dma_semaphore, #tpu.memory_space<semaphore_mem>>)
    %add3A_696 = arith.constant 416 : i32
    %add3A_697 = arith.addi %add3A, %add3A_696 : i32
    %mul3A_698 = arith.constant 200 : i32
    %mul3A_699 = arith.muli %add3A_697, %mul3A_698 : i32
    %add3A_700 = arith.constant 416 : i32
    %add3A_701 = arith.addi %add3A, %add3A_700 : i32
    %mul3A_702 = arith.constant 200 : i32
    %mul3A_703 = arith.muli %add3A_701, %mul3A_702 : i32
    %dma_wait3A_704 = arith.constant 0 : i32
    %dma_wait3A_705 = arith.constant 0 : i32
    %dma_wait3A_706 = tpu.memref_slice %arg2[%dma_wait3A_704, %dma_wait3A_705] : memref<100000x128xf32, #tpu.memory_space<hbm>> -> memref<100000x128xf32, #tpu.memory_space<hbm>>
    tpu.wait_indirect_dma semaphore(%arg28 : memref<!tpu.dma_semaphore, #tpu.memory_space<semaphore_mem>>) src(%dma_wait3A_706 : memref<100000x128xf32, #tpu.memory_space<hbm>>) dst(%arg23 : memref<200x128xf32, #tpu.memory_space<vmem>>)
    %dma_wait3A_707 = arith.constant 0 : i32
    %dma_wait3A_708 = tpu.memref_slice %arg3[%mul3A_646, %dma_wait3A_707] : memref<100000x128xf32, #tpu.memory_space<hbm>> -> memref<200x128xf32, #tpu.memory_space<hbm>>
    %dma_wait3A_709 = arith.constant 0 : i32
    %dma_wait3A_710 = tpu.memref_slice %arg3[%mul3A_646, %dma_wait3A_709] : memref<100000x128xf32, #tpu.memory_space<hbm>> -> memref<200x128xf32, #tpu.memory_space<hbm>>
    tpu.wait_dma2 semaphore(%arg30 : memref<!tpu.dma_semaphore, #tpu.memory_space<semaphore_mem>>) src(%dma_wait3A_710 : memref<200x128xf32, #tpu.memory_space<hbm>>) dst(%arg25 : memref<200x128xf32, #tpu.memory_space<vmem>>)
    %dma_start3A_711 = arith.constant 0 : i32
    %dma_start3A_712 = tpu.memref_slice %arg5[%mul3A_699, %dma_start3A_711] : memref<100000x256xf32, #tpu.memory_space<hbm>> -> memref<200x128xf32, #tpu.memory_space<hbm>>
    %dma_start3A_713 = arith.constant 0 : i32
    %dma_start3A_714 = tpu.memref_slice %arg5[%mul3A_699, %dma_start3A_713] : memref<100000x256xf32, #tpu.memory_space<hbm>> -> memref<200x128xf32, #tpu.memory_space<hbm>>
    tpu.enqueue_dma source(%arg23 : memref<200x128xf32, #tpu.memory_space<vmem>>) target(%dma_start3A_714 : memref<200x128xf32, #tpu.memory_space<hbm>>) target_semaphore(%arg32 : memref<!tpu.dma_semaphore, #tpu.memory_space<semaphore_mem>>)
    %dma_start3A_715 = arith.constant 128 : i32
    %dma_start3A_716 = tpu.memref_slice %arg5[%mul3A_703, %dma_start3A_715] : memref<100000x256xf32, #tpu.memory_space<hbm>> -> memref<200x128xf32, #tpu.memory_space<hbm>>
    %dma_start3A_717 = arith.constant 128 : i32
    %dma_start3A_718 = tpu.memref_slice %arg5[%mul3A_703, %dma_start3A_717] : memref<100000x256xf32, #tpu.memory_space<hbm>> -> memref<200x128xf32, #tpu.memory_space<hbm>>
    tpu.enqueue_dma source(%arg25 : memref<200x128xf32, #tpu.memory_space<vmem>>) target(%dma_start3A_718 : memref<200x128xf32, #tpu.memory_space<hbm>>) target_semaphore(%arg34 : memref<!tpu.dma_semaphore, #tpu.memory_space<semaphore_mem>>)
    %dma_wait3A_719 = arith.constant 0 : i32
    %dma_wait3A_720 = tpu.memref_slice %arg5[%mul3A_699, %dma_wait3A_719] : memref<100000x256xf32, #tpu.memory_space<hbm>> -> memref<200x128xf32, #tpu.memory_space<hbm>>
    %dma_wait3A_721 = arith.constant 0 : i32
    %dma_wait3A_722 = tpu.memref_slice %arg5[%mul3A_699, %dma_wait3A_721] : memref<100000x256xf32, #tpu.memory_space<hbm>> -> memref<200x128xf32, #tpu.memory_space<hbm>>
    tpu.wait_dma2 semaphore(%arg32 : memref<!tpu.dma_semaphore, #tpu.memory_space<semaphore_mem>>) src(%arg23 : memref<200x128xf32, #tpu.memory_space<vmem>>) dst(%dma_wait3A_722 : memref<200x128xf32, #tpu.memory_space<hbm>>)
    %dma_wait3A_723 = arith.constant 128 : i32
    %dma_wait3A_724 = tpu.memref_slice %arg5[%mul3A_703, %dma_wait3A_723] : memref<100000x256xf32, #tpu.memory_space<hbm>> -> memref<200x128xf32, #tpu.memory_space<hbm>>
    %dma_wait3A_725 = arith.constant 128 : i32
    %dma_wait3A_726 = tpu.memref_slice %arg5[%mul3A_703, %dma_wait3A_725] : memref<100000x256xf32, #tpu.memory_space<hbm>> -> memref<200x128xf32, #tpu.memory_space<hbm>>
    tpu.wait_dma2 semaphore(%arg34 : memref<!tpu.dma_semaphore, #tpu.memory_space<semaphore_mem>>) src(%arg25 : memref<200x128xf32, #tpu.memory_space<vmem>>) dst(%dma_wait3A_726 : memref<200x128xf32, #tpu.memory_space<hbm>>)
    %add3A_727 = arith.constant 480 : i32
    %add3A_728 = arith.addi %add3A, %add3A_727 : i32
    %mul3A_729 = arith.constant 200 : i32
    %mul3A_730 = arith.muli %add3A_728, %mul3A_729 : i32
    %convert_element_type3A_731 = arith.extui %lt3A_1 : i1 to i32
    %cond3A_732 = arith.constant 0 : i32
    %cond3A_733 = arith.cmpi ne, %convert_element_type3A_731, %cond3A_732 : i32
    scf.if %cond3A_733 {
      %dma_start3A_794 = arith.constant 0 : i32
      %dma_start3A_795 = arith.constant 0 : i32
      %dma_start3A_796 = tpu.memref_slice %arg2[%dma_start3A_794, %dma_start3A_795] : memref<100000x128xf32, #tpu.memory_space<hbm>> -> memref<100000x128xf32, #tpu.memory_space<hbm>>
      tpu.enqueue_indirect_dma source(%dma_start3A_796 : memref<100000x128xf32, #tpu.memory_space<hbm>>) target(%arg23 : memref<200x128xf32, #tpu.memory_space<vmem>>) offsets(%arg21 : memref<200xi32, #tpu.memory_space<vmem>>) semaphore(%arg28 : memref<!tpu.dma_semaphore, #tpu.memory_space<semaphore_mem>>)
    } else {
    }
    %convert_element_type3A_734 = arith.extui %lt3A_1 : i1 to i32
    %cond3A_735 = arith.constant 0 : i32
    %cond3A_736 = arith.cmpi ne, %convert_element_type3A_734, %cond3A_735 : i32
    scf.if %cond3A_736 {
      %dma_start3A_794 = arith.constant 0 : i32
      %dma_start3A_795 = tpu.memref_slice %arg3[%mul3A_730, %dma_start3A_794] : memref<100000x128xf32, #tpu.memory_space<hbm>> -> memref<200x128xf32, #tpu.memory_space<hbm>>
      %dma_start3A_796 = arith.constant 0 : i32
      %dma_start3A_797 = tpu.memref_slice %arg3[%mul3A_730, %dma_start3A_796] : memref<100000x128xf32, #tpu.memory_space<hbm>> -> memref<200x128xf32, #tpu.memory_space<hbm>>
      tpu.enqueue_dma source(%dma_start3A_797 : memref<200x128xf32, #tpu.memory_space<hbm>>) target(%arg25 : memref<200x128xf32, #tpu.memory_space<vmem>>) target_semaphore(%arg30 : memref<!tpu.dma_semaphore, #tpu.memory_space<semaphore_mem>>)
    } else {
    }
    %add3A_737 = arith.constant 448 : i32
    %add3A_738 = arith.addi %add3A, %add3A_737 : i32
    %mul3A_739 = arith.constant 200 : i32
    %mul3A_740 = arith.muli %add3A_738, %mul3A_739 : i32
    %add3A_741 = arith.constant 448 : i32
    %add3A_742 = arith.addi %add3A, %add3A_741 : i32
    %mul3A_743 = arith.constant 200 : i32
    %mul3A_744 = arith.muli %add3A_742, %mul3A_743 : i32
    %dma_wait3A_745 = arith.constant 0 : i32
    %dma_wait3A_746 = arith.constant 0 : i32
    %dma_wait3A_747 = tpu.memref_slice %arg2[%dma_wait3A_745, %dma_wait3A_746] : memref<100000x128xf32, #tpu.memory_space<hbm>> -> memref<100000x128xf32, #tpu.memory_space<hbm>>
    tpu.wait_indirect_dma semaphore(%arg27 : memref<!tpu.dma_semaphore, #tpu.memory_space<semaphore_mem>>) src(%dma_wait3A_747 : memref<100000x128xf32, #tpu.memory_space<hbm>>) dst(%arg22 : memref<200x128xf32, #tpu.memory_space<vmem>>)
    %dma_wait3A_748 = arith.constant 0 : i32
    %dma_wait3A_749 = tpu.memref_slice %arg3[%mul3A_688, %dma_wait3A_748] : memref<100000x128xf32, #tpu.memory_space<hbm>> -> memref<200x128xf32, #tpu.memory_space<hbm>>
    %dma_wait3A_750 = arith.constant 0 : i32
    %dma_wait3A_751 = tpu.memref_slice %arg3[%mul3A_688, %dma_wait3A_750] : memref<100000x128xf32, #tpu.memory_space<hbm>> -> memref<200x128xf32, #tpu.memory_space<hbm>>
    tpu.wait_dma2 semaphore(%arg29 : memref<!tpu.dma_semaphore, #tpu.memory_space<semaphore_mem>>) src(%dma_wait3A_751 : memref<200x128xf32, #tpu.memory_space<hbm>>) dst(%arg24 : memref<200x128xf32, #tpu.memory_space<vmem>>)
    %dma_start3A_752 = arith.constant 0 : i32
    %dma_start3A_753 = tpu.memref_slice %arg5[%mul3A_740, %dma_start3A_752] : memref<100000x256xf32, #tpu.memory_space<hbm>> -> memref<200x128xf32, #tpu.memory_space<hbm>>
    %dma_start3A_754 = arith.constant 0 : i32
    %dma_start3A_755 = tpu.memref_slice %arg5[%mul3A_740, %dma_start3A_754] : memref<100000x256xf32, #tpu.memory_space<hbm>> -> memref<200x128xf32, #tpu.memory_space<hbm>>
    tpu.enqueue_dma source(%arg22 : memref<200x128xf32, #tpu.memory_space<vmem>>) target(%dma_start3A_755 : memref<200x128xf32, #tpu.memory_space<hbm>>) target_semaphore(%arg31 : memref<!tpu.dma_semaphore, #tpu.memory_space<semaphore_mem>>)
    %dma_start3A_756 = arith.constant 128 : i32
    %dma_start3A_757 = tpu.memref_slice %arg5[%mul3A_744, %dma_start3A_756] : memref<100000x256xf32, #tpu.memory_space<hbm>> -> memref<200x128xf32, #tpu.memory_space<hbm>>
    %dma_start3A_758 = arith.constant 128 : i32
    %dma_start3A_759 = tpu.memref_slice %arg5[%mul3A_744, %dma_start3A_758] : memref<100000x256xf32, #tpu.memory_space<hbm>> -> memref<200x128xf32, #tpu.memory_space<hbm>>
    tpu.enqueue_dma source(%arg24 : memref<200x128xf32, #tpu.memory_space<vmem>>) target(%dma_start3A_759 : memref<200x128xf32, #tpu.memory_space<hbm>>) target_semaphore(%arg33 : memref<!tpu.dma_semaphore, #tpu.memory_space<semaphore_mem>>)
    %add3A_760 = arith.constant 480 : i32
    %add3A_761 = arith.addi %add3A, %add3A_760 : i32
    %mul3A_762 = arith.constant 200 : i32
    %mul3A_763 = arith.muli %add3A_761, %mul3A_762 : i32
    %add3A_764 = arith.constant 480 : i32
    %add3A_765 = arith.addi %add3A, %add3A_764 : i32
    %mul3A_766 = arith.constant 200 : i32
    %mul3A_767 = arith.muli %add3A_765, %mul3A_766 : i32
    %convert_element_type3A_768 = arith.extui %lt3A_1 : i1 to i32
    %cond3A_769 = arith.constant 0 : i32
    %cond3A_770 = arith.cmpi ne, %convert_element_type3A_768, %cond3A_769 : i32
    scf.if %cond3A_770 {
      %dma_wait3A_794 = arith.constant 0 : i32
      %dma_wait3A_795 = arith.constant 0 : i32
      %dma_wait3A_796 = tpu.memref_slice %arg2[%dma_wait3A_794, %dma_wait3A_795] : memref<100000x128xf32, #tpu.memory_space<hbm>> -> memref<100000x128xf32, #tpu.memory_space<hbm>>
      tpu.wait_indirect_dma semaphore(%arg28 : memref<!tpu.dma_semaphore, #tpu.memory_space<semaphore_mem>>) src(%dma_wait3A_796 : memref<100000x128xf32, #tpu.memory_space<hbm>>) dst(%arg23 : memref<200x128xf32, #tpu.memory_space<vmem>>)
    } else {
    }
    %convert_element_type3A_771 = arith.extui %lt3A_1 : i1 to i32
    %cond3A_772 = arith.constant 0 : i32
    %cond3A_773 = arith.cmpi ne, %convert_element_type3A_771, %cond3A_772 : i32
    scf.if %cond3A_773 {
      %dma_wait3A_794 = arith.constant 0 : i32
      %dma_wait3A_795 = tpu.memref_slice %arg3[%mul3A_730, %dma_wait3A_794] : memref<100000x128xf32, #tpu.memory_space<hbm>> -> memref<200x128xf32, #tpu.memory_space<hbm>>
      %dma_wait3A_796 = arith.constant 0 : i32
      %dma_wait3A_797 = tpu.memref_slice %arg3[%mul3A_730, %dma_wait3A_796] : memref<100000x128xf32, #tpu.memory_space<hbm>> -> memref<200x128xf32, #tpu.memory_space<hbm>>
      tpu.wait_dma2 semaphore(%arg30 : memref<!tpu.dma_semaphore, #tpu.memory_space<semaphore_mem>>) src(%dma_wait3A_797 : memref<200x128xf32, #tpu.memory_space<hbm>>) dst(%arg25 : memref<200x128xf32, #tpu.memory_space<vmem>>)
    } else {
    }
    %convert_element_type3A_774 = arith.extui %lt3A_1 : i1 to i32
    %cond3A_775 = arith.constant 0 : i32
    %cond3A_776 = arith.cmpi ne, %convert_element_type3A_774, %cond3A_775 : i32
    scf.if %cond3A_776 {
      %dma_start3A_794 = arith.constant 0 : i32
      %dma_start3A_795 = tpu.memref_slice %arg5[%mul3A_763, %dma_start3A_794] : memref<100000x256xf32, #tpu.memory_space<hbm>> -> memref<200x128xf32, #tpu.memory_space<hbm>>
      %dma_start3A_796 = arith.constant 0 : i32
      %dma_start3A_797 = tpu.memref_slice %arg5[%mul3A_763, %dma_start3A_796] : memref<100000x256xf32, #tpu.memory_space<hbm>> -> memref<200x128xf32, #tpu.memory_space<hbm>>
      tpu.enqueue_dma source(%arg23 : memref<200x128xf32, #tpu.memory_space<vmem>>) target(%dma_start3A_797 : memref<200x128xf32, #tpu.memory_space<hbm>>) target_semaphore(%arg32 : memref<!tpu.dma_semaphore, #tpu.memory_space<semaphore_mem>>)
    } else {
    }
    %convert_element_type3A_777 = arith.extui %lt3A_1 : i1 to i32
    %cond3A_778 = arith.constant 0 : i32
    %cond3A_779 = arith.cmpi ne, %convert_element_type3A_777, %cond3A_778 : i32
    scf.if %cond3A_779 {
      %dma_start3A_794 = arith.constant 128 : i32
      %dma_start3A_795 = tpu.memref_slice %arg5[%mul3A_767, %dma_start3A_794] : memref<100000x256xf32, #tpu.memory_space<hbm>> -> memref<200x128xf32, #tpu.memory_space<hbm>>
      %dma_start3A_796 = arith.constant 128 : i32
      %dma_start3A_797 = tpu.memref_slice %arg5[%mul3A_767, %dma_start3A_796] : memref<100000x256xf32, #tpu.memory_space<hbm>> -> memref<200x128xf32, #tpu.memory_space<hbm>>
      tpu.enqueue_dma source(%arg25 : memref<200x128xf32, #tpu.memory_space<vmem>>) target(%dma_start3A_797 : memref<200x128xf32, #tpu.memory_space<hbm>>) target_semaphore(%arg34 : memref<!tpu.dma_semaphore, #tpu.memory_space<semaphore_mem>>)
    } else {
    }
    %dma_wait3A_780 = arith.constant 0 : i32
    %dma_wait3A_781 = tpu.memref_slice %arg5[%mul3A_740, %dma_wait3A_780] : memref<100000x256xf32, #tpu.memory_space<hbm>> -> memref<200x128xf32, #tpu.memory_space<hbm>>
    %dma_wait3A_782 = arith.constant 0 : i32
    %dma_wait3A_783 = tpu.memref_slice %arg5[%mul3A_740, %dma_wait3A_782] : memref<100000x256xf32, #tpu.memory_space<hbm>> -> memref<200x128xf32, #tpu.memory_space<hbm>>
    tpu.wait_dma2 semaphore(%arg31 : memref<!tpu.dma_semaphore, #tpu.memory_space<semaphore_mem>>) src(%arg22 : memref<200x128xf32, #tpu.memory_space<vmem>>) dst(%dma_wait3A_783 : memref<200x128xf32, #tpu.memory_space<hbm>>)
    %dma_wait3A_784 = arith.constant 128 : i32
    %dma_wait3A_785 = tpu.memref_slice %arg5[%mul3A_744, %dma_wait3A_784] : memref<100000x256xf32, #tpu.memory_space<hbm>> -> memref<200x128xf32, #tpu.memory_space<hbm>>
    %dma_wait3A_786 = arith.constant 128 : i32
    %dma_wait3A_787 = tpu.memref_slice %arg5[%mul3A_744, %dma_wait3A_786] : memref<100000x256xf32, #tpu.memory_space<hbm>> -> memref<200x128xf32, #tpu.memory_space<hbm>>
    tpu.wait_dma2 semaphore(%arg33 : memref<!tpu.dma_semaphore, #tpu.memory_space<semaphore_mem>>) src(%arg24 : memref<200x128xf32, #tpu.memory_space<vmem>>) dst(%dma_wait3A_787 : memref<200x128xf32, #tpu.memory_space<hbm>>)
    %convert_element_type3A_788 = arith.extui %lt3A_1 : i1 to i32
    %cond3A_789 = arith.constant 0 : i32
    %cond3A_790 = arith.cmpi ne, %convert_element_type3A_788, %cond3A_789 : i32
    scf.if %cond3A_790 {
      %dma_wait3A_794 = arith.constant 0 : i32
      %dma_wait3A_795 = tpu.memref_slice %arg5[%mul3A_763, %dma_wait3A_794] : memref<100000x256xf32, #tpu.memory_space<hbm>> -> memref<200x128xf32, #tpu.memory_space<hbm>>
      %dma_wait3A_796 = arith.constant 0 : i32
      %dma_wait3A_797 = tpu.memref_slice %arg5[%mul3A_763, %dma_wait3A_796] : memref<100000x256xf32, #tpu.memory_space<hbm>> -> memref<200x128xf32, #tpu.memory_space<hbm>>
      tpu.wait_dma2 semaphore(%arg32 : memref<!tpu.dma_semaphore, #tpu.memory_space<semaphore_mem>>) src(%arg23 : memref<200x128xf32, #tpu.memory_space<vmem>>) dst(%dma_wait3A_797 : memref<200x128xf32, #tpu.memory_space<hbm>>)
    } else {
    }
    %convert_element_type3A_791 = arith.extui %lt3A_1 : i1 to i32
    %cond3A_792 = arith.constant 0 : i32
    %cond3A_793 = arith.cmpi ne, %convert_element_type3A_791, %cond3A_792 : i32
    scf.if %cond3A_793 {
      %dma_wait3A_794 = arith.constant 128 : i32
      %dma_wait3A_795 = tpu.memref_slice %arg5[%mul3A_767, %dma_wait3A_794] : memref<100000x256xf32, #tpu.memory_space<hbm>> -> memref<200x128xf32, #tpu.memory_space<hbm>>
      %dma_wait3A_796 = arith.constant 128 : i32
      %dma_wait3A_797 = tpu.memref_slice %arg5[%mul3A_767, %dma_wait3A_796] : memref<100000x256xf32, #tpu.memory_space<hbm>> -> memref<200x128xf32, #tpu.memory_space<hbm>>
      tpu.wait_dma2 semaphore(%arg34 : memref<!tpu.dma_semaphore, #tpu.memory_space<semaphore_mem>>) src(%arg25 : memref<200x128xf32, #tpu.memory_space<vmem>>) dst(%dma_wait3A_797 : memref<200x128xf32, #tpu.memory_space<hbm>>)
    } else {
    }
    return
  }
}

</mosaic_0001>

<sc_bundles>
// kernel: kernel.3.cloned.1.call-start
scs
__scs_entry_jumppad:
0x0: {  	(pc) =	sbr.rel $0x88, $3  }
0x1: {  	(tag) =	ssettag $0x0;
	lr =	simm.s32 $0x1  }
0x2: {  	[smem:$0x3F9E] =	sst lr;
	_ =	strace $0xD0000000  }
0x3: {  	_ = 	snop  }
0x4: {  	_ = 	snop  }
0x5: {  	_ = 	snop  }
0x6: {  	_ = 	snop  }
0x7: {  	_ = 	snop  }
__scs_overlays_trampoline_lowered:
0x8: {  	[smem:$0x3FAD] =	sst s0  }
0x9: {  	[smem:$0x3FAE] =	sst s1  }
0xa: {  	[smem:$0x3FAF] =	sst s2  }
0xb: {  	[smem:$0x3FB0] =	sst s3  }
0xc: {  	[smem:$0x3FB1] =	sst s4  }
0xd: {  	[smem:$0x3FB2] =	sst s5  }
0xe: {  	[smem:$0x3FB3] =	sst s6  }
0xf: {  	[smem:$0x3FB4] =	sst s7  }
0x10: {  	[smem:$0x3FB5] =	sst s8  }
0x11: {  	[smem:$0x3FB6] =	sst s9;
	s0 =	simm.s32 @!p0 $0x0  }
0x12: {  	s1 =	sld [smem:$0x3F9C];
	s0 =	simm.s32 @p0 $0x1  }
0x13: {  	[smem:$0x3FB7] =	sst s0;
	s0 =	simm.s32 @!p1 $0x0  }
0x14: {  	s2 =	sld [smem:$0x3F9B];
	s0 =	simm.s32 @p1 $0x1  }
0x15: {  	[smem:$0x3FB8] =	sst s0;
	s0 =	simm.s32 @!p2 $0x0  }
0x16: {  	s3 =	sld [smem:$0x3FDB];
	s0 =	simm.s32 @p2 $0x1  }
0x17: {  	s4 =	simm.s32 $0x1BF5;
	[smem:$0x3FBA] =	sst s0  }
0x18: {  	s0 =	sld [smem:$0x3F9D];
	_ =	swait.ge [sflag:s4], $0x0  }
0x19: {  	s7 =	sld [smem:$0x3F9E]  }
0x1a: {  	s8 =	sadd.s32 $0xFFFFE003, lr  }
0x1b: {  	s9 =	sadd.s32 $0xFFFFFEF7, lr;
	s5 =	simm.s32 $0xFFFFFFFF;
	p2 =	slt.u32 s8, $0xFFFFF086  }
0x1c: {  	p1 =	slt.u32 s9, $0xF7A;
	s5 =	simm.s32 @!p2 $0x0  }
0x1d: {  	s5 =	simm.s32 @p1 $0x1;
	p0 =	seq.s32 s7, s2  }
0x1e: {  	s7 =	smul.u32 @!p0 $0xF7A, s2;
	p2 =	seq.s32 @!p0 s5, $0x0  }
0x1f: {  	s9 =	smul.u32 $0xF7A, s1;
	s8 =	simm.s32 @!p0 $0x1BF5;
	p2 =	por !p2, p0  }
0x20: {  	[sflag:s8] =	ssyncset.s32 @!p0 $0xFFFFF086;
	s6 =	sadd.s32 @!p0 s3, s7;
	s7 =	simm.s32 @!p0 $0x108  }
0x21: {  	s3 =	sadd.s32 s3, s9;
	s6 =	sadd.s32 @!p0 $0x88, s6;
	s7 =	simm.s32 @p2 $0x1082  }
0x22: {  	[simem:s7], [sflag:s8] =	dma.local @!p0 [hbm:s6], $0xF7A  }
0x23: {  	s9 =	sor.u32 $0xD0000000, s2;
	s6 =	simm.s32 $0x108;
	_ =	swait.ge @!p0 [sflag:s8], $0x0  }
0x24: {  	s3 =	sadd.s32 $0x88, s3;
	s6 =	simm.s32 @!p1 $0x1082;
	[sflag:s4] =	ssyncset.s32 $0xFFFFF086  }
0x25: {  	[simem:s6], [sflag:s4] =	dma.local [hbm:s3], $0xF7A  }
0x26: {  	[smem:$0x3F9E] =	sst s1;
	(tag) =	ssettag s2;
	_ =	strace s9  }
0x27: {  	s1 =	sld [smem:$0x3FAE]  }
0x28: {  	s2 =	sld [smem:$0x3FAF]  }
0x29: {  	s4 =	sld [smem:$0x3FB1]  }
0x2a: {  	p0 =	seq.s32 s5, $0x0;
	s5 =	sld [smem:$0x3FB2]  }
0x2b: {  	s6 =	sld [smem:$0x3FB3]  }
0x2c: {  	s7 =	sld [smem:$0x3FB4]  }
0x2d: {  	s3 =	simm.s32 $0x108;
	s8 =	sld [smem:$0x3FB5]  }
0x2e: {  	s3 =	simm.s32 @!p0 $0x1082;
	s9 =	sld [smem:$0x3FB6]  }
0x2f: {  	lr =	sadd.s32 s0, s3;
	s0 =	sld [smem:$0x3FAD]  }
0x30: {  	s3 =	sld [smem:$0x3FB0]  }
0x31: {  	[smem:$0x3FB9] =	sst s10  }
0x32: {  	s10 =	sld [smem:$0x3FB7];
	_ =	sdelay $0x3  }
0x33: {  	p0 =	seq.s32 s10, $0x1;
	s10 =	sld [smem:$0x3FB9];
	_ =	sdelay $0x3  }
0x34: {  	[smem:$0x3FB9] =	sst s10  }
0x35: {  	s10 =	sld [smem:$0x3FB8];
	_ =	sdelay $0x3  }
0x36: {  	p1 =	seq.s32 s10, $0x1;
	s10 =	sld [smem:$0x3FB9];
	_ =	sdelay $0x3  }
0x37: {  	[smem:$0x3FB9] =	sst s10  }
0x38: {  	s10 =	sld [smem:$0x3FBA]  }
0x39: {  	_ = 	snop;
	(pc) =	sbr.ind lr, $3  }
0x3a: {  	_ = 	snop  }
0x3b: {  	_ = 	snop  }
0x3c: {  	p2 =	seq.s32 s10, $0x1;
	s10 =	sld [smem:$0x3FB9]  }
0x3d: {  	_ =	shalt  }
0x3e: {  	_ =	shalt  }
0x3f: {  	_ =	shalt  }
0x40: {  	_ =	shalt  }
0x41: {  	_ =	shalt  }
0x42: {  	_ =	shalt  }
0x43: {  	_ =	shalt  }
0x44: {  	_ =	shalt  }
0x45: {  	_ =	shalt  }
0x46: {  	_ =	shalt  }
0x47: {  	_ =	shalt  }
0x48: {  	_ =	shalt  }
0x49: {  	_ =	shalt  }
0x4a: {  	_ =	shalt  }
0x4b: {  	_ =	shalt  }
0x4c: {  	_ =	shalt  }
0x4d: {  	_ =	shalt  }
0x4e: {  	_ =	shalt  }
0x4f: {  	_ =	shalt  }
0x50: {  	_ =	shalt  }
0x51: {  	_ =	shalt  }
0x52: {  	_ =	shalt  }
0x53: {  	_ =	shalt  }
0x54: {  	_ =	shalt  }
0x55: {  	_ =	shalt  }
0x56: {  	_ =	shalt  }
0x57: {  	_ =	shalt  }
0x58: {  	_ =	shalt  }
0x59: {  	_ =	shalt  }
0x5a: {  	_ =	shalt  }
0x5b: {  	_ =	shalt  }
0x5c: {  	_ =	shalt  }
0x5d: {  	_ =	shalt  }
0x5e: {  	_ =	shalt  }
0x5f: {  	_ =	shalt  }
0x60: {  	_ =	shalt  }
0x61: {  	_ =	shalt  }
0x62: {  	_ =	shalt  }
0x63: {  	_ =	shalt  }
0x64: {  	_ =	shalt  }
0x65: {  	_ =	shalt  }
0x66: {  	_ =	shalt  }
0x67: {  	_ =	shalt  }
0x68: {  	_ =	shalt  }
0x69: {  	_ =	shalt  }
0x6a: {  	_ =	shalt  }
0x6b: {  	_ =	shalt  }
0x6c: {  	_ =	shalt  }
0x6d: {  	_ =	shalt  }
0x6e: {  	_ =	shalt  }
0x6f: {  	_ =	shalt  }
0x70: {  	_ =	shalt  }
0x71: {  	_ =	shalt  }
0x72: {  	_ =	shalt  }
0x73: {  	_ =	shalt  }
0x74: {  	_ =	shalt  }
0x75: {  	_ =	shalt  }
0x76: {  	_ =	shalt  }
0x77: {  	_ =	shalt  }
0x78: {  	_ =	shalt  }
0x79: {  	_ =	shalt  }
0x7a: {  	_ =	shalt  }
0x7b: {  	_ =	shalt  }
0x7c: {  	_ =	shalt  }
0x7d: {  	_ =	shalt  }
0x7e: {  	_ =	shalt  }
0x7f: {  	_ =	shalt  }
0x80: {  	_ =	shalt  }
0x81: {  	_ =	shalt  }
0x82: {  	_ =	shalt  }
0x83: {  	_ =	shalt  }
0x84: {  	_ =	shalt  }
0x85: {  	_ =	shalt  }
0x86: {  	_ =	shalt  }
0x87: {  	_ =	shalt  }
.Lfunc_end0:
.L_simem_size_0:
called_computation_lowered:
.L_overlay_start_0:
0x88: {  	s2 =	sld [smem:$0x3FD9]  }
0x89: {  	s3 =	sld [smem:$0x3FFE];
	_ =	sdelay $0x1  }
0x8a: {  	s1 =	srdreg.scid  }
0x8b: {  	s0 =	sand.u32 $0x1, s1  }
0x8c: {  	s17 =	sshll.u32 s0, $0xA;
	s2 =	sadd.s32 s3, s2  }
0x8d: {  	s2 =	sadd.s32 s2, s17  }
0x8e: {  	[smem:$0x3FC5] =	sst s2  }
0x8f: {  	_ = 	snop  }
0x90: {  	s2 =	sld [smem:$0x3FC9]  }
0x91: {  	s18 =	sld [smem:$0x3FC8]  }
0x92: {  	s4 =	sld [smem:$0x3FD0];
	(tm) =	ssettm $0x1  }
0x93: {  	s5 =	sld [smem:$0x3FFB];
	_ =	sdelay $0x3  }
0x94: {  	_ =	strace s5  }
0x95: {  	s5 =	sld [smem:$0x3FFC];
	_ =	sdelay $0x3  }
0x96: {  	_ =	strace s5  }
0x97: {  	s5 =	sld [smem:$0x3FFD];
	_ =	sdelay $0x3  }
0x98: {  	_ =	strace s5  }
0x99: {  	_ =	strace $0x8FFFFFFF  }
0x9a: {  	s19 =	sld [smem:$0x3FDB];
	_ =	sdelay $0x1  }
0x9b: {  	s6 =	simm.s32 $_scs_section_size  }
0x9c: {  	s7 =	simm.s32 $_size__tile_overlayer_lowered;
	s8 =	simm.s32 $_tile_overlayer_lowered  }
0x9d: {  	s22 =	simm.s32 $0x1BFF;
	s21 =	sshll.u32 s8, $0x1;
	s5 =	sadd.s32 s6, s19  }
0x9e: {  	s9 =	simm.s32 $0x0;
	s20 =	sshll.u32 s7, $0x1;
	s7 =	sadd.s32 s21, s5  }
0x9f: {  	[timem:s9], [sflag:s22] =	dma.local [hbm:s7], s20  }
0xa0: {  	_ =	swait.ge [sflag:s22], s20  }
0xa1: {  	s6 =	ssub.s32 $0x0, s20;
	[sflag:s22] =	ssyncset.done $0x0  }
0xa2: {  	[sflag:s22] =	ssyncadd.s32 s6;
	_ =	sdelay $0x1  }
0xa3: {  	s23 =	simm.s32 $0x1B8B  }
0xa4: {  	_ =	swait.ge [sflag:s23], $0x1  }
0xa5: {  	[sflag:s23] =	ssyncset.done $0x0  }
0xa6: {  	s25 =	simm.s32 $0x1B8E;
	s24 =	sld [smem:$0x3FFE];
	[sflag:s23] =	ssyncadd.s32 $0xFFFFFFFF  }
0xa7: {  	s26 =	simm.s32 $execute0_lowered;
	[smem:$0x3FD2] =	sst s25  }
0xa8: {  	s7 =	sshll.u32 s26, $0x1;
	_ =	strace $0x80000046;
	[dreg:$0x1] =	wrdreg $0xFFFFFFFF  }
0xa9: {  	s28 =	simm.s32 $_size_execute0_lowered;
	s5 =	sadd.s32 s5, s7;
	[dreg:$0x0] =	wrdreg $0x0  }
0xaa: {  	s7 =	sshll.u32 s28, $0x1;
	[dreg:$0x2] =	wrdreg s5  }
0xab: {  	[dreg:$0x3] =	wrdreg s7  }
0xac: {  	[dreg:$0x4] =	wrdreg $0xC0  }
0xad: {  	_ =	task [dreg:s9], $0x5FFFF  }
0xae: {  	[dreg:$0x1] =	wrdreg $0xFFFFFFFF  }
0xaf: {  	[dreg:$0x0] =	wrdreg $0x60  }
0xb0: {  	[dreg:$0x2] =	wrdreg s2  }
0xb1: {  	[dreg:$0x3] =	wrdreg s18  }
0xb2: {  	[dreg:$0x4] =	wrdreg s24  }
0xb3: {  	[dreg:$0x5] =	wrdreg s4  }
0xb4: {  	[dreg:$0x6] =	wrdreg $0x9  }
0xb5: {  	_ =	task.clear_ibuf [dreg:s9], $0x7FFFF;
	_ =	strace $0x90000046  }
0xb6: {  	s29 =	simm.s32 $0x9;
	_ =	strace $0x80000048  }
0xb7: {  	_ =	swait.ge [sflag:s29], $0x1  }
0xb8: {  	[sflag:s29] =	ssyncadd.s32 $0xFFFFFFFF  }
0xb9: {  	_ =	strace $0x90000048  }
0xba: {  	_ =	sfence  }
0xbb: {  	s30 =	sld [smem:$0x0];
	_ =	sdelay $0x2  }
0xbc: {  	s31 =	sshll.u32 s1, $0xD;
	s1 =	sshrl.u32 s1, $0x2  }
0xbd: {  	s3 =	sand.u32 $0x4000, s31;
	s1 =	sadd.s32 s1, s30  }
0xbe: {  	s0 =	sor.u32 s3, s0;
	s1 =	sshll.u32 s1, $0x11  }
0xbf: {  	s0 =	sor.u32 s1, s0  }
0xc0: {  	s0 =	sadd.s32 $0x8F2B, s0  }
0xc1: {  	[sflag:s0] =	ssyncadd.remote.s32 $0x1  }
0xc2: {  	_ =	sfence.sel $0xFFFF  }
0xc3: {  	[dreg:$0x0] =	wrdreg $0xFFFFFFFF;
	(pc) =	sbr.abs _section_cstart, $3  }
0xc4: {  	[dreg:$0x1] =	wrdreg $0xFFFFFFFF  }
0xc5: {  	_ =	task.clear_ibuf [dreg:s9], $0x2FFFF;
	_ =	strace $0x9FFFFFFF  }
0xc6: {  	(tm) =	ssettm $0x7FFFFFFF  }
0xc7: {  	_ =	shalt  }
tec
execute0_lowered:
.L_overlay_start_1:
0x0: {  	(tag) =	ssettag $0x1  }
0x1: {  	s0 =	srdreg.scid;
	s25 =	stileid.u32  }
0x2: {  	s2 =	rddreg [dreg:$0x0];
	s1 =	sand.u32 $0x1, s0;
	s17 =	sshll.u32 s25, $0x1  }
0x3: {  	s4 =	rddreg [dreg:$0x1];
	s8 =	sor.u32 s1, s17  }
0x4: {  	s21 =	rddreg [dreg:$0x2];
	s3 =	simm.s32 $0x0;
	s5 =	smul.u32 $0x19, s8  }
0x5: {  	[smem:$0x7FF] =	sst s3;
	s22 =	smul.u32 $0xC8, s8  }
0x6: {  	s31 =	simm.s32 $0x900;
	s0 =	rddreg [dreg:$0x3];
	_ =	strace $0x80000047  }
0x7: {  	s5 =	sadd.s32 s21, s5;
	s20 =	sadd.s32 $0x1900, s22;
	s19 =	sadd.s32 $0x3200, s22  }
0x8: {  	s17 =	sadd.s32 $0x6400, s22;
	s16 =	sadd.s32 $0x7D00, s22;
	s15 =	sadd.s32 $0x9600, s22  }
0x9: {  	s14 =	sadd.s32 $0xAF00, s22;
	s13 =	sadd.s32 $0xC800, s22;
	s12 =	sadd.s32 $0xE100, s22  }
0xa: {  	[dreg:$0x5] =	wrdreg s5;
	s18 =	sshrl.u32 s20, $0x3;
	s6 =	sshrl.u32 s19, $0x3  }
0xb: {  	s28 =	sshrl.u32 s17, $0x3;
	s30 =	sshrl.u32 s16, $0x3;
	s7 =	sshrl.u32 s15, $0x3  }
0xc: {  	s10 =	sshrl.u32 s14, $0x3;
	s11 =	sshrl.u32 s13, $0x3;
	s5 =	sadd.s32 s21, s18  }
0xd: {  	s18 =	sadd.s32 $0x4B00, s22;
	s23 =	sadd.s32 s21, s6;
	[dreg:$0x6] =	wrdreg s5  }
0xe: {  	s6 =	sadd.s32 s21, s30;
	s9 =	sadd.s32 s21, s7;
	[dreg:$0x7] =	wrdreg s23  }
0xf: {  	s24 =	sshrl.u32 s18, $0x3;
	s5 =	sadd.s32 s21, s28;
	[dreg:$0xa] =	wrdreg s6  }
0x10: {  	[dreg:$0xb] =	wrdreg s9;
	s23 =	sadd.s32 s21, s11;
	s11 =	sadd.s32 $0xFA00, s22  }
0x11: {  	s9 =	sadd.s32 $0x12C00, s22;
	s6 =	sadd.s32 $0x15E00, s22;
	[dreg:$0x9] =	wrdreg s5  }
0x12: {  	s26 =	sadd.s32 s21, s24;
	s5 =	sadd.s32 s21, s10;
	[dreg:$0xd] =	wrdreg s23  }
0x13: {  	s24 =	sshrl.u32 s12, $0x3;
	s28 =	sshrl.u32 s11, $0x3;
	[dreg:$0x8] =	wrdreg s26  }
0x14: {  	s10 =	sadd.s32 $0x11300, s22;
	[dreg:$0xc] =	wrdreg s5;
	s26 =	sadd.s32 s21, s24  }
0x15: {  	s23 =	sshrl.u32 s9, $0x3;
	s5 =	sadd.s32 s21, s28;
	[dreg:$0xe] =	wrdreg s26  }
0x16: {  	s30 =	sshrl.u32 s10, $0x3;
	s24 =	sadd.s32 s21, s23;
	[dreg:$0xf] =	wrdreg s5  }
0x17: {  	s7 =	sadd.s32 s21, s30;
	[dreg:$0x11] =	wrdreg s24;
	s24 =	sshrl.u32 s6, $0x3  }
0x18: {  	s5 =	sadd.s32 $0x17700, s22;
	[dreg:$0x10] =	wrdreg s7;
	s7 =	sadd.s32 $0x14500, s22  }
0x19: {  	s28 =	sadd.s32 s21, s24;
	s30 =	sshrl.u32 s5, $0x3;
	s26 =	sshrl.u32 s7, $0x3  }
0x1a: {  	s24 =	smul.u32 $0xC80, s8;
	[dreg:$0x13] =	wrdreg s28;
	s23 =	sadd.s32 s21, s26  }
0x1b: {  	s28 =	sshll.u32 s20, $0x4;
	s21 =	sadd.s32 s21, s30;
	[dreg:$0x12] =	wrdreg s23  }
0x1c: {  	s20 =	sshll.u32 s20, $0x5;
	s26 =	sadd.s32 s4, s24;
	[dreg:$0x14] =	wrdreg s21  }
0x1d: {  	s24 =	sshll.u32 s19, $0x4;
	[dreg:$0x15] =	wrdreg s26;
	s21 =	sadd.s32 s4, s28  }
0x1e: {  	s30 =	smul.u32 $0x1900, s8;
	s26 =	sadd.s32 s4, s24;
	[dreg:$0x16] =	wrdreg s21  }
0x1f: {  	s8 =	sadd.s32 $0x80, s0;
	s28 =	sadd.s32 s0, s20;
	[dreg:$0x19] =	wrdreg s26  }
0x20: {  	s29 =	simm.s32 $0xB00;
	s20 =	sadd.s32 s20, s8;
	[dreg:$0x1a] =	wrdreg s28  }
0x21: {  	p1 =	por $0x0, $0x0;
	s22 =	sadd.s32 s0, s30;
	[dreg:$0x1b] =	wrdreg s20  }
0x22: {  	s24 =	sshll.u32 s17, $0x4;
	s23 =	sadd.s32 s30, s8;
	[dreg:$0x17] =	wrdreg s22  }
0x23: {  	s17 =	sshll.u32 s17, $0x5;
	s26 =	sadd.s32 s4, s24;
	[dreg:$0x18] =	wrdreg s23  }
0x24: {  	p0 =	sgt.u32 s25, $0x9;
	s20 =	sadd.s32 s0, s17;
	[dreg:$0x1f] =	wrdreg s26  }
0x25: {  	s30 =	sshll.u32 s18, $0x4;
	s17 =	sadd.s32 s17, s8;
	[smem:$0x7DC] =	sst s20  }
0x26: {  	s19 =	sshll.u32 s19, $0x5;
	s22 =	sadd.s32 s4, s30;
	[smem:$0x7DD] =	sst s17  }
0x27: {  	s25 =	simm.s32 $0x100;
	s23 =	sadd.s32 s0, s19;
	[dreg:$0x1c] =	wrdreg s22  }
0x28: {  	s18 =	sshll.u32 s18, $0x5;
	s19 =	sadd.s32 s19, s8;
	[dreg:$0x1d] =	wrdreg s23  }
0x29: {  	s1 =	ssub.s32 $0x2, s1;
	s28 =	sadd.s32 s0, s18;
	[dreg:$0x1e] =	wrdreg s19  }
0x2a: {  	s24 =	sshll.u32 s14, $0x4;
	s18 =	sadd.s32 s18, s8;
	[smem:$0x7D9] =	sst s28  }
0x2b: {  	s30 =	sshll.u32 s16, $0x4;
	s26 =	sadd.s32 s4, s24;
	[smem:$0x7DA] =	sst s18  }
0x2c: {  	s21 =	sshll.u32 s15, $0x4;
	s19 =	sadd.s32 s4, s30;
	[smem:$0x7E1] =	sst s26  }
0x2d: {  	s16 =	sshll.u32 s16, $0x5;
	s22 =	sadd.s32 s4, s21;
	[smem:$0x7DB] =	sst s19  }
0x2e: {  	s15 =	sshll.u32 s15, $0x5;
	s23 =	sadd.s32 s0, s16;
	[smem:$0x7DE] =	sst s22  }
0x2f: {  	s14 =	sshll.u32 s14, $0x5;
	s16 =	sadd.s32 s16, s8;
	[smem:$0x7DF] =	sst s23  }
0x30: {  	s28 =	sadd.s32 s0, s15;
	s15 =	sadd.s32 s15, s8;
	[smem:$0x7E0] =	sst s16  }
0x31: {  	s30 =	sshll.u32 s13, $0x4;
	s18 =	sadd.s32 s0, s14;
	[smem:$0x7E2] =	sst s28  }
0x32: {  	s14 =	sadd.s32 s14, s8;
	s13 =	sshll.u32 s13, $0x5;
	[smem:$0x7E3] =	sst s15  }
0x33: {  	s26 =	sshll.u32 s10, $0x4;
	s10 =	sshll.u32 s10, $0x5;
	[smem:$0x7E5] =	sst s18  }
0x34: {  	s17 =	sadd.s32 s4, s30;
	s19 =	sshll.u32 s12, $0x4;
	[smem:$0x7E6] =	sst s14  }
0x35: {  	s21 =	sadd.s32 s0, s13;
	s13 =	sadd.s32 s13, s8;
	s22 =	sshll.u32 s11, $0x4  }
0x36: {  	s12 =	sshll.u32 s12, $0x5;
	s28 =	sadd.s32 s4, s26;
	s11 =	sshll.u32 s11, $0x5  }
0x37: {  	s15 =	sadd.s32 s0, s10;
	s10 =	sadd.s32 s10, s8;
	[smem:$0x7E4] =	sst s17  }
0x38: {  	s16 =	sshll.u32 s7, $0x4;
	s7 =	sshll.u32 s7, $0x5;
	[smem:$0x7E8] =	sst s21  }
0x39: {  	s26 =	sshrl.u32 s1, $0x1;
	s20 =	sadd.s32 s4, s19;
	[smem:$0x7E9] =	sst s13  }
0x3a: {  	s23 =	sadd.s32 s4, s22;
	s24 =	sadd.s32 s0, s12;
	[smem:$0x7ED] =	sst s28  }
0x3b: {  	s12 =	sadd.s32 s12, s8;
	s30 =	sadd.s32 s0, s11;
	[smem:$0x7F1] =	sst s15  }
0x3c: {  	s11 =	sadd.s32 s11, s8;
	s13 =	sshll.u32 s9, $0x4;
	[smem:$0x7F2] =	sst s10  }
0x3d: {  	s17 =	sadd.s32 s4, s16;
	s9 =	sshll.u32 s9, $0x5;
	[smem:$0x7E7] =	sst s20  }
0x3e: {  	s19 =	sshll.u32 s6, $0x4;
	s21 =	sadd.s32 s0, s7;
	[smem:$0x7EA] =	sst s23  }
0x3f: {  	s7 =	sadd.s32 s7, s8;
	s22 =	sshll.u32 s5, $0x4;
	[smem:$0x7EB] =	sst s24  }
0x40: {  	s6 =	sshll.u32 s6, $0x5;
	s5 =	sshll.u32 s5, $0x5;
	[smem:$0x7EC] =	sst s12  }
0x41: {  	s1 =	ssub.s32 s1, s26;
	s26 =	simm.s32 $0x200;
	[smem:$0x7EE] =	sst s30  }
0x42: {  	s10 =	simm.s32 $0x7400;
	s16 =	simm.s32 $0x5;
	[smem:$0x7EF] =	sst s11  }
0x43: {  	s15 =	simm.s32 $0x7;
	s14 =	sadd.s32 s4, s13;
	[smem:$0x7F3] =	sst s17  }
0x44: {  	s18 =	sadd.s32 s0, s9;
	s9 =	sadd.s32 s9, s8;
	[smem:$0x7F7] =	sst s21  }
0x45: {  	s20 =	sadd.s32 s4, s19;
	[smem:$0x7F8] =	sst s7;
	s4 =	sadd.s32 s4, s22  }
0x46: {  	s23 =	sadd.s32 s0, s6;
	s24 =	sadd.s32 s6, s8;
	s13 =	rddreg [dreg:$0x5]  }
0x47: {  	s0 =	sadd.s32 s0, s5;
	s28 =	sadd.s32 s5, s8;
	[smem:$0x7F0] =	sst s14  }
0x48: {  	s30 =	smax.u32 s1, $0x1;
	s21 =	simm.s32 $0x600;
	[smem:$0x7F4] =	sst s18  }
0x49: {  	s5 =	simm.s32 $0x800;
	s22 =	simm.s32 $0xA00;
	[smem:$0x7F5] =	sst s9  }
0x4a: {  	s1 =	simm.s32 $0x1;
	s6 =	simm.s32 $0x1000;
	[smem:$0x7F6] =	sst s20  }
0x4b: {  	s7 =	simm.s32 $0xD800;
	[smem:$0x7FC] =	sst s0;
	s0 =	sadd.s32 $0xFFFFFFFF, s30  }
0x4c: {  	s11 =	simm.s32 $0x13C00;
	[smem:$0x7F9] =	sst s4;
	p2 =	sne.s32 s0, $0x0  }
.Ltmp0:
0x4d: {  	s8 =	simm.s32 $0x4;
	[smem:$0x7FA] =	sst s23;
	(pc) =	sbr.rel @!p2 .LBB2_1-.Ltmp0, $4  }
0x4e: {  	s19 =	simm.s32 $0x6;
	s17 =	simm.s32 $0x3;
	[smem:$0x7FB] =	sst s24  }
0x4f: {  	s12 =	simm.s32 $0x9;
	[smem:$0x7FD] =	sst s28;
	s4 =	simm.s32 $0x400  }
0x50: {  	s20 =	simm.s32 $0x500;
	s24 =	simm.s32 $0xC00;
	s23 =	simm.s32 $0xD00  }
0x51: {  	s14 =	simm.s32 $0xC8;
	s9 =	simm.s32 $0x2;
	s18 =	simm.s32 $0x8  }
0x52: {  	s20 =	rddreg [dreg:$0x6]  }
0x53: {  	[tilespmem:s3], [sflag:$0x1] =	stream.linear.gather [hbm4b:s13+s3], $0xC8, $0x38;
	[tilespmem:$0x1A000] =	vst v63  }
0x54: {  	s30 =	rddreg [dreg:$0x7]  }
0x55: {  	[tilespmem:s25], [sflag:$0x1] =	stream.linear.gather [hbm4b:s20+s3], $0xC8, $0x38;
	[tilespmem:$0x1A000] =	vst v63  }
0x56: {  	s13 =	rddreg [dreg:$0x9]  }
0x57: {  	[tilespmem:s26], [sflag:$0x1] =	stream.linear.gather [hbm4b:s30+s3], $0xC8, $0x38;
	[tilespmem:$0x1A000] =	vst v63  }
0x58: {  	s31 =	simm.s32 $0x300;
	s20 =	rddreg [dreg:$0x8]  }
0x59: {  	[tilespmem:s31], [sflag:$0x1] =	stream.linear.gather [hbm4b:s20+s3], $0xC8, $0x38;
	[tilespmem:$0x1A000] =	vst v63  }
0x5a: {  	[smem:$0x7D8] =	sst s0  }
0x5b: {  	[tilespmem:s4], [sflag:$0x1] =	stream.linear.gather [hbm4b:s13+s3], $0xC8, $0x38;
	[tilespmem:$0x1A000] =	vst v63  }
0x5c: {  	s22 =	simm.s32 $0x500;
	s20 =	rddreg [dreg:$0xa]  }
0x5d: {  	[tilespmem:s22], [sflag:$0x1] =	stream.linear.gather [hbm4b:s20+s3], $0xC8, $0x38;
	[tilespmem:$0x1A000] =	vst v63  }
0x5e: {  	s13 =	rddreg [dreg:$0xb]  }
0x5f: {  	[tilespmem:s21], [sflag:$0x1] =	stream.linear.gather [hbm4b:s13+s3], $0xC8, $0x38;
	[tilespmem:$0x1A000] =	vst v63  }
0x60: {  	s23 =	simm.s32 $0x700;
	s22 =	rddreg [dreg:$0xc]  }
0x61: {  	[tilespmem:s23], [sflag:$0x1] =	stream.linear.gather [hbm4b:s22+s3], $0xC8, $0x38;
	[tilespmem:$0x1A000] =	vst v63  }
0x62: {  	s21 =	rddreg [dreg:$0xd]  }
0x63: {  	[tilespmem:s5], [sflag:$0x1] =	stream.linear.gather [hbm4b:s21+s3], $0xC8, $0x38;
	[tilespmem:$0x1A000] =	vst v63  }
0x64: {  	s0 =	simm.s32 $0x900;
	s22 =	rddreg [dreg:$0xe]  }
0x65: {  	[tilespmem:s0], [sflag:$0x1] =	stream.linear.gather [hbm4b:s22+s3], $0xC8, $0x38;
	[tilespmem:$0x1A000] =	vst v63  }
0x66: {  	s28 =	simm.s32 $0xA00;
	s23 =	rddreg [dreg:$0xf]  }
0x67: {  	[tilespmem:s28], [sflag:$0x1] =	stream.linear.gather [hbm4b:s23+s3], $0xC8, $0x38;
	[tilespmem:$0x1A000] =	vst v63  }
0x68: {  	s30 =	simm.s32 $0xB00;
	s0 =	rddreg [dreg:$0x10]  }
0x69: {  	[tilespmem:s30], [sflag:$0x1] =	stream.linear.gather [hbm4b:s0+s3], $0xC8, $0x38;
	[tilespmem:$0x1A000] =	vst v63  }
0x6a: {  	s29 =	simm.s32 $0xC00;
	s21 =	rddreg [dreg:$0x11]  }
0x6b: {  	[tilespmem:s29], [sflag:$0x1] =	stream.linear.gather [hbm4b:s21+s3], $0xC8, $0x38;
	[tilespmem:$0x1A000] =	vst v63  }
0x6c: {  	s24 =	simm.s32 $0xD00;
	s30 =	rddreg [dreg:$0x12]  }
0x6d: {  	[tilespmem:s24], [sflag:$0x1] =	stream.linear.gather [hbm4b:s30+s3], $0xC8, $0x38;
	[tilespmem:$0x1A000] =	vst v63  }
0x6e: {  	s0 =	rddreg [dreg:$0x13];
	s21 =	simm.s32 $0xE00  }
0x6f: {  	[tilespmem:s21], [sflag:$0x1] =	stream.linear.gather [hbm4b:s0+s3], $0xC8, $0x38;
	[tilespmem:$0x1A000] =	vst v63  }
0x70: {  	s20 =	rddreg [dreg:$0x14];
	s13 =	simm.s32 @!p0 $0xF00;
	s0 =	simm.s32 @!p0 $0x0  }
0x71: {  	[tilespmem:s13], [sflag:$0x1] =	stream.linear.gather @!p0 [hbm4b:s20+s0], $0xC8, $0x38;
	[tilespmem:$0x1A000] =	vst v63  }
0x72: {  	_ =	swait.ge [sflag:s1], $0xC8  }
0x73: {  	[sflag:s1] =	ssyncset.done $0x0  }
0x74: {  	[sflag:s1] =	ssyncadd.s32 $0xFFFFFF38  }
0x75: {  	_ =	swait.ge [sflag:s1], $0xC8  }
0x76: {  	[sflag:s1] =	ssyncset.done $0x0  }
0x77: {  	[sflag:s1] =	ssyncadd.s32 $0xFFFFFF38  }
0x78: {  	_ =	swait.ge [sflag:s1], $0xC8  }
0x79: {  	[sflag:s1] =	ssyncset.done $0x0  }
0x7a: {  	[sflag:s1] =	ssyncadd.s32 $0xFFFFFF38  }
0x7b: {  	_ =	swait.ge [sflag:s1], $0xC8  }
0x7c: {  	[sflag:s1] =	ssyncset.done $0x0  }
0x7d: {  	[sflag:s1] =	ssyncadd.s32 $0xFFFFFF38  }
0x7e: {  	_ =	swait.ge [sflag:s1], $0xC8  }
0x7f: {  	[sflag:s1] =	ssyncset.done $0x0  }
0x80: {  	[sflag:s1] =	ssyncadd.s32 $0xFFFFFF38  }
0x81: {  	_ =	swait.ge [sflag:s1], $0xC8  }
0x82: {  	[sflag:s1] =	ssyncset.done $0x0  }
0x83: {  	[sflag:s1] =	ssyncadd.s32 $0xFFFFFF38  }
0x84: {  	_ =	swait.ge [sflag:s1], $0xC8  }
0x85: {  	[sflag:s1] =	ssyncset.done $0x0  }
0x86: {  	[sflag:s1] =	ssyncadd.s32 $0xFFFFFF38  }
0x87: {  	_ =	swait.ge [sflag:s1], $0xC8  }
0x88: {  	[sflag:s1] =	ssyncset.done $0x0  }
0x89: {  	[sflag:s1] =	ssyncadd.s32 $0xFFFFFF38  }
0x8a: {  	_ =	swait.ge [sflag:s1], $0xC8  }
0x8b: {  	[sflag:s1] =	ssyncset.done $0x0  }
0x8c: {  	[sflag:s1] =	ssyncadd.s32 $0xFFFFFF38  }
0x8d: {  	_ =	swait.ge [sflag:s1], $0xC8  }
0x8e: {  	[sflag:s1] =	ssyncset.done $0x0  }
0x8f: {  	[sflag:s1] =	ssyncadd.s32 $0xFFFFFF38  }
0x90: {  	_ =	swait.ge [sflag:s1], $0xC8  }
0x91: {  	[sflag:s1] =	ssyncset.done $0x0  }
0x92: {  	[sflag:s1] =	ssyncadd.s32 $0xFFFFFF38  }
0x93: {  	_ =	swait.ge [sflag:s1], $0xC8  }
0x94: {  	[sflag:s1] =	ssyncset.done $0x0  }
0x95: {  	[sflag:s1] =	ssyncadd.s32 $0xFFFFFF38  }
0x96: {  	_ =	swait.ge [sflag:s1], $0xC8  }
0x97: {  	[sflag:s1] =	ssyncset.done $0x0  }
0x98: {  	[sflag:s1] =	ssyncadd.s32 $0xFFFFFF38  }
0x99: {  	_ =	swait.ge [sflag:s1], $0xC8  }
0x9a: {  	[sflag:s1] =	ssyncset.done $0x0  }
0x9b: {  	[sflag:s1] =	ssyncadd.s32 $0xFFFFFF38  }
0x9c: {  	_ =	swait.ge [sflag:s1], $0xC8  }
0x9d: {  	[sflag:s1] =	ssyncset.done $0x0  }
0x9e: {  	s13 =	simm.s32 @!p0 $0x1;
	[sflag:s1] =	ssyncadd.s32 $0xFFFFFF38  }
0x9f: {  	_ =	swait.ge @!p0 [sflag:s13], $0xC8  }
0xa0: {  	[sflag:s13] =	ssyncset.done @!p0 $0x0  }
0xa1: {  	[sflag:s13] =	ssyncadd.s32 @!p0 $0xFFFFFF38  }
0xa2: {  	[tilespmem:s6], [sflag:$0x2] =	stream.indirect.gather [hbm4b:s2+s14], $0x80, s3, s14, $0xb8;
	[tilespmem:$0x1A000] =	vst v63  }
0xa3: {  	s30 =	rddreg [dreg:$0x15]  }
0xa4: {  	[tilespmem:s7], [sflag:$0x4] =	stream.linear.gather [hbm4b:s30+s3], $0x6400, $0x38;
	[tilespmem:$0x1A000] =	vst v63  }
0xa5: {  	_ = 	snop  }
0xa6: {  	[tilespmem:s10], [sflag:$0x3] =	stream.indirect.gather [hbm4b:s2+s14], $0x80, s25, s14, $0xb8;
	[tilespmem:$0x1A000] =	vst v63  }
0xa7: {  	s20 =	rddreg [dreg:$0x16]  }
0xa8: {  	[tilespmem:s11], [sflag:$0x5] =	stream.linear.gather [hbm4b:s20+s3], $0x6400, $0x38;
	[tilespmem:$0x1A000] =	vst v63  }
0xa9: {  	_ =	swait.ge [sflag:s9], $0x6400  }
0xaa: {  	[sflag:s9] =	ssyncset.done $0x0  }
0xab: {  	[sflag:s9] =	ssyncadd.s32 $0xFFFF9C00  }
0xac: {  	_ =	swait.ge [sflag:s8], $0x6400  }
0xad: {  	[sflag:s8] =	ssyncset.done $0x0  }
0xae: {  	s21 =	rddreg [dreg:$0x17];
	[sflag:s8] =	ssyncadd.s32 $0xFFFF9C00  }
0xaf: {  	[hbm4b:s21+s4] =	stream.strided.scatter [tilespmem:s6], [sflag:$0x6], $0x6400, s5, s4, $0x38;
	[tilespmem:$0x1A000] =	vst v63  }
0xb0: {  	s25 =	rddreg [dreg:$0x18]  }
0xb1: {  	[hbm4b:s25+s4] =	stream.strided.scatter [tilespmem:s7], [sflag:$0x8], $0x6400, s5, s4, $0x38;
	[tilespmem:$0x1A000] =	vst v63  }
0xb2: {  	_ =	swait.ge [sflag:s19], $0x6400  }
0xb3: {  	[sflag:s19] =	ssyncset.done $0x0  }
0xb4: {  	[sflag:s19] =	ssyncadd.s32 $0xFFFF9C00  }
0xb5: {  	_ =	swait.ge [sflag:s18], $0x6400  }
0xb6: {  	[sflag:s18] =	ssyncset.done $0x0  }
0xb7: {  	[sflag:s18] =	ssyncadd.s32 $0xFFFF9C00  }
0xb8: {  	[tilespmem:s6], [sflag:$0x2] =	stream.indirect.gather [hbm4b:s2+s14], $0x80, s26, s14, $0xb8;
	[tilespmem:$0x1A000] =	vst v63  }
0xb9: {  	s30 =	rddreg [dreg:$0x19]  }
0xba: {  	[tilespmem:s7], [sflag:$0x4] =	stream.linear.gather [hbm4b:s30+s3], $0x6400, $0x38;
	[tilespmem:$0x1A000] =	vst v63  }
0xbb: {  	_ =	swait.ge [sflag:s17], $0x6400  }
0xbc: {  	[sflag:s17] =	ssyncset.done $0x0  }
0xbd: {  	[sflag:s17] =	ssyncadd.s32 $0xFFFF9C00  }
0xbe: {  	_ =	swait.ge [sflag:s16], $0x6400  }
0xbf: {  	[sflag:s16] =	ssyncset.done $0x0  }
0xc0: {  	s21 =	rddreg [dreg:$0x1a];
	[sflag:s16] =	ssyncadd.s32 $0xFFFF9C00  }
0xc1: {  	[hbm4b:s21+s4] =	stream.strided.scatter [tilespmem:s10], [sflag:$0x7], $0x6400, s5, s4, $0x38;
	[tilespmem:$0x1A000] =	vst v63  }
0xc2: {  	s25 =	rddreg [dreg:$0x1b]  }
0xc3: {  	[hbm4b:s25+s4] =	stream.strided.scatter [tilespmem:s11], [sflag:$0x9], $0x6400, s5, s4, $0x38;
	[tilespmem:$0x1A000] =	vst v63  }
0xc4: {  	_ =	swait.ge [sflag:s15], $0x6400  }
0xc5: {  	[sflag:s15] =	ssyncset.done $0x0  }
0xc6: {  	[sflag:s15] =	ssyncadd.s32 $0xFFFF9C00  }
0xc7: {  	_ =	swait.ge [sflag:s12], $0x6400  }
0xc8: {  	[sflag:s12] =	ssyncset.done $0x0  }
0xc9: {  	s30 =	simm.s32 $0x300;
	[sflag:s12] =	ssyncadd.s32 $0xFFFF9C00  }
0xca: {  	[tilespmem:s10], [sflag:$0x3] =	stream.indirect.gather [hbm4b:s2+s14], $0x80, s30, s14, $0xb8;
	[tilespmem:$0x1A000] =	vst v63  }
0xcb: {  	s26 =	rddreg [dreg:$0x1c]  }
0xcc: {  	[tilespmem:s11], [sflag:$0x5] =	stream.linear.gather [hbm4b:s26+s3], $0x6400, $0x38;
	[tilespmem:$0x1A000] =	vst v63  }
0xcd: {  	_ =	swait.ge [sflag:s9], $0x6400  }
0xce: {  	[sflag:s9] =	ssyncset.done $0x0  }
0xcf: {  	[sflag:s9] =	ssyncadd.s32 $0xFFFF9C00  }
0xd0: {  	_ =	swait.ge [sflag:s8], $0x6400  }
0xd1: {  	[sflag:s8] =	ssyncset.done $0x0  }
0xd2: {  	s25 =	rddreg [dreg:$0x1d];
	[sflag:s8] =	ssyncadd.s32 $0xFFFF9C00  }
0xd3: {  	[hbm4b:s25+s4] =	stream.strided.scatter [tilespmem:s6], [sflag:$0x6], $0x6400, s5, s4, $0x38;
	[tilespmem:$0x1A000] =	vst v63  }
0xd4: {  	s26 =	rddreg [dreg:$0x1e]  }
0xd5: {  	[hbm4b:s26+s4] =	stream.strided.scatter [tilespmem:s7], [sflag:$0x8], $0x6400, s5, s4, $0x38;
	[tilespmem:$0x1A000] =	vst v63  }
0xd6: {  	_ =	swait.ge [sflag:s19], $0x6400  }
0xd7: {  	[sflag:s19] =	ssyncset.done $0x0  }
0xd8: {  	[sflag:s19] =	ssyncadd.s32 $0xFFFF9C00  }
0xd9: {  	_ =	swait.ge [sflag:s18], $0x6400  }
0xda: {  	[sflag:s18] =	ssyncset.done $0x0  }
0xdb: {  	[sflag:s18] =	ssyncadd.s32 $0xFFFF9C00  }
0xdc: {  	[tilespmem:s6], [sflag:$0x2] =	stream.indirect.gather [hbm4b:s2+s14], $0x80, s4, s14, $0xb8;
	[tilespmem:$0x1A000] =	vst v63  }
0xdd: {  	s30 =	rddreg [dreg:$0x1f]  }
0xde: {  	[tilespmem:s7], [sflag:$0x4] =	stream.linear.gather [hbm4b:s30+s3], $0x6400, $0x38;
	[tilespmem:$0x1A000] =	vst v63  }
0xdf: {  	_ =	swait.ge [sflag:s17], $0x6400  }
0xe0: {  	[sflag:s17] =	ssyncset.done $0x0  }
0xe1: {  	[sflag:s17] =	ssyncadd.s32 $0xFFFF9C00  }
0xe2: {  	_ =	swait.ge [sflag:s16], $0x6400  }
0xe3: {  	s21 =	sld [smem:$0x7D9]  }
0xe4: {  	[sflag:s16] =	ssyncset.done $0x0  }
0xe5: {  	s25 =	sld [smem:$0x7DA];
	[sflag:s16] =	ssyncadd.s32 $0xFFFF9C00  }
0xe6: {  	[hbm4b:s21+s4] =	stream.strided.scatter [tilespmem:s10], [sflag:$0x7], $0x6400, s5, s4, $0x38;
	[tilespmem:$0x1A000] =	vst v63  }
0xe7: {  	_ = 	snop  }
0xe8: {  	[hbm4b:s25+s4] =	stream.strided.scatter [tilespmem:s11], [sflag:$0x9], $0x6400, s5, s4, $0x38;
	[tilespmem:$0x1A000] =	vst v63  }
0xe9: {  	_ =	swait.ge [sflag:s15], $0x6400  }
0xea: {  	[sflag:s15] =	ssyncset.done $0x0  }
0xeb: {  	[sflag:s15] =	ssyncadd.s32 $0xFFFF9C00  }
0xec: {  	_ =	swait.ge [sflag:s12], $0x6400  }
0xed: {  	[sflag:s12] =	ssyncset.done $0x0  }
0xee: {  	s30 =	simm.s32 $0x500;
	s26 =	sld [smem:$0x7DB];
	[sflag:s12] =	ssyncadd.s32 $0xFFFF9C00  }
0xef: {  	[tilespmem:s10], [sflag:$0x3] =	stream.indirect.gather [hbm4b:s2+s14], $0x80, s30, s14, $0xb8;
	[tilespmem:$0x1A000] =	vst v63  }
0xf0: {  	_ = 	snop  }
0xf1: {  	[tilespmem:s11], [sflag:$0x5] =	stream.linear.gather [hbm4b:s26+s3], $0x6400, $0x38;
	[tilespmem:$0x1A000] =	vst v63  }
0xf2: {  	_ =	swait.ge [sflag:s9], $0x6400  }
0xf3: {  	[sflag:s9] =	ssyncset.done $0x0  }
0xf4: {  	[sflag:s9] =	ssyncadd.s32 $0xFFFF9C00  }
0xf5: {  	_ =	swait.ge [sflag:s8], $0x6400  }
0xf6: {  	s21 =	sld [smem:$0x7DC]  }
0xf7: {  	[sflag:s8] =	ssyncset.done $0x0  }
0xf8: {  	s25 =	sld [smem:$0x7DD];
	[sflag:s8] =	ssyncadd.s32 $0xFFFF9C00  }
0xf9: {  	[hbm4b:s21+s4] =	stream.strided.scatter [tilespmem:s6], [sflag:$0x6], $0x6400, s5, s4, $0x38;
	[tilespmem:$0x1A000] =	vst v63  }
0xfa: {  	_ = 	snop  }
0xfb: {  	[hbm4b:s25+s4] =	stream.strided.scatter [tilespmem:s7], [sflag:$0x8], $0x6400, s5, s4, $0x38;
	[tilespmem:$0x1A000] =	vst v63  }
0xfc: {  	_ =	swait.ge [sflag:s19], $0x6400  }
0xfd: {  	[sflag:s19] =	ssyncset.done $0x0  }
0xfe: {  	[sflag:s19] =	ssyncadd.s32 $0xFFFF9C00  }
0xff: {  	_ =	swait.ge [sflag:s18], $0x6400  }
0x100: {  	[sflag:s18] =	ssyncset.done $0x0  }
0x101: {  	s20 =	simm.s32 $0x600;
	s26 =	sld [smem:$0x7DE];
	[sflag:s18] =	ssyncadd.s32 $0xFFFF9C00  }
0x102: {  	[tilespmem:s6], [sflag:$0x2] =	stream.indirect.gather [hbm4b:s2+s14], $0x80, s20, s14, $0xb8;
	[tilespmem:$0x1A000] =	vst v63  }
0x103: {  	_ = 	snop  }
0x104: {  	[tilespmem:s7], [sflag:$0x4] =	stream.linear.gather [hbm4b:s26+s3], $0x6400, $0x38;
	[tilespmem:$0x1A000] =	vst v63  }
0x105: {  	_ =	swait.ge [sflag:s17], $0x6400  }
0x106: {  	[sflag:s17] =	ssyncset.done $0x0  }
0x107: {  	[sflag:s17] =	ssyncadd.s32 $0xFFFF9C00  }
0x108: {  	_ =	swait.ge [sflag:s16], $0x6400  }
0x109: {  	s30 =	sld [smem:$0x7DF]  }
0x10a: {  	[sflag:s16] =	ssyncset.done $0x0  }
0x10b: {  	s20 =	sld [smem:$0x7E0];
	[sflag:s16] =	ssyncadd.s32 $0xFFFF9C00  }
0x10c: {  	[hbm4b:s30+s4] =	stream.strided.scatter [tilespmem:s10], [sflag:$0x7], $0x6400, s5, s4, $0x38;
	[tilespmem:$0x1A000] =	vst v63  }
0x10d: {  	_ = 	snop  }
0x10e: {  	[hbm4b:s20+s4] =	stream.strided.scatter [tilespmem:s11], [sflag:$0x9], $0x6400, s5, s4, $0x38;
	[tilespmem:$0x1A000] =	vst v63  }
0x10f: {  	_ =	swait.ge [sflag:s15], $0x6400  }
0x110: {  	[sflag:s15] =	ssyncset.done $0x0  }
0x111: {  	[sflag:s15] =	ssyncadd.s32 $0xFFFF9C00  }
0x112: {  	_ =	swait.ge [sflag:s12], $0x6400  }
0x113: {  	[sflag:s12] =	ssyncset.done $0x0  }
0x114: {  	s25 =	simm.s32 $0x700;
	s21 =	sld [smem:$0x7E1];
	[sflag:s12] =	ssyncadd.s32 $0xFFFF9C00  }
0x115: {  	[tilespmem:s10], [sflag:$0x3] =	stream.indirect.gather [hbm4b:s2+s14], $0x80, s25, s14, $0xb8;
	[tilespmem:$0x1A000] =	vst v63  }
0x116: {  	_ = 	snop  }
0x117: {  	[tilespmem:s11], [sflag:$0x5] =	stream.linear.gather [hbm4b:s21+s3], $0x6400, $0x38;
	[tilespmem:$0x1A000] =	vst v63  }
0x118: {  	_ =	swait.ge [sflag:s9], $0x6400  }
0x119: {  	[sflag:s9] =	ssyncset.done $0x0  }
0x11a: {  	[sflag:s9] =	ssyncadd.s32 $0xFFFF9C00  }
0x11b: {  	_ =	swait.ge [sflag:s8], $0x6400  }
0x11c: {  	s26 =	sld [smem:$0x7E2]  }
0x11d: {  	[sflag:s8] =	ssyncset.done $0x0  }
0x11e: {  	s30 =	sld [smem:$0x7E3];
	[sflag:s8] =	ssyncadd.s32 $0xFFFF9C00  }
0x11f: {  	[hbm4b:s26+s4] =	stream.strided.scatter [tilespmem:s6], [sflag:$0x6], $0x6400, s5, s4, $0x38;
	[tilespmem:$0x1A000] =	vst v63  }
0x120: {  	_ = 	snop  }
0x121: {  	[hbm4b:s30+s4] =	stream.strided.scatter [tilespmem:s7], [sflag:$0x8], $0x6400, s5, s4, $0x38;
	[tilespmem:$0x1A000] =	vst v63  }
0x122: {  	_ =	swait.ge [sflag:s19], $0x6400  }
0x123: {  	[sflag:s19] =	ssyncset.done $0x0  }
0x124: {  	[sflag:s19] =	ssyncadd.s32 $0xFFFF9C00  }
0x125: {  	_ =	swait.ge [sflag:s18], $0x6400  }
0x126: {  	[sflag:s18] =	ssyncset.done $0x0  }
0x127: {  	s20 =	sld [smem:$0x7E4];
	[sflag:s18] =	ssyncadd.s32 $0xFFFF9C00  }
0x128: {  	[tilespmem:s6], [sflag:$0x2] =	stream.indirect.gather [hbm4b:s2+s14], $0x80, s5, s14, $0xb8;
	[tilespmem:$0x1A000] =	vst v63  }
0x129: {  	_ = 	snop  }
0x12a: {  	[tilespmem:s7], [sflag:$0x4] =	stream.linear.gather [hbm4b:s20+s3], $0x6400, $0x38;
	[tilespmem:$0x1A000] =	vst v63  }
0x12b: {  	_ =	swait.ge [sflag:s17], $0x6400  }
0x12c: {  	[sflag:s17] =	ssyncset.done $0x0  }
0x12d: {  	[sflag:s17] =	ssyncadd.s32 $0xFFFF9C00  }
0x12e: {  	_ =	swait.ge [sflag:s16], $0x6400  }
0x12f: {  	s21 =	sld [smem:$0x7E5]  }
0x130: {  	[sflag:s16] =	ssyncset.done $0x0  }
0x131: {  	s25 =	sld [smem:$0x7E6];
	[sflag:s16] =	ssyncadd.s32 $0xFFFF9C00  }
0x132: {  	[hbm4b:s21+s4] =	stream.strided.scatter [tilespmem:s10], [sflag:$0x7], $0x6400, s5, s4, $0x38;
	[tilespmem:$0x1A000] =	vst v63  }
0x133: {  	_ = 	snop  }
0x134: {  	[hbm4b:s25+s4] =	stream.strided.scatter [tilespmem:s11], [sflag:$0x9], $0x6400, s5, s4, $0x38;
	[tilespmem:$0x1A000] =	vst v63  }
0x135: {  	_ =	swait.ge [sflag:s15], $0x6400  }
0x136: {  	[sflag:s15] =	ssyncset.done $0x0  }
0x137: {  	[sflag:s15] =	ssyncadd.s32 $0xFFFF9C00  }
0x138: {  	_ =	swait.ge [sflag:s12], $0x6400  }
0x139: {  	[sflag:s12] =	ssyncset.done $0x0  }
0x13a: {  	s31 =	simm.s32 $0x900;
	s26 =	sld [smem:$0x7E7];
	[sflag:s12] =	ssyncadd.s32 $0xFFFF9C00  }
0x13b: {  	[tilespmem:s10], [sflag:$0x3] =	stream.indirect.gather [hbm4b:s2+s14], $0x80, s31, s14, $0xb8;
	[tilespmem:$0x1A000] =	vst v63  }
0x13c: {  	_ = 	snop  }
0x13d: {  	[tilespmem:s11], [sflag:$0x5] =	stream.linear.gather [hbm4b:s26+s3], $0x6400, $0x38;
	[tilespmem:$0x1A000] =	vst v63  }
0x13e: {  	_ =	swait.ge [sflag:s9], $0x6400  }
0x13f: {  	[sflag:s9] =	ssyncset.done $0x0  }
0x140: {  	[sflag:s9] =	ssyncadd.s32 $0xFFFF9C00  }
0x141: {  	_ =	swait.ge [sflag:s8], $0x6400  }
0x142: {  	s30 =	sld [smem:$0x7E8]  }
0x143: {  	[sflag:s8] =	ssyncset.done $0x0  }
0x144: {  	s20 =	sld [smem:$0x7E9];
	[sflag:s8] =	ssyncadd.s32 $0xFFFF9C00  }
0x145: {  	[hbm4b:s30+s4] =	stream.strided.scatter [tilespmem:s6], [sflag:$0x6], $0x6400, s5, s4, $0x38;
	[tilespmem:$0x1A000] =	vst v63  }
0x146: {  	_ = 	snop  }
0x147: {  	[hbm4b:s20+s4] =	stream.strided.scatter [tilespmem:s7], [sflag:$0x8], $0x6400, s5, s4, $0x38;
	[tilespmem:$0x1A000] =	vst v63  }
0x148: {  	_ =	swait.ge [sflag:s19], $0x6400  }
0x149: {  	[sflag:s19] =	ssyncset.done $0x0  }
0x14a: {  	[sflag:s19] =	ssyncadd.s32 $0xFFFF9C00  }
0x14b: {  	_ =	swait.ge [sflag:s18], $0x6400  }
0x14c: {  	[sflag:s18] =	ssyncset.done $0x0  }
0x14d: {  	s22 =	simm.s32 $0xA00;
	s25 =	sld [smem:$0x7EA];
	[sflag:s18] =	ssyncadd.s32 $0xFFFF9C00  }
0x14e: {  	[tilespmem:s6], [sflag:$0x2] =	stream.indirect.gather [hbm4b:s2+s14], $0x80, s22, s14, $0xb8;
	[tilespmem:$0x1A000] =	vst v63  }
0x14f: {  	_ = 	snop  }
0x150: {  	[tilespmem:s7], [sflag:$0x4] =	stream.linear.gather [hbm4b:s25+s3], $0x6400, $0x38;
	[tilespmem:$0x1A000] =	vst v63  }
0x151: {  	_ =	swait.ge [sflag:s17], $0x6400  }
0x152: {  	[sflag:s17] =	ssyncset.done $0x0  }
0x153: {  	[sflag:s17] =	ssyncadd.s32 $0xFFFF9C00  }
0x154: {  	_ =	swait.ge [sflag:s16], $0x6400  }
0x155: {  	s26 =	sld [smem:$0x7EB]  }
0x156: {  	[sflag:s16] =	ssyncset.done $0x0  }
0x157: {  	s30 =	sld [smem:$0x7EC];
	[sflag:s16] =	ssyncadd.s32 $0xFFFF9C00  }
0x158: {  	[hbm4b:s26+s4] =	stream.strided.scatter [tilespmem:s10], [sflag:$0x7], $0x6400, s5, s4, $0x38;
	[tilespmem:$0x1A000] =	vst v63  }
0x159: {  	_ = 	snop  }
0x15a: {  	[hbm4b:s30+s4] =	stream.strided.scatter [tilespmem:s11], [sflag:$0x9], $0x6400, s5, s4, $0x38;
	[tilespmem:$0x1A000] =	vst v63  }
0x15b: {  	_ =	swait.ge [sflag:s15], $0x6400  }
0x15c: {  	[sflag:s15] =	ssyncset.done $0x0  }
0x15d: {  	[sflag:s15] =	ssyncadd.s32 $0xFFFF9C00  }
0x15e: {  	_ =	swait.ge [sflag:s12], $0x6400  }
0x15f: {  	[sflag:s12] =	ssyncset.done $0x0  }
0x160: {  	s23 =	simm.s32 $0xB00;
	s20 =	sld [smem:$0x7ED];
	[sflag:s12] =	ssyncadd.s32 $0xFFFF9C00  }
0x161: {  	[tilespmem:s10], [sflag:$0x3] =	stream.indirect.gather [hbm4b:s2+s14], $0x80, s23, s14, $0xb8;
	[tilespmem:$0x1A000] =	vst v63  }
0x162: {  	_ = 	snop  }
0x163: {  	[tilespmem:s11], [sflag:$0x5] =	stream.linear.gather [hbm4b:s20+s3], $0x6400, $0x38;
	[tilespmem:$0x1A000] =	vst v63  }
0x164: {  	_ =	swait.ge [sflag:s9], $0x6400  }
0x165: {  	[sflag:s9] =	ssyncset.done $0x0  }
0x166: {  	[sflag:s9] =	ssyncadd.s32 $0xFFFF9C00  }
0x167: {  	_ =	swait.ge [sflag:s8], $0x6400  }
0x168: {  	s21 =	sld [smem:$0x7EE]  }
0x169: {  	[sflag:s8] =	ssyncset.done $0x0  }
0x16a: {  	s22 =	sld [smem:$0x7EF];
	[sflag:s8] =	ssyncadd.s32 $0xFFFF9C00  }
0x16b: {  	[hbm4b:s21+s4] =	stream.strided.scatter [tilespmem:s6], [sflag:$0x6], $0x6400, s5, s4, $0x38;
	[tilespmem:$0x1A000] =	vst v63  }
0x16c: {  	_ = 	snop  }
0x16d: {  	[hbm4b:s22+s4] =	stream.strided.scatter [tilespmem:s7], [sflag:$0x8], $0x6400, s5, s4, $0x38;
	[tilespmem:$0x1A000] =	vst v63  }
0x16e: {  	_ =	swait.ge [sflag:s19], $0x6400  }
0x16f: {  	[sflag:s19] =	ssyncset.done $0x0  }
0x170: {  	[sflag:s19] =	ssyncadd.s32 $0xFFFF9C00  }
0x171: {  	_ =	swait.ge [sflag:s18], $0x6400  }
0x172: {  	[sflag:s18] =	ssyncset.done $0x0  }
0x173: {  	s29 =	simm.s32 $0xC00;
	s23 =	sld [smem:$0x7F0];
	[sflag:s18] =	ssyncadd.s32 $0xFFFF9C00  }
0x174: {  	[tilespmem:s6], [sflag:$0x2] =	stream.indirect.gather [hbm4b:s2+s14], $0x80, s29, s14, $0xb8;
	[tilespmem:$0x1A000] =	vst v63  }
0x175: {  	_ = 	snop  }
0x176: {  	[tilespmem:s7], [sflag:$0x4] =	stream.linear.gather [hbm4b:s23+s3], $0x6400, $0x38;
	[tilespmem:$0x1A000] =	vst v63  }
0x177: {  	_ =	swait.ge [sflag:s17], $0x6400  }
0x178: {  	[sflag:s17] =	ssyncset.done $0x0  }
0x179: {  	[sflag:s17] =	ssyncadd.s32 $0xFFFF9C00  }
0x17a: {  	_ =	swait.ge [sflag:s16], $0x6400  }
0x17b: {  	s25 =	sld [smem:$0x7F1]  }
0x17c: {  	[sflag:s16] =	ssyncset.done $0x0  }
0x17d: {  	s26 =	sld [smem:$0x7F2];
	[sflag:s16] =	ssyncadd.s32 $0xFFFF9C00  }
0x17e: {  	[hbm4b:s25+s4] =	stream.strided.scatter [tilespmem:s10], [sflag:$0x7], $0x6400, s5, s4, $0x38;
	[tilespmem:$0x1A000] =	vst v63  }
0x17f: {  	_ = 	snop  }
0x180: {  	[hbm4b:s26+s4] =	stream.strided.scatter [tilespmem:s11], [sflag:$0x9], $0x6400, s5, s4, $0x38;
	[tilespmem:$0x1A000] =	vst v63  }
0x181: {  	_ =	swait.ge [sflag:s15], $0x6400  }
0x182: {  	[sflag:s15] =	ssyncset.done $0x0  }
0x183: {  	[sflag:s15] =	ssyncadd.s32 $0xFFFF9C00  }
0x184: {  	_ =	swait.ge [sflag:s12], $0x6400  }
0x185: {  	[sflag:s12] =	ssyncset.done $0x0  }
0x186: {  	s24 =	simm.s32 $0xD00;
	s29 =	sld [smem:$0x7F3];
	[sflag:s12] =	ssyncadd.s32 $0xFFFF9C00  }
0x187: {  	[tilespmem:s10], [sflag:$0x3] =	stream.indirect.gather [hbm4b:s2+s14], $0x80, s24, s14, $0xb8;
	[tilespmem:$0x1A000] =	vst v63  }
0x188: {  	_ = 	snop  }
0x189: {  	[tilespmem:s11], [sflag:$0x5] =	stream.linear.gather [hbm4b:s29+s3], $0x6400, $0x38;
	[tilespmem:$0x1A000] =	vst v63  }
0x18a: {  	_ =	swait.ge [sflag:s9], $0x6400  }
0x18b: {  	[sflag:s9] =	ssyncset.done $0x0  }
0x18c: {  	[sflag:s9] =	ssyncadd.s32 $0xFFFF9C00  }
0x18d: {  	_ =	swait.ge [sflag:s8], $0x6400  }
0x18e: {  	s30 =	sld [smem:$0x7F4]  }
0x18f: {  	[sflag:s8] =	ssyncset.done $0x0  }
0x190: {  	s20 =	sld [smem:$0x7F5];
	[sflag:s8] =	ssyncadd.s32 $0xFFFF9C00  }
0x191: {  	[hbm4b:s30+s4] =	stream.strided.scatter [tilespmem:s6], [sflag:$0x6], $0x6400, s5, s4, $0x38;
	[tilespmem:$0x1A000] =	vst v63  }
0x192: {  	_ = 	snop  }
0x193: {  	[hbm4b:s20+s4] =	stream.strided.scatter [tilespmem:s7], [sflag:$0x8], $0x6400, s5, s4, $0x38;
	[tilespmem:$0x1A000] =	vst v63  }
0x194: {  	_ =	swait.ge [sflag:s19], $0x6400  }
0x195: {  	[sflag:s19] =	ssyncset.done $0x0  }
0x196: {  	[sflag:s19] =	ssyncadd.s32 $0xFFFF9C00  }
0x197: {  	_ =	swait.ge [sflag:s18], $0x6400  }
0x198: {  	[sflag:s18] =	ssyncset.done $0x0  }
0x199: {  	s23 =	simm.s32 $0xE00;
	s22 =	sld [smem:$0x7F6];
	[sflag:s18] =	ssyncadd.s32 $0xFFFF9C00  }
0x19a: {  	[tilespmem:s6], [sflag:$0x2] =	stream.indirect.gather [hbm4b:s2+s14], $0x80, s23, s14, $0xb8;
	[tilespmem:$0x1A000] =	vst v63  }
0x19b: {  	_ = 	snop  }
0x19c: {  	[tilespmem:s7], [sflag:$0x4] =	stream.linear.gather [hbm4b:s22+s3], $0x6400, $0x38;
	[tilespmem:$0x1A000] =	vst v63  }
0x19d: {  	_ =	swait.ge [sflag:s17], $0x6400  }
0x19e: {  	[sflag:s17] =	ssyncset.done $0x0  }
0x19f: {  	[sflag:s17] =	ssyncadd.s32 $0xFFFF9C00  }
0x1a0: {  	_ =	swait.ge [sflag:s16], $0x6400  }
0x1a1: {  	s24 =	sld [smem:$0x7F7]  }
0x1a2: {  	[sflag:s16] =	ssyncset.done $0x0  }
0x1a3: {  	s25 =	sld [smem:$0x7F8];
	[sflag:s16] =	ssyncadd.s32 $0xFFFF9C00  }
0x1a4: {  	[hbm4b:s24+s4] =	stream.strided.scatter [tilespmem:s10], [sflag:$0x7], $0x6400, s5, s4, $0x38;
	[tilespmem:$0x1A000] =	vst v63  }
0x1a5: {  	_ = 	snop  }
0x1a6: {  	[hbm4b:s25+s4] =	stream.strided.scatter [tilespmem:s11], [sflag:$0x9], $0x6400, s5, s4, $0x38;
	[tilespmem:$0x1A000] =	vst v63  }
0x1a7: {  	_ =	swait.ge [sflag:s15], $0x6400  }
0x1a8: {  	[sflag:s15] =	ssyncset.done $0x0  }
0x1a9: {  	[sflag:s15] =	ssyncadd.s32 $0xFFFF9C00  }
0x1aa: {  	_ =	swait.ge [sflag:s12], $0x6400  }
0x1ab: {  	s21 =	simm.s32 @!p0 $0xC8;
	s20 =	simm.s32 @!p0 $0x7400;
	[sflag:s12] =	ssyncset.done $0x0  }
0x1ac: {  	s22 =	simm.s32 @!p0 $0xF00;
	s13 =	sld [smem:$0x7F9];
	[sflag:s12] =	ssyncadd.s32 $0xFFFF9C00  }
0x1ad: {  	[tilespmem:s20], [sflag:$0x3] =	stream.indirect.gather @!p0 [hbm4b:s2+s21], $0x80, s22, s21, $0xb8;
	[tilespmem:$0x1A000] =	vst v63  }
0x1ae: {  	s21 =	simm.s32 @!p0 $0x13C00  }
0x1af: {  	[tilespmem:s21], [sflag:$0x5] =	stream.linear.gather @!p0 [hbm4b:s13+s0], $0x6400, $0x38;
	[tilespmem:$0x1A000] =	vst v63  }
0x1b0: {  	_ =	swait.ge [sflag:s9], $0x6400  }
0x1b1: {  	[sflag:s9] =	ssyncset.done $0x0  }
0x1b2: {  	[sflag:s9] =	ssyncadd.s32 $0xFFFF9C00  }
0x1b3: {  	_ =	swait.ge [sflag:s8], $0x6400  }
0x1b4: {  	s26 =	sld [smem:$0x7FA]  }
0x1b5: {  	[sflag:s8] =	ssyncset.done $0x0  }
0x1b6: {  	s29 =	sld [smem:$0x7FB];
	[sflag:s8] =	ssyncadd.s32 $0xFFFF9C00  }
0x1b7: {  	[hbm4b:s26+s4] =	stream.strided.scatter [tilespmem:s6], [sflag:$0x6], $0x6400, s5, s4, $0x38;
	[tilespmem:$0x1A000] =	vst v63  }
0x1b8: {  	s13 =	simm.s32 @!p0 $0x3  }
0x1b9: {  	[hbm4b:s29+s4] =	stream.strided.scatter [tilespmem:s7], [sflag:$0x8], $0x6400, s5, s4, $0x38;
	[tilespmem:$0x1A000] =	vst v63  }
0x1ba: {  	_ =	swait.ge @!p0 [sflag:s13], $0x6400  }
0x1bb: {  	[sflag:s13] =	ssyncset.done @!p0 $0x0  }
0x1bc: {  	s23 =	simm.s32 @!p0 $0x5;
	[sflag:s13] =	ssyncadd.s32 @!p0 $0xFFFF9C00  }
0x1bd: {  	_ =	swait.ge @!p0 [sflag:s23], $0x6400  }
0x1be: {  	s13 =	sld [smem:$0x7FC]  }
0x1bf: {  	s22 =	simm.s32 @!p0 $0x800;
	[sflag:s23] =	ssyncset.done @!p0 $0x0  }
0x1c0: {  	s29 =	sld [smem:$0x7FD];
	[sflag:s23] =	ssyncadd.s32 @!p0 $0xFFFF9C00;
	s23 =	simm.s32 @!p0 $0x400  }
0x1c1: {  	[hbm4b:s13+s23] =	stream.strided.scatter @!p0 [tilespmem:s20], [sflag:$0x7], $0x6400, s22, s23, $0x38;
	[tilespmem:$0x1A000] =	vst v63  }
0x1c2: {  	s13 =	simm.s32 @!p0 $0x6  }
0x1c3: {  	[hbm4b:s29+s23] =	stream.strided.scatter @!p0 [tilespmem:s21], [sflag:$0x9], $0x6400, s22, s23, $0x38;
	[tilespmem:$0x1A000] =	vst v63  }
0x1c4: {  	_ =	swait.ge @!p0 [sflag:s13], $0x6400  }
0x1c5: {  	[sflag:s13] =	ssyncset.done @!p0 $0x0  }
0x1c6: {  	[sflag:s13] =	ssyncadd.s32 @!p0 $0xFFFF9C00;
	s13 =	simm.s32 @!p0 $0x8  }
0x1c7: {  	_ =	swait.ge @!p0 [sflag:s13], $0x6400  }
0x1c8: {  	s31 =	simm.s32 @!p0 $0x7;
	[sflag:s13] =	ssyncset.done @!p0 $0x0  }
0x1c9: {  	s31 =	simm.s32 @p0 $0x6;
	[sflag:s13] =	ssyncadd.s32 @!p0 $0xFFFF9C00  }
0x1ca: {  	_ =	swait.ge [sflag:s31], $0x6400  }
0x1cb: {  	s30 =	sld [smem:$0x7D8];
	_ =	sdelay $0x2  }
0x1cc: {  	s0 =	sadd.s32 $0xFFFFFFFF, s30  }
0x1cd: {  	p2 =	sne.s32 s0, $0x0  }
.Ltmp1:
0x1ce: {  	_ = 	snop;
	(pc) =	sbr.rel @!p2 .LBB2_7-.Ltmp1, $4  }
0x1cf: {  	s28 =	simm.s32 @!p0 $0x9;
	[sflag:s31] =	ssyncset.done $0x0  }
0x1d0: {  	s28 =	simm.s32 @p0 $0x8;
	[sflag:s31] =	ssyncadd.s32 $0xFFFF9C00  }
0x1d1: {  	_ =	swait.ge [sflag:s28], $0x6400  }
0x1d2: {  	p1 =	por $0x1, $0x1;
	s13 =	rddreg [dreg:$0x5];
	[sflag:s28] =	ssyncset.done $0x0  }
0x1d3: {  	s29 =	simm.s32 $0x100;
	s30 =	simm.s32 $0x200;
	s25 =	simm.s32 $0x500  }
.LBB2_4:
0x1d4: {  	[sflag:s28] =	ssyncadd.s32 $0xFFFF9C00  }
0x1d5: {  	[tilespmem:s3], [sflag:$0x1] =	stream.linear.gather [hbm4b:s13+s3], $0xC8, $0x38;
	[tilespmem:$0x1A000] =	vst v63  }
0x1d6: {  	s21 =	rddreg [dreg:$0x6]  }
0x1d7: {  	[tilespmem:s29], [sflag:$0x1] =	stream.linear.gather [hbm4b:s21+s3], $0xC8, $0x38;
	[tilespmem:$0x1A000] =	vst v63  }
0x1d8: {  	s24 =	rddreg [dreg:$0x7]  }
0x1d9: {  	[tilespmem:s30], [sflag:$0x1] =	stream.linear.gather [hbm4b:s24+s3], $0xC8, $0x38;
	[tilespmem:$0x1A000] =	vst v63  }
0x1da: {  	s26 =	rddreg [dreg:$0x8];
	s22 =	simm.s32 $0x300  }
0x1db: {  	[tilespmem:s22], [sflag:$0x1] =	stream.linear.gather [hbm4b:s26+s3], $0xC8, $0x38;
	[tilespmem:$0x1A000] =	vst v63  }
0x1dc: {  	s20 =	rddreg [dreg:$0x9]  }
0x1dd: {  	[tilespmem:s4], [sflag:$0x1] =	stream.linear.gather [hbm4b:s20+s3], $0xC8, $0x38;
	[tilespmem:$0x1A000] =	vst v63  }
0x1de: {  	s23 =	rddreg [dreg:$0xa]  }
0x1df: {  	[tilespmem:s25], [sflag:$0x1] =	stream.linear.gather [hbm4b:s23+s3], $0xC8, $0x38;
	[tilespmem:$0x1A000] =	vst v63  }
0x1e0: {  	s24 =	rddreg [dreg:$0xb];
	s23 =	simm.s32 $0x600  }
0x1e1: {  	[tilespmem:s23], [sflag:$0x1] =	stream.linear.gather [hbm4b:s24+s3], $0xC8, $0x38;
	[tilespmem:$0x1A000] =	vst v63  }
0x1e2: {  	s26 =	rddreg [dreg:$0xc];
	s20 =	simm.s32 $0x700  }
0x1e3: {  	[tilespmem:s20], [sflag:$0x1] =	stream.linear.gather [hbm4b:s26+s3], $0xC8, $0x38;
	[tilespmem:$0x1A000] =	vst v63  }
0x1e4: {  	s24 =	rddreg [dreg:$0xd]  }
0x1e5: {  	[tilespmem:s5], [sflag:$0x1] =	stream.linear.gather [hbm4b:s24+s3], $0xC8, $0x38;
	[tilespmem:$0x1A000] =	vst v63  }
0x1e6: {  	s26 =	rddreg [dreg:$0xe];
	s24 =	simm.s32 $0x900  }
0x1e7: {  	[tilespmem:s24], [sflag:$0x1] =	stream.linear.gather [hbm4b:s26+s3], $0xC8, $0x38;
	[tilespmem:$0x1A000] =	vst v63  }
0x1e8: {  	s13 =	rddreg [dreg:$0xf];
	s26 =	simm.s32 $0xA00  }
0x1e9: {  	[tilespmem:s26], [sflag:$0x1] =	stream.linear.gather [hbm4b:s13+s3], $0xC8, $0x38;
	[tilespmem:$0x1A000] =	vst v63  }
0x1ea: {  	s21 =	rddreg [dreg:$0x10];
	s26 =	simm.s32 $0xB00  }
0x1eb: {  	[tilespmem:s26], [sflag:$0x1] =	stream.linear.gather [hbm4b:s21+s3], $0xC8, $0x38;
	[tilespmem:$0x1A000] =	vst v63  }
0x1ec: {  	s13 =	rddreg [dreg:$0x11];
	s26 =	simm.s32 $0xC00  }
0x1ed: {  	[tilespmem:s26], [sflag:$0x1] =	stream.linear.gather [hbm4b:s13+s3], $0xC8, $0x38;
	[tilespmem:$0x1A000] =	vst v63  }
0x1ee: {  	s21 =	rddreg [dreg:$0x12];
	s26 =	simm.s32 $0xD00  }
0x1ef: {  	[tilespmem:s26], [sflag:$0x1] =	stream.linear.gather [hbm4b:s21+s3], $0xC8, $0x38;
	[tilespmem:$0x1A000] =	vst v63  }
0x1f0: {  	s13 =	rddreg [dreg:$0x13];
	s26 =	simm.s32 $0xE00  }
0x1f1: {  	[tilespmem:s26], [sflag:$0x1] =	stream.linear.gather [hbm4b:s13+s3], $0xC8, $0x38;
	[tilespmem:$0x1A000] =	vst v63  }
0x1f2: {  	s21 =	rddreg [dreg:$0x14];
	s13 =	simm.s32 @!p0 $0x0;
	s26 =	simm.s32 @!p0 $0xF00  }
0x1f3: {  	[tilespmem:s26], [sflag:$0x1] =	stream.linear.gather @!p0 [hbm4b:s21+s13], $0xC8, $0x38;
	[tilespmem:$0x1A000] =	vst v63  }
0x1f4: {  	_ =	swait.ge [sflag:s1], $0xC8  }
0x1f5: {  	[sflag:s1] =	ssyncset.done $0x0  }
0x1f6: {  	[sflag:s1] =	ssyncadd.s32 $0xFFFFFF38  }
0x1f7: {  	_ =	swait.ge [sflag:s1], $0xC8  }
0x1f8: {  	[sflag:s1] =	ssyncset.done $0x0  }
0x1f9: {  	[sflag:s1] =	ssyncadd.s32 $0xFFFFFF38  }
0x1fa: {  	_ =	swait.ge [sflag:s1], $0xC8  }
0x1fb: {  	[sflag:s1] =	ssyncset.done $0x0  }
0x1fc: {  	[sflag:s1] =	ssyncadd.s32 $0xFFFFFF38  }
0x1fd: {  	_ =	swait.ge [sflag:s1], $0xC8  }
0x1fe: {  	[sflag:s1] =	ssyncset.done $0x0  }
0x1ff: {  	[sflag:s1] =	ssyncadd.s32 $0xFFFFFF38  }
0x200: {  	_ =	swait.ge [sflag:s1], $0xC8  }
0x201: {  	[sflag:s1] =	ssyncset.done $0x0  }
0x202: {  	[sflag:s1] =	ssyncadd.s32 $0xFFFFFF38  }
0x203: {  	_ =	swait.ge [sflag:s1], $0xC8  }
0x204: {  	[sflag:s1] =	ssyncset.done $0x0  }
0x205: {  	[sflag:s1] =	ssyncadd.s32 $0xFFFFFF38  }
0x206: {  	_ =	swait.ge [sflag:s1], $0xC8  }
0x207: {  	[sflag:s1] =	ssyncset.done $0x0  }
0x208: {  	[sflag:s1] =	ssyncadd.s32 $0xFFFFFF38  }
0x209: {  	_ =	swait.ge [sflag:s1], $0xC8  }
0x20a: {  	[sflag:s1] =	ssyncset.done $0x0  }
0x20b: {  	[sflag:s1] =	ssyncadd.s32 $0xFFFFFF38  }
0x20c: {  	_ =	swait.ge [sflag:s1], $0xC8  }
0x20d: {  	[sflag:s1] =	ssyncset.done $0x0  }
0x20e: {  	[sflag:s1] =	ssyncadd.s32 $0xFFFFFF38  }
0x20f: {  	_ =	swait.ge [sflag:s1], $0xC8  }
0x210: {  	[sflag:s1] =	ssyncset.done $0x0  }
0x211: {  	[sflag:s1] =	ssyncadd.s32 $0xFFFFFF38  }
0x212: {  	_ =	swait.ge [sflag:s1], $0xC8  }
0x213: {  	[sflag:s1] =	ssyncset.done $0x0  }
0x214: {  	[sflag:s1] =	ssyncadd.s32 $0xFFFFFF38  }
0x215: {  	_ =	swait.ge [sflag:s1], $0xC8  }
0x216: {  	[sflag:s1] =	ssyncset.done $0x0  }
0x217: {  	[sflag:s1] =	ssyncadd.s32 $0xFFFFFF38  }
0x218: {  	_ =	swait.ge [sflag:s1], $0xC8  }
0x219: {  	[sflag:s1] =	ssyncset.done $0x0  }
0x21a: {  	[sflag:s1] =	ssyncadd.s32 $0xFFFFFF38  }
0x21b: {  	_ =	swait.ge [sflag:s1], $0xC8  }
0x21c: {  	[sflag:s1] =	ssyncset.done $0x0  }
0x21d: {  	[sflag:s1] =	ssyncadd.s32 $0xFFFFFF38  }
0x21e: {  	_ =	swait.ge [sflag:s1], $0xC8  }
0x21f: {  	[sflag:s1] =	ssyncset.done $0x0  }
0x220: {  	s13 =	simm.s32 @!p0 $0x1;
	[sflag:s1] =	ssyncadd.s32 $0xFFFFFF38  }
0x221: {  	_ =	swait.ge @!p0 [sflag:s13], $0xC8  }
0x222: {  	[sflag:s13] =	ssyncset.done @!p0 $0x0  }
0x223: {  	[sflag:s13] =	ssyncadd.s32 @!p0 $0xFFFFFF38  }
0x224: {  	[tilespmem:s6], [sflag:$0x2] =	stream.indirect.gather [hbm4b:s2+s14], $0x80, s3, s14, $0xb8;
	[tilespmem:$0x1A000] =	vst v63  }
0x225: {  	s21 =	rddreg [dreg:$0x15]  }
0x226: {  	[tilespmem:s7], [sflag:$0x4] =	stream.linear.gather [hbm4b:s21+s3], $0x6400, $0x38;
	[tilespmem:$0x1A000] =	vst v63  }
0x227: {  	_ = 	snop  }
0x228: {  	[tilespmem:s10], [sflag:$0x3] =	stream.indirect.gather [hbm4b:s2+s14], $0x80, s29, s14, $0xb8;
	[tilespmem:$0x1A000] =	vst v63  }
0x229: {  	s21 =	rddreg [dreg:$0x16]  }
0x22a: {  	[tilespmem:s11], [sflag:$0x5] =	stream.linear.gather [hbm4b:s21+s3], $0x6400, $0x38;
	[tilespmem:$0x1A000] =	vst v63  }
0x22b: {  	_ =	swait.ge [sflag:s9], $0x6400  }
0x22c: {  	[sflag:s9] =	ssyncset.done $0x0  }
0x22d: {  	[sflag:s9] =	ssyncadd.s32 $0xFFFF9C00  }
0x22e: {  	_ =	swait.ge [sflag:s8], $0x6400  }
0x22f: {  	[sflag:s8] =	ssyncset.done $0x0  }
0x230: {  	s13 =	rddreg [dreg:$0x17];
	[sflag:s8] =	ssyncadd.s32 $0xFFFF9C00  }
0x231: {  	[hbm4b:s13+s4] =	stream.strided.scatter [tilespmem:s6], [sflag:$0x6], $0x6400, s5, s4, $0x38;
	[tilespmem:$0x1A000] =	vst v63  }
0x232: {  	s21 =	rddreg [dreg:$0x18]  }
0x233: {  	[hbm4b:s21+s4] =	stream.strided.scatter [tilespmem:s7], [sflag:$0x8], $0x6400, s5, s4, $0x38;
	[tilespmem:$0x1A000] =	vst v63  }
0x234: {  	_ =	swait.ge [sflag:s19], $0x6400  }
0x235: {  	[sflag:s19] =	ssyncset.done $0x0  }
0x236: {  	[sflag:s19] =	ssyncadd.s32 $0xFFFF9C00  }
0x237: {  	_ =	swait.ge [sflag:s18], $0x6400  }
0x238: {  	[sflag:s18] =	ssyncset.done $0x0  }
0x239: {  	[sflag:s18] =	ssyncadd.s32 $0xFFFF9C00  }
0x23a: {  	[tilespmem:s6], [sflag:$0x2] =	stream.indirect.gather [hbm4b:s2+s14], $0x80, s30, s14, $0xb8;
	[tilespmem:$0x1A000] =	vst v63  }
0x23b: {  	s21 =	rddreg [dreg:$0x19]  }
0x23c: {  	[tilespmem:s7], [sflag:$0x4] =	stream.linear.gather [hbm4b:s21+s3], $0x6400, $0x38;
	[tilespmem:$0x1A000] =	vst v63  }
0x23d: {  	_ =	swait.ge [sflag:s17], $0x6400  }
0x23e: {  	[sflag:s17] =	ssyncset.done $0x0  }
0x23f: {  	[sflag:s17] =	ssyncadd.s32 $0xFFFF9C00  }
0x240: {  	_ =	swait.ge [sflag:s16], $0x6400  }
0x241: {  	[sflag:s16] =	ssyncset.done $0x0  }
0x242: {  	s13 =	rddreg [dreg:$0x1a];
	[sflag:s16] =	ssyncadd.s32 $0xFFFF9C00  }
0x243: {  	[hbm4b:s13+s4] =	stream.strided.scatter [tilespmem:s10], [sflag:$0x7], $0x6400, s5, s4, $0x38;
	[tilespmem:$0x1A000] =	vst v63  }
0x244: {  	s21 =	rddreg [dreg:$0x1b]  }
0x245: {  	[hbm4b:s21+s4] =	stream.strided.scatter [tilespmem:s11], [sflag:$0x9], $0x6400, s5, s4, $0x38;
	[tilespmem:$0x1A000] =	vst v63  }
0x246: {  	_ =	swait.ge [sflag:s15], $0x6400  }
0x247: {  	[sflag:s15] =	ssyncset.done $0x0  }
0x248: {  	[sflag:s15] =	ssyncadd.s32 $0xFFFF9C00  }
0x249: {  	_ =	swait.ge [sflag:s12], $0x6400  }
0x24a: {  	[sflag:s12] =	ssyncset.done $0x0  }
0x24b: {  	[sflag:s12] =	ssyncadd.s32 $0xFFFF9C00  }
0x24c: {  	[tilespmem:s10], [sflag:$0x3] =	stream.indirect.gather [hbm4b:s2+s14], $0x80, s22, s14, $0xb8;
	[tilespmem:$0x1A000] =	vst v63  }
0x24d: {  	s21 =	rddreg [dreg:$0x1c]  }
0x24e: {  	[tilespmem:s11], [sflag:$0x5] =	stream.linear.gather [hbm4b:s21+s3], $0x6400, $0x38;
	[tilespmem:$0x1A000] =	vst v63  }
0x24f: {  	_ =	swait.ge [sflag:s9], $0x6400  }
0x250: {  	[sflag:s9] =	ssyncset.done $0x0  }
0x251: {  	[sflag:s9] =	ssyncadd.s32 $0xFFFF9C00  }
0x252: {  	_ =	swait.ge [sflag:s8], $0x6400  }
0x253: {  	[sflag:s8] =	ssyncset.done $0x0  }
0x254: {  	s21 =	rddreg [dreg:$0x1d];
	[sflag:s8] =	ssyncadd.s32 $0xFFFF9C00  }
0x255: {  	[hbm4b:s21+s4] =	stream.strided.scatter [tilespmem:s6], [sflag:$0x6], $0x6400, s5, s4, $0x38;
	[tilespmem:$0x1A000] =	vst v63  }
0x256: {  	s22 =	rddreg [dreg:$0x1e]  }
0x257: {  	[hbm4b:s22+s4] =	stream.strided.scatter [tilespmem:s7], [sflag:$0x8], $0x6400, s5, s4, $0x38;
	[tilespmem:$0x1A000] =	vst v63  }
0x258: {  	_ =	swait.ge [sflag:s19], $0x6400  }
0x259: {  	[sflag:s19] =	ssyncset.done $0x0  }
0x25a: {  	[sflag:s19] =	ssyncadd.s32 $0xFFFF9C00  }
0x25b: {  	_ =	swait.ge [sflag:s18], $0x6400  }
0x25c: {  	[sflag:s18] =	ssyncset.done $0x0  }
0x25d: {  	[sflag:s18] =	ssyncadd.s32 $0xFFFF9C00  }
0x25e: {  	[tilespmem:s6], [sflag:$0x2] =	stream.indirect.gather [hbm4b:s2+s14], $0x80, s4, s14, $0xb8;
	[tilespmem:$0x1A000] =	vst v63  }
0x25f: {  	s22 =	rddreg [dreg:$0x1f]  }
0x260: {  	[tilespmem:s7], [sflag:$0x4] =	stream.linear.gather [hbm4b:s22+s3], $0x6400, $0x38;
	[tilespmem:$0x1A000] =	vst v63  }
0x261: {  	_ =	swait.ge [sflag:s17], $0x6400  }
0x262: {  	[sflag:s17] =	ssyncset.done $0x0  }
0x263: {  	[sflag:s17] =	ssyncadd.s32 $0xFFFF9C00  }
0x264: {  	_ =	swait.ge [sflag:s16], $0x6400  }
0x265: {  	s21 =	sld [smem:$0x7D9]  }
0x266: {  	[sflag:s16] =	ssyncset.done $0x0  }
0x267: {  	s22 =	sld [smem:$0x7DA];
	[sflag:s16] =	ssyncadd.s32 $0xFFFF9C00  }
0x268: {  	[hbm4b:s21+s4] =	stream.strided.scatter [tilespmem:s10], [sflag:$0x7], $0x6400, s5, s4, $0x38;
	[tilespmem:$0x1A000] =	vst v63  }
0x269: {  	_ = 	snop  }
0x26a: {  	[hbm4b:s22+s4] =	stream.strided.scatter [tilespmem:s11], [sflag:$0x9], $0x6400, s5, s4, $0x38;
	[tilespmem:$0x1A000] =	vst v63  }
0x26b: {  	_ =	swait.ge [sflag:s15], $0x6400  }
0x26c: {  	[sflag:s15] =	ssyncset.done $0x0  }
0x26d: {  	[sflag:s15] =	ssyncadd.s32 $0xFFFF9C00  }
0x26e: {  	_ =	swait.ge [sflag:s12], $0x6400  }
0x26f: {  	[sflag:s12] =	ssyncset.done $0x0  }
0x270: {  	s22 =	sld [smem:$0x7DB];
	[sflag:s12] =	ssyncadd.s32 $0xFFFF9C00  }
0x271: {  	[tilespmem:s10], [sflag:$0x3] =	stream.indirect.gather [hbm4b:s2+s14], $0x80, s25, s14, $0xb8;
	[tilespmem:$0x1A000] =	vst v63  }
0x272: {  	_ = 	snop  }
0x273: {  	[tilespmem:s11], [sflag:$0x5] =	stream.linear.gather [hbm4b:s22+s3], $0x6400, $0x38;
	[tilespmem:$0x1A000] =	vst v63  }
0x274: {  	_ =	swait.ge [sflag:s9], $0x6400  }
0x275: {  	[sflag:s9] =	ssyncset.done $0x0  }
0x276: {  	[sflag:s9] =	ssyncadd.s32 $0xFFFF9C00  }
0x277: {  	_ =	swait.ge [sflag:s8], $0x6400  }
0x278: {  	s21 =	sld [smem:$0x7DC]  }
0x279: {  	[sflag:s8] =	ssyncset.done $0x0  }
0x27a: {  	s22 =	sld [smem:$0x7DD];
	[sflag:s8] =	ssyncadd.s32 $0xFFFF9C00  }
0x27b: {  	[hbm4b:s21+s4] =	stream.strided.scatter [tilespmem:s6], [sflag:$0x6], $0x6400, s5, s4, $0x38;
	[tilespmem:$0x1A000] =	vst v63  }
0x27c: {  	_ = 	snop  }
0x27d: {  	[hbm4b:s22+s4] =	stream.strided.scatter [tilespmem:s7], [sflag:$0x8], $0x6400, s5, s4, $0x38;
	[tilespmem:$0x1A000] =	vst v63  }
0x27e: {  	_ =	swait.ge [sflag:s19], $0x6400  }
0x27f: {  	[sflag:s19] =	ssyncset.done $0x0  }
0x280: {  	[sflag:s19] =	ssyncadd.s32 $0xFFFF9C00  }
0x281: {  	_ =	swait.ge [sflag:s18], $0x6400  }
0x282: {  	[sflag:s18] =	ssyncset.done $0x0  }
0x283: {  	s21 =	sld [smem:$0x7DE];
	[sflag:s18] =	ssyncadd.s32 $0xFFFF9C00  }
0x284: {  	[tilespmem:s6], [sflag:$0x2] =	stream.indirect.gather [hbm4b:s2+s14], $0x80, s23, s14, $0xb8;
	[tilespmem:$0x1A000] =	vst v63  }
0x285: {  	_ = 	snop  }
0x286: {  	[tilespmem:s7], [sflag:$0x4] =	stream.linear.gather [hbm4b:s21+s3], $0x6400, $0x38;
	[tilespmem:$0x1A000] =	vst v63  }
0x287: {  	_ =	swait.ge [sflag:s17], $0x6400  }
0x288: {  	[sflag:s17] =	ssyncset.done $0x0  }
0x289: {  	[sflag:s17] =	ssyncadd.s32 $0xFFFF9C00  }
0x28a: {  	_ =	swait.ge [sflag:s16], $0x6400  }
0x28b: {  	s22 =	sld [smem:$0x7DF]  }
0x28c: {  	[sflag:s16] =	ssyncset.done $0x0  }
0x28d: {  	s23 =	sld [smem:$0x7E0];
	[sflag:s16] =	ssyncadd.s32 $0xFFFF9C00  }
0x28e: {  	[hbm4b:s22+s4] =	stream.strided.scatter [tilespmem:s10], [sflag:$0x7], $0x6400, s5, s4, $0x38;
	[tilespmem:$0x1A000] =	vst v63  }
0x28f: {  	_ = 	snop  }
0x290: {  	[hbm4b:s23+s4] =	stream.strided.scatter [tilespmem:s11], [sflag:$0x9], $0x6400, s5, s4, $0x38;
	[tilespmem:$0x1A000] =	vst v63  }
0x291: {  	_ =	swait.ge [sflag:s15], $0x6400  }
0x292: {  	[sflag:s15] =	ssyncset.done $0x0  }
0x293: {  	[sflag:s15] =	ssyncadd.s32 $0xFFFF9C00  }
0x294: {  	_ =	swait.ge [sflag:s12], $0x6400  }
0x295: {  	[sflag:s12] =	ssyncset.done $0x0  }
0x296: {  	s22 =	sld [smem:$0x7E1];
	[sflag:s12] =	ssyncadd.s32 $0xFFFF9C00  }
0x297: {  	[tilespmem:s10], [sflag:$0x3] =	stream.indirect.gather [hbm4b:s2+s14], $0x80, s20, s14, $0xb8;
	[tilespmem:$0x1A000] =	vst v63  }
0x298: {  	_ = 	snop  }
0x299: {  	[tilespmem:s11], [sflag:$0x5] =	stream.linear.gather [hbm4b:s22+s3], $0x6400, $0x38;
	[tilespmem:$0x1A000] =	vst v63  }
0x29a: {  	_ =	swait.ge [sflag:s9], $0x6400  }
0x29b: {  	[sflag:s9] =	ssyncset.done $0x0  }
0x29c: {  	[sflag:s9] =	ssyncadd.s32 $0xFFFF9C00  }
0x29d: {  	_ =	swait.ge [sflag:s8], $0x6400  }
0x29e: {  	s23 =	sld [smem:$0x7E2]  }
0x29f: {  	[sflag:s8] =	ssyncset.done $0x0  }
0x2a0: {  	s20 =	sld [smem:$0x7E3];
	[sflag:s8] =	ssyncadd.s32 $0xFFFF9C00  }
0x2a1: {  	[hbm4b:s23+s4] =	stream.strided.scatter [tilespmem:s6], [sflag:$0x6], $0x6400, s5, s4, $0x38;
	[tilespmem:$0x1A000] =	vst v63  }
0x2a2: {  	_ = 	snop  }
0x2a3: {  	[hbm4b:s20+s4] =	stream.strided.scatter [tilespmem:s7], [sflag:$0x8], $0x6400, s5, s4, $0x38;
	[tilespmem:$0x1A000] =	vst v63  }
0x2a4: {  	_ =	swait.ge [sflag:s19], $0x6400  }
0x2a5: {  	[sflag:s19] =	ssyncset.done $0x0  }
0x2a6: {  	[sflag:s19] =	ssyncadd.s32 $0xFFFF9C00  }
0x2a7: {  	_ =	swait.ge [sflag:s18], $0x6400  }
0x2a8: {  	[sflag:s18] =	ssyncset.done $0x0  }
0x2a9: {  	s22 =	sld [smem:$0x7E4];
	[sflag:s18] =	ssyncadd.s32 $0xFFFF9C00  }
0x2aa: {  	[tilespmem:s6], [sflag:$0x2] =	stream.indirect.gather [hbm4b:s2+s14], $0x80, s5, s14, $0xb8;
	[tilespmem:$0x1A000] =	vst v63  }
0x2ab: {  	_ = 	snop  }
0x2ac: {  	[tilespmem:s7], [sflag:$0x4] =	stream.linear.gather [hbm4b:s22+s3], $0x6400, $0x38;
	[tilespmem:$0x1A000] =	vst v63  }
0x2ad: {  	_ =	swait.ge [sflag:s17], $0x6400  }
0x2ae: {  	[sflag:s17] =	ssyncset.done $0x0  }
0x2af: {  	[sflag:s17] =	ssyncadd.s32 $0xFFFF9C00  }
0x2b0: {  	_ =	swait.ge [sflag:s16], $0x6400  }
0x2b1: {  	s23 =	sld [smem:$0x7E5]  }
0x2b2: {  	[sflag:s16] =	ssyncset.done $0x0  }
0x2b3: {  	s20 =	sld [smem:$0x7E6];
	[sflag:s16] =	ssyncadd.s32 $0xFFFF9C00  }
0x2b4: {  	[hbm4b:s23+s4] =	stream.strided.scatter [tilespmem:s10], [sflag:$0x7], $0x6400, s5, s4, $0x38;
	[tilespmem:$0x1A000] =	vst v63  }
0x2b5: {  	_ = 	snop  }
0x2b6: {  	[hbm4b:s20+s4] =	stream.strided.scatter [tilespmem:s11], [sflag:$0x9], $0x6400, s5, s4, $0x38;
	[tilespmem:$0x1A000] =	vst v63  }
0x2b7: {  	_ =	swait.ge [sflag:s15], $0x6400  }
0x2b8: {  	[sflag:s15] =	ssyncset.done $0x0  }
0x2b9: {  	[sflag:s15] =	ssyncadd.s32 $0xFFFF9C00  }
0x2ba: {  	_ =	swait.ge [sflag:s12], $0x6400  }
0x2bb: {  	[sflag:s12] =	ssyncset.done $0x0  }
0x2bc: {  	s21 =	sld [smem:$0x7E7];
	[sflag:s12] =	ssyncadd.s32 $0xFFFF9C00  }
0x2bd: {  	[tilespmem:s10], [sflag:$0x3] =	stream.indirect.gather [hbm4b:s2+s14], $0x80, s24, s14, $0xb8;
	[tilespmem:$0x1A000] =	vst v63  }
0x2be: {  	_ = 	snop  }
0x2bf: {  	[tilespmem:s11], [sflag:$0x5] =	stream.linear.gather [hbm4b:s21+s3], $0x6400, $0x38;
	[tilespmem:$0x1A000] =	vst v63  }
0x2c0: {  	_ =	swait.ge [sflag:s9], $0x6400  }
0x2c1: {  	[sflag:s9] =	ssyncset.done $0x0  }
0x2c2: {  	[sflag:s9] =	ssyncadd.s32 $0xFFFF9C00  }
0x2c3: {  	_ =	swait.ge [sflag:s8], $0x6400  }
0x2c4: {  	s22 =	sld [smem:$0x7E8]  }
0x2c5: {  	[sflag:s8] =	ssyncset.done $0x0  }
0x2c6: {  	s23 =	sld [smem:$0x7E9];
	[sflag:s8] =	ssyncadd.s32 $0xFFFF9C00  }
0x2c7: {  	[hbm4b:s22+s4] =	stream.strided.scatter [tilespmem:s6], [sflag:$0x6], $0x6400, s5, s4, $0x38;
	[tilespmem:$0x1A000] =	vst v63  }
0x2c8: {  	_ = 	snop  }
0x2c9: {  	[hbm4b:s23+s4] =	stream.strided.scatter [tilespmem:s7], [sflag:$0x8], $0x6400, s5, s4, $0x38;
	[tilespmem:$0x1A000] =	vst v63  }
0x2ca: {  	_ =	swait.ge [sflag:s19], $0x6400  }
0x2cb: {  	[sflag:s19] =	ssyncset.done $0x0  }
0x2cc: {  	[sflag:s19] =	ssyncadd.s32 $0xFFFF9C00  }
0x2cd: {  	_ =	swait.ge [sflag:s18], $0x6400  }
0x2ce: {  	[sflag:s18] =	ssyncset.done $0x0  }
0x2cf: {  	s21 =	simm.s32 $0xA00;
	s24 =	sld [smem:$0x7EA];
	[sflag:s18] =	ssyncadd.s32 $0xFFFF9C00  }
0x2d0: {  	[tilespmem:s6], [sflag:$0x2] =	stream.indirect.gather [hbm4b:s2+s14], $0x80, s21, s14, $0xb8;
	[tilespmem:$0x1A000] =	vst v63  }
0x2d1: {  	_ = 	snop  }
0x2d2: {  	[tilespmem:s7], [sflag:$0x4] =	stream.linear.gather [hbm4b:s24+s3], $0x6400, $0x38;
	[tilespmem:$0x1A000] =	vst v63  }
0x2d3: {  	_ =	swait.ge [sflag:s17], $0x6400  }
0x2d4: {  	[sflag:s17] =	ssyncset.done $0x0  }
0x2d5: {  	[sflag:s17] =	ssyncadd.s32 $0xFFFF9C00  }
0x2d6: {  	_ =	swait.ge [sflag:s16], $0x6400  }
0x2d7: {  	s22 =	sld [smem:$0x7EB]  }
0x2d8: {  	[sflag:s16] =	ssyncset.done $0x0  }
0x2d9: {  	s23 =	sld [smem:$0x7EC];
	[sflag:s16] =	ssyncadd.s32 $0xFFFF9C00  }
0x2da: {  	[hbm4b:s22+s4] =	stream.strided.scatter [tilespmem:s10], [sflag:$0x7], $0x6400, s5, s4, $0x38;
	[tilespmem:$0x1A000] =	vst v63  }
0x2db: {  	_ = 	snop  }
0x2dc: {  	[hbm4b:s23+s4] =	stream.strided.scatter [tilespmem:s11], [sflag:$0x9], $0x6400, s5, s4, $0x38;
	[tilespmem:$0x1A000] =	vst v63  }
0x2dd: {  	_ =	swait.ge [sflag:s15], $0x6400  }
0x2de: {  	[sflag:s15] =	ssyncset.done $0x0  }
0x2df: {  	[sflag:s15] =	ssyncadd.s32 $0xFFFF9C00  }
0x2e0: {  	_ =	swait.ge [sflag:s12], $0x6400  }
0x2e1: {  	[sflag:s12] =	ssyncset.done $0x0  }
0x2e2: {  	s21 =	simm.s32 $0xB00;
	s24 =	sld [smem:$0x7ED];
	[sflag:s12] =	ssyncadd.s32 $0xFFFF9C00  }
0x2e3: {  	[tilespmem:s10], [sflag:$0x3] =	stream.indirect.gather [hbm4b:s2+s14], $0x80, s21, s14, $0xb8;
	[tilespmem:$0x1A000] =	vst v63  }
0x2e4: {  	_ = 	snop  }
0x2e5: {  	[tilespmem:s11], [sflag:$0x5] =	stream.linear.gather [hbm4b:s24+s3], $0x6400, $0x38;
	[tilespmem:$0x1A000] =	vst v63  }
0x2e6: {  	_ =	swait.ge [sflag:s9], $0x6400  }
0x2e7: {  	[sflag:s9] =	ssyncset.done $0x0  }
0x2e8: {  	[sflag:s9] =	ssyncadd.s32 $0xFFFF9C00  }
0x2e9: {  	_ =	swait.ge [sflag:s8], $0x6400  }
0x2ea: {  	s22 =	sld [smem:$0x7EE]  }
0x2eb: {  	[sflag:s8] =	ssyncset.done $0x0  }
0x2ec: {  	s23 =	sld [smem:$0x7EF];
	[sflag:s8] =	ssyncadd.s32 $0xFFFF9C00  }
0x2ed: {  	[hbm4b:s22+s4] =	stream.strided.scatter [tilespmem:s6], [sflag:$0x6], $0x6400, s5, s4, $0x38;
	[tilespmem:$0x1A000] =	vst v63  }
0x2ee: {  	_ = 	snop  }
0x2ef: {  	[hbm4b:s23+s4] =	stream.strided.scatter [tilespmem:s7], [sflag:$0x8], $0x6400, s5, s4, $0x38;
	[tilespmem:$0x1A000] =	vst v63  }
0x2f0: {  	_ =	swait.ge [sflag:s19], $0x6400  }
0x2f1: {  	[sflag:s19] =	ssyncset.done $0x0  }
0x2f2: {  	[sflag:s19] =	ssyncadd.s32 $0xFFFF9C00  }
0x2f3: {  	_ =	swait.ge [sflag:s18], $0x6400  }
0x2f4: {  	[sflag:s18] =	ssyncset.done $0x0  }
0x2f5: {  	s21 =	simm.s32 $0xC00;
	s24 =	sld [smem:$0x7F0];
	[sflag:s18] =	ssyncadd.s32 $0xFFFF9C00  }
0x2f6: {  	[tilespmem:s6], [sflag:$0x2] =	stream.indirect.gather [hbm4b:s2+s14], $0x80, s21, s14, $0xb8;
	[tilespmem:$0x1A000] =	vst v63  }
0x2f7: {  	_ = 	snop  }
0x2f8: {  	[tilespmem:s7], [sflag:$0x4] =	stream.linear.gather [hbm4b:s24+s3], $0x6400, $0x38;
	[tilespmem:$0x1A000] =	vst v63  }
0x2f9: {  	_ =	swait.ge [sflag:s17], $0x6400  }
0x2fa: {  	[sflag:s17] =	ssyncset.done $0x0  }
0x2fb: {  	[sflag:s17] =	ssyncadd.s32 $0xFFFF9C00  }
0x2fc: {  	_ =	swait.ge [sflag:s16], $0x6400  }
0x2fd: {  	s22 =	sld [smem:$0x7F1]  }
0x2fe: {  	[sflag:s16] =	ssyncset.done $0x0  }
0x2ff: {  	s23 =	sld [smem:$0x7F2];
	[sflag:s16] =	ssyncadd.s32 $0xFFFF9C00  }
0x300: {  	[hbm4b:s22+s4] =	stream.strided.scatter [tilespmem:s10], [sflag:$0x7], $0x6400, s5, s4, $0x38;
	[tilespmem:$0x1A000] =	vst v63  }
0x301: {  	_ = 	snop  }
0x302: {  	[hbm4b:s23+s4] =	stream.strided.scatter [tilespmem:s11], [sflag:$0x9], $0x6400, s5, s4, $0x38;
	[tilespmem:$0x1A000] =	vst v63  }
0x303: {  	_ =	swait.ge [sflag:s15], $0x6400  }
0x304: {  	[sflag:s15] =	ssyncset.done $0x0  }
0x305: {  	[sflag:s15] =	ssyncadd.s32 $0xFFFF9C00  }
0x306: {  	_ =	swait.ge [sflag:s12], $0x6400  }
0x307: {  	[sflag:s12] =	ssyncset.done $0x0  }
0x308: {  	s21 =	simm.s32 $0xD00;
	s24 =	sld [smem:$0x7F3];
	[sflag:s12] =	ssyncadd.s32 $0xFFFF9C00  }
0x309: {  	[tilespmem:s10], [sflag:$0x3] =	stream.indirect.gather [hbm4b:s2+s14], $0x80, s21, s14, $0xb8;
	[tilespmem:$0x1A000] =	vst v63  }
0x30a: {  	_ = 	snop  }
0x30b: {  	[tilespmem:s11], [sflag:$0x5] =	stream.linear.gather [hbm4b:s24+s3], $0x6400, $0x38;
	[tilespmem:$0x1A000] =	vst v63  }
0x30c: {  	_ =	swait.ge [sflag:s9], $0x6400  }
0x30d: {  	[sflag:s9] =	ssyncset.done $0x0  }
0x30e: {  	[sflag:s9] =	ssyncadd.s32 $0xFFFF9C00  }
0x30f: {  	_ =	swait.ge [sflag:s8], $0x6400  }
0x310: {  	s22 =	sld [smem:$0x7F4]  }
0x311: {  	[sflag:s8] =	ssyncset.done $0x0  }
0x312: {  	s23 =	sld [smem:$0x7F5];
	[sflag:s8] =	ssyncadd.s32 $0xFFFF9C00  }
0x313: {  	[hbm4b:s22+s4] =	stream.strided.scatter [tilespmem:s6], [sflag:$0x6], $0x6400, s5, s4, $0x38;
	[tilespmem:$0x1A000] =	vst v63  }
0x314: {  	_ = 	snop  }
0x315: {  	[hbm4b:s23+s4] =	stream.strided.scatter [tilespmem:s7], [sflag:$0x8], $0x6400, s5, s4, $0x38;
	[tilespmem:$0x1A000] =	vst v63  }
0x316: {  	_ =	swait.ge [sflag:s19], $0x6400  }
0x317: {  	[sflag:s19] =	ssyncset.done $0x0  }
0x318: {  	[sflag:s19] =	ssyncadd.s32 $0xFFFF9C00  }
0x319: {  	_ =	swait.ge [sflag:s18], $0x6400  }
0x31a: {  	[sflag:s18] =	ssyncset.done $0x0  }
0x31b: {  	s21 =	simm.s32 $0xE00;
	s24 =	sld [smem:$0x7F6];
	[sflag:s18] =	ssyncadd.s32 $0xFFFF9C00  }
0x31c: {  	[tilespmem:s6], [sflag:$0x2] =	stream.indirect.gather [hbm4b:s2+s14], $0x80, s21, s14, $0xb8;
	[tilespmem:$0x1A000] =	vst v63  }
0x31d: {  	_ = 	snop  }
0x31e: {  	[tilespmem:s7], [sflag:$0x4] =	stream.linear.gather [hbm4b:s24+s3], $0x6400, $0x38;
	[tilespmem:$0x1A000] =	vst v63  }
0x31f: {  	_ =	swait.ge [sflag:s17], $0x6400  }
0x320: {  	[sflag:s17] =	ssyncset.done $0x0  }
0x321: {  	[sflag:s17] =	ssyncadd.s32 $0xFFFF9C00  }
0x322: {  	_ =	swait.ge [sflag:s16], $0x6400  }
0x323: {  	s22 =	sld [smem:$0x7F7]  }
0x324: {  	[sflag:s16] =	ssyncset.done $0x0  }
0x325: {  	s23 =	sld [smem:$0x7F8];
	[sflag:s16] =	ssyncadd.s32 $0xFFFF9C00  }
0x326: {  	[hbm4b:s22+s4] =	stream.strided.scatter [tilespmem:s10], [sflag:$0x7], $0x6400, s5, s4, $0x38;
	[tilespmem:$0x1A000] =	vst v63  }
0x327: {  	_ = 	snop  }
0x328: {  	[hbm4b:s23+s4] =	stream.strided.scatter [tilespmem:s11], [sflag:$0x9], $0x6400, s5, s4, $0x38;
	[tilespmem:$0x1A000] =	vst v63  }
0x329: {  	_ =	swait.ge [sflag:s15], $0x6400  }
0x32a: {  	[sflag:s15] =	ssyncset.done $0x0  }
0x32b: {  	[sflag:s15] =	ssyncadd.s32 $0xFFFF9C00  }
0x32c: {  	_ =	swait.ge [sflag:s12], $0x6400  }
0x32d: {  	s26 =	simm.s32 @!p0 $0xF00;
	s21 =	simm.s32 @!p0 $0xC8;
	[sflag:s12] =	ssyncset.done $0x0  }
0x32e: {  	s22 =	simm.s32 @!p0 $0x7400;
	s13 =	sld [smem:$0x7F9];
	[sflag:s12] =	ssyncadd.s32 $0xFFFF9C00  }
0x32f: {  	[tilespmem:s22], [sflag:$0x3] =	stream.indirect.gather @!p0 [hbm4b:s2+s21], $0x80, s26, s21, $0xb8;
	[tilespmem:$0x1A000] =	vst v63  }
0x330: {  	s20 =	simm.s32 @!p0 $0x13C00;
	s21 =	simm.s32 @!p0 $0x0  }
0x331: {  	[tilespmem:s20], [sflag:$0x5] =	stream.linear.gather @!p0 [hbm4b:s13+s21], $0x6400, $0x38;
	[tilespmem:$0x1A000] =	vst v63  }
0x332: {  	_ =	swait.ge [sflag:s9], $0x6400  }
0x333: {  	[sflag:s9] =	ssyncset.done $0x0  }
0x334: {  	[sflag:s9] =	ssyncadd.s32 $0xFFFF9C00  }
0x335: {  	_ =	swait.ge [sflag:s8], $0x6400  }
0x336: {  	s24 =	sld [smem:$0x7FA]  }
0x337: {  	[sflag:s8] =	ssyncset.done $0x0  }
0x338: {  	s26 =	sld [smem:$0x7FB];
	[sflag:s8] =	ssyncadd.s32 $0xFFFF9C00  }
0x339: {  	[hbm4b:s24+s4] =	stream.strided.scatter [tilespmem:s6], [sflag:$0x6], $0x6400, s5, s4, $0x38;
	[tilespmem:$0x1A000] =	vst v63  }
0x33a: {  	s13 =	simm.s32 @!p0 $0x3  }
0x33b: {  	[hbm4b:s26+s4] =	stream.strided.scatter [tilespmem:s7], [sflag:$0x8], $0x6400, s5, s4, $0x38;
	[tilespmem:$0x1A000] =	vst v63  }
0x33c: {  	_ =	swait.ge @!p0 [sflag:s13], $0x6400  }
0x33d: {  	[sflag:s13] =	ssyncset.done @!p0 $0x0  }
0x33e: {  	s21 =	simm.s32 @!p0 $0x5;
	[sflag:s13] =	ssyncadd.s32 @!p0 $0xFFFF9C00  }
0x33f: {  	_ =	swait.ge @!p0 [sflag:s21], $0x6400  }
0x340: {  	s13 =	sld [smem:$0x7FC]  }
0x341: {  	s23 =	simm.s32 @!p0 $0x800;
	[sflag:s21] =	ssyncset.done @!p0 $0x0  }
0x342: {  	s24 =	simm.s32 @!p0 $0x400;
	[sflag:s21] =	ssyncadd.s32 @!p0 $0xFFFF9C00;
	s21 =	sld [smem:$0x7FD]  }
0x343: {  	[hbm4b:s13+s24] =	stream.strided.scatter @!p0 [tilespmem:s22], [sflag:$0x7], $0x6400, s23, s24, $0x38;
	[tilespmem:$0x1A000] =	vst v63  }
0x344: {  	s13 =	simm.s32 @!p0 $0x6  }
0x345: {  	[hbm4b:s21+s24] =	stream.strided.scatter @!p0 [tilespmem:s20], [sflag:$0x9], $0x6400, s23, s24, $0x38;
	[tilespmem:$0x1A000] =	vst v63  }
0x346: {  	_ =	swait.ge @!p0 [sflag:s13], $0x6400  }
0x347: {  	[sflag:s13] =	ssyncset.done @!p0 $0x0  }
0x348: {  	[sflag:s13] =	ssyncadd.s32 @!p0 $0xFFFF9C00;
	s13 =	simm.s32 @!p0 $0x8  }
0x349: {  	_ =	swait.ge @!p0 [sflag:s13], $0x6400  }
0x34a: {  	s0 =	sadd.s32 $0xFFFFFFFF, s0;
	[sflag:s13] =	ssyncset.done @!p0 $0x0  }
0x34b: {  	p2 =	sne.s32 s0, $0x0;
	[sflag:s13] =	ssyncadd.s32 @!p0 $0xFFFF9C00  }
.Ltmp2:
0x34c: {  	_ =	swait.ge [sflag:s31], $0x6400;
	(pc) =	sbr.rel @p2 .LBB2_4-.Ltmp2, $4  }
0x34d: {  	[sflag:s31] =	ssyncset.done $0x0  }
0x34e: {  	[sflag:s31] =	ssyncadd.s32 $0xFFFF9C00  }
0x34f: {  	_ =	swait.ge [sflag:s28], $0x6400  }
0x350: {  	s13 =	rddreg [dreg:$0x5];
	[sflag:s28] =	ssyncset.done $0x0  }
0x351: {  	s23 =	simm.s32 $0xD00;
	s24 =	simm.s32 $0xC00;
	s29 =	simm.s32 $0xB00  }
0x352: {  	s22 =	simm.s32 $0xA00;
	s31 =	simm.s32 $0x900;
	s21 =	simm.s32 $0x600  }
0x353: {  	s20 =	simm.s32 $0x500;
	s26 =	simm.s32 $0x200;
	s25 =	simm.s32 $0x100  }
.LBB2_6:
0x354: {  	[sflag:s28] =	ssyncadd.s32 @p1 $0xFFFF9C00  }
0x355: {  	[tilespmem:s3], [sflag:$0x1] =	stream.linear.gather [hbm4b:s13+s3], $0xC8, $0x38;
	[tilespmem:$0x1A000] =	vst v63  }
0x356: {  	s0 =	rddreg [dreg:$0x6]  }
0x357: {  	[tilespmem:s25], [sflag:$0x1] =	stream.linear.gather [hbm4b:s0+s3], $0xC8, $0x38;
	[tilespmem:$0x1A000] =	vst v63  }
0x358: {  	s30 =	rddreg [dreg:$0x7]  }
0x359: {  	[tilespmem:s26], [sflag:$0x1] =	stream.linear.gather [hbm4b:s30+s3], $0xC8, $0x38;
	[tilespmem:$0x1A000] =	vst v63  }
0x35a: {  	s28 =	rddreg [dreg:$0x8];
	s26 =	simm.s32 $0x300  }
0x35b: {  	[tilespmem:s26], [sflag:$0x1] =	stream.linear.gather [hbm4b:s28+s3], $0xC8, $0x38;
	[tilespmem:$0x1A000] =	vst v63  }
0x35c: {  	s13 =	rddreg [dreg:$0x9]  }
0x35d: {  	[tilespmem:s4], [sflag:$0x1] =	stream.linear.gather [hbm4b:s13+s3], $0xC8, $0x38;
	[tilespmem:$0x1A000] =	vst v63  }
0x35e: {  	s28 =	rddreg [dreg:$0xa]  }
0x35f: {  	[tilespmem:s20], [sflag:$0x1] =	stream.linear.gather [hbm4b:s28+s3], $0xC8, $0x38;
	[tilespmem:$0x1A000] =	vst v63  }
0x360: {  	s13 =	rddreg [dreg:$0xb]  }
0x361: {  	[tilespmem:s21], [sflag:$0x1] =	stream.linear.gather [hbm4b:s13+s3], $0xC8, $0x38;
	[tilespmem:$0x1A000] =	vst v63  }
0x362: {  	s28 =	rddreg [dreg:$0xc];
	s21 =	simm.s32 $0x700  }
0x363: {  	[tilespmem:s21], [sflag:$0x1] =	stream.linear.gather [hbm4b:s28+s3], $0xC8, $0x38;
	[tilespmem:$0x1A000] =	vst v63  }
0x364: {  	s20 =	rddreg [dreg:$0xd]  }
0x365: {  	[tilespmem:s5], [sflag:$0x1] =	stream.linear.gather [hbm4b:s20+s3], $0xC8, $0x38;
	[tilespmem:$0x1A000] =	vst v63  }
0x366: {  	s28 =	rddreg [dreg:$0xe]  }
0x367: {  	[tilespmem:s31], [sflag:$0x1] =	stream.linear.gather [hbm4b:s28+s3], $0xC8, $0x38;
	[tilespmem:$0x1A000] =	vst v63  }
0x368: {  	s20 =	rddreg [dreg:$0xf]  }
0x369: {  	[tilespmem:s22], [sflag:$0x1] =	stream.linear.gather [hbm4b:s20+s3], $0xC8, $0x38;
	[tilespmem:$0x1A000] =	vst v63  }
0x36a: {  	s28 =	rddreg [dreg:$0x10]  }
0x36b: {  	[tilespmem:s29], [sflag:$0x1] =	stream.linear.gather [hbm4b:s28+s3], $0xC8, $0x38;
	[tilespmem:$0x1A000] =	vst v63  }
0x36c: {  	s20 =	rddreg [dreg:$0x11]  }
0x36d: {  	[tilespmem:s24], [sflag:$0x1] =	stream.linear.gather [hbm4b:s20+s3], $0xC8, $0x38;
	[tilespmem:$0x1A000] =	vst v63  }
0x36e: {  	s28 =	rddreg [dreg:$0x12]  }
0x36f: {  	[tilespmem:s23], [sflag:$0x1] =	stream.linear.gather [hbm4b:s28+s3], $0xC8, $0x38;
	[tilespmem:$0x1A000] =	vst v63  }
0x370: {  	s0 =	simm.s32 $0xE00;
	s13 =	rddreg [dreg:$0x13]  }
0x371: {  	[tilespmem:s0], [sflag:$0x1] =	stream.linear.gather [hbm4b:s13+s3], $0xC8, $0x38;
	[tilespmem:$0x1A000] =	vst v63  }
0x372: {  	s20 =	rddreg [dreg:$0x14];
	s0 =	simm.s32 @!p0 $0x0;
	s13 =	simm.s32 @!p0 $0xF00  }
0x373: {  	[tilespmem:s13], [sflag:$0x1] =	stream.linear.gather @!p0 [hbm4b:s20+s0], $0xC8, $0x38;
	[tilespmem:$0x1A000] =	vst v63  }
0x374: {  	_ =	swait.ge [sflag:s1], $0xC8  }
0x375: {  	[sflag:s1] =	ssyncset.done $0x0  }
0x376: {  	[sflag:s1] =	ssyncadd.s32 $0xFFFFFF38  }
0x377: {  	_ =	swait.ge [sflag:s1], $0xC8  }
0x378: {  	[sflag:s1] =	ssyncset.done $0x0  }
0x379: {  	[sflag:s1] =	ssyncadd.s32 $0xFFFFFF38  }
0x37a: {  	_ =	swait.ge [sflag:s1], $0xC8  }
0x37b: {  	[sflag:s1] =	ssyncset.done $0x0  }
0x37c: {  	[sflag:s1] =	ssyncadd.s32 $0xFFFFFF38  }
0x37d: {  	_ =	swait.ge [sflag:s1], $0xC8  }
0x37e: {  	[sflag:s1] =	ssyncset.done $0x0  }
0x37f: {  	[sflag:s1] =	ssyncadd.s32 $0xFFFFFF38  }
0x380: {  	_ =	swait.ge [sflag:s1], $0xC8  }
0x381: {  	[sflag:s1] =	ssyncset.done $0x0  }
0x382: {  	[sflag:s1] =	ssyncadd.s32 $0xFFFFFF38  }
0x383: {  	_ =	swait.ge [sflag:s1], $0xC8  }
0x384: {  	[sflag:s1] =	ssyncset.done $0x0  }
0x385: {  	[sflag:s1] =	ssyncadd.s32 $0xFFFFFF38  }
0x386: {  	_ =	swait.ge [sflag:s1], $0xC8  }
0x387: {  	[sflag:s1] =	ssyncset.done $0x0  }
0x388: {  	[sflag:s1] =	ssyncadd.s32 $0xFFFFFF38  }
0x389: {  	_ =	swait.ge [sflag:s1], $0xC8  }
0x38a: {  	[sflag:s1] =	ssyncset.done $0x0  }
0x38b: {  	[sflag:s1] =	ssyncadd.s32 $0xFFFFFF38  }
0x38c: {  	_ =	swait.ge [sflag:s1], $0xC8  }
0x38d: {  	[sflag:s1] =	ssyncset.done $0x0  }
0x38e: {  	[sflag:s1] =	ssyncadd.s32 $0xFFFFFF38  }
0x38f: {  	_ =	swait.ge [sflag:s1], $0xC8  }
0x390: {  	[sflag:s1] =	ssyncset.done $0x0  }
0x391: {  	[sflag:s1] =	ssyncadd.s32 $0xFFFFFF38  }
0x392: {  	_ =	swait.ge [sflag:s1], $0xC8  }
0x393: {  	[sflag:s1] =	ssyncset.done $0x0  }
0x394: {  	[sflag:s1] =	ssyncadd.s32 $0xFFFFFF38  }
0x395: {  	_ =	swait.ge [sflag:s1], $0xC8  }
0x396: {  	[sflag:s1] =	ssyncset.done $0x0  }
0x397: {  	[sflag:s1] =	ssyncadd.s32 $0xFFFFFF38  }
0x398: {  	_ =	swait.ge [sflag:s1], $0xC8  }
0x399: {  	[sflag:s1] =	ssyncset.done $0x0  }
0x39a: {  	[sflag:s1] =	ssyncadd.s32 $0xFFFFFF38  }
0x39b: {  	_ =	swait.ge [sflag:s1], $0xC8  }
0x39c: {  	[sflag:s1] =	ssyncset.done $0x0  }
0x39d: {  	[sflag:s1] =	ssyncadd.s32 $0xFFFFFF38  }
0x39e: {  	_ =	swait.ge [sflag:s1], $0xC8  }
0x39f: {  	[sflag:s1] =	ssyncset.done $0x0  }
0x3a0: {  	[sflag:s1] =	ssyncadd.s32 $0xFFFFFF38;
	s1 =	simm.s32 @!p0 $0x1  }
0x3a1: {  	_ =	swait.ge @!p0 [sflag:s1], $0xC8  }
0x3a2: {  	[sflag:s1] =	ssyncset.done @!p0 $0x0  }
0x3a3: {  	[sflag:s1] =	ssyncadd.s32 @!p0 $0xFFFFFF38  }
0x3a4: {  	[tilespmem:s6], [sflag:$0x2] =	stream.indirect.gather [hbm4b:s2+s14], $0x80, s3, s14, $0xb8;
	[tilespmem:$0x1A000] =	vst v63  }
0x3a5: {  	s20 =	rddreg [dreg:$0x15]  }
0x3a6: {  	[tilespmem:s7], [sflag:$0x4] =	stream.linear.gather [hbm4b:s20+s3], $0x6400, $0x38;
	[tilespmem:$0x1A000] =	vst v63  }
0x3a7: {  	s30 =	simm.s32 $0x100  }
0x3a8: {  	[tilespmem:s10], [sflag:$0x3] =	stream.indirect.gather [hbm4b:s2+s14], $0x80, s30, s14, $0xb8;
	[tilespmem:$0x1A000] =	vst v63  }
0x3a9: {  	s20 =	rddreg [dreg:$0x16]  }
0x3aa: {  	[tilespmem:s11], [sflag:$0x5] =	stream.linear.gather [hbm4b:s20+s3], $0x6400, $0x38;
	[tilespmem:$0x1A000] =	vst v63  }
0x3ab: {  	_ =	swait.ge [sflag:s9], $0x6400  }
0x3ac: {  	[sflag:s9] =	ssyncset.done $0x0  }
0x3ad: {  	[sflag:s9] =	ssyncadd.s32 $0xFFFF9C00  }
0x3ae: {  	_ =	swait.ge [sflag:s8], $0x6400  }
0x3af: {  	[sflag:s8] =	ssyncset.done $0x0  }
0x3b0: {  	s20 =	rddreg [dreg:$0x17];
	[sflag:s8] =	ssyncadd.s32 $0xFFFF9C00  }
0x3b1: {  	[hbm4b:s20+s4] =	stream.strided.scatter [tilespmem:s6], [sflag:$0x6], $0x6400, s5, s4, $0x38;
	[tilespmem:$0x1A000] =	vst v63  }
0x3b2: {  	s30 =	rddreg [dreg:$0x18]  }
0x3b3: {  	[hbm4b:s30+s4] =	stream.strided.scatter [tilespmem:s7], [sflag:$0x8], $0x6400, s5, s4, $0x38;
	[tilespmem:$0x1A000] =	vst v63  }
0x3b4: {  	_ =	swait.ge [sflag:s19], $0x6400  }
0x3b5: {  	[sflag:s19] =	ssyncset.done $0x0  }
0x3b6: {  	[sflag:s19] =	ssyncadd.s32 $0xFFFF9C00  }
0x3b7: {  	_ =	swait.ge [sflag:s18], $0x6400  }
0x3b8: {  	[sflag:s18] =	ssyncset.done $0x0  }
0x3b9: {  	s25 =	simm.s32 $0x200;
	[sflag:s18] =	ssyncadd.s32 $0xFFFF9C00  }
0x3ba: {  	[tilespmem:s6], [sflag:$0x2] =	stream.indirect.gather [hbm4b:s2+s14], $0x80, s25, s14, $0xb8;
	[tilespmem:$0x1A000] =	vst v63  }
0x3bb: {  	s20 =	rddreg [dreg:$0x19]  }
0x3bc: {  	[tilespmem:s7], [sflag:$0x4] =	stream.linear.gather [hbm4b:s20+s3], $0x6400, $0x38;
	[tilespmem:$0x1A000] =	vst v63  }
0x3bd: {  	_ =	swait.ge [sflag:s17], $0x6400  }
0x3be: {  	[sflag:s17] =	ssyncset.done $0x0  }
0x3bf: {  	[sflag:s17] =	ssyncadd.s32 $0xFFFF9C00  }
0x3c0: {  	_ =	swait.ge [sflag:s16], $0x6400  }
0x3c1: {  	[sflag:s16] =	ssyncset.done $0x0  }
0x3c2: {  	s25 =	rddreg [dreg:$0x1a];
	[sflag:s16] =	ssyncadd.s32 $0xFFFF9C00  }
0x3c3: {  	[hbm4b:s25+s4] =	stream.strided.scatter [tilespmem:s10], [sflag:$0x7], $0x6400, s5, s4, $0x38;
	[tilespmem:$0x1A000] =	vst v63  }
0x3c4: {  	s30 =	rddreg [dreg:$0x1b]  }
0x3c5: {  	[hbm4b:s30+s4] =	stream.strided.scatter [tilespmem:s11], [sflag:$0x9], $0x6400, s5, s4, $0x38;
	[tilespmem:$0x1A000] =	vst v63  }
0x3c6: {  	_ =	swait.ge [sflag:s15], $0x6400  }
0x3c7: {  	[sflag:s15] =	ssyncset.done $0x0  }
0x3c8: {  	[sflag:s15] =	ssyncadd.s32 $0xFFFF9C00  }
0x3c9: {  	_ =	swait.ge [sflag:s12], $0x6400  }
0x3ca: {  	[sflag:s12] =	ssyncset.done $0x0  }
0x3cb: {  	[sflag:s12] =	ssyncadd.s32 $0xFFFF9C00  }
0x3cc: {  	[tilespmem:s10], [sflag:$0x3] =	stream.indirect.gather [hbm4b:s2+s14], $0x80, s26, s14, $0xb8;
	[tilespmem:$0x1A000] =	vst v63  }
0x3cd: {  	s25 =	rddreg [dreg:$0x1c]  }
0x3ce: {  	[tilespmem:s11], [sflag:$0x5] =	stream.linear.gather [hbm4b:s25+s3], $0x6400, $0x38;
	[tilespmem:$0x1A000] =	vst v63  }
0x3cf: {  	_ =	swait.ge [sflag:s9], $0x6400  }
0x3d0: {  	[sflag:s9] =	ssyncset.done $0x0  }
0x3d1: {  	[sflag:s9] =	ssyncadd.s32 $0xFFFF9C00  }
0x3d2: {  	_ =	swait.ge [sflag:s8], $0x6400  }
0x3d3: {  	[sflag:s8] =	ssyncset.done $0x0  }
0x3d4: {  	s26 =	rddreg [dreg:$0x1d];
	[sflag:s8] =	ssyncadd.s32 $0xFFFF9C00  }
0x3d5: {  	[hbm4b:s26+s4] =	stream.strided.scatter [tilespmem:s6], [sflag:$0x6], $0x6400, s5, s4, $0x38;
	[tilespmem:$0x1A000] =	vst v63  }
0x3d6: {  	s30 =	rddreg [dreg:$0x1e]  }
0x3d7: {  	[hbm4b:s30+s4] =	stream.strided.scatter [tilespmem:s7], [sflag:$0x8], $0x6400, s5, s4, $0x38;
	[tilespmem:$0x1A000] =	vst v63  }
0x3d8: {  	_ =	swait.ge [sflag:s19], $0x6400  }
0x3d9: {  	[sflag:s19] =	ssyncset.done $0x0  }
0x3da: {  	[sflag:s19] =	ssyncadd.s32 $0xFFFF9C00  }
0x3db: {  	_ =	swait.ge [sflag:s18], $0x6400  }
0x3dc: {  	[sflag:s18] =	ssyncset.done $0x0  }
0x3dd: {  	[sflag:s18] =	ssyncadd.s32 $0xFFFF9C00  }
0x3de: {  	[tilespmem:s6], [sflag:$0x2] =	stream.indirect.gather [hbm4b:s2+s14], $0x80, s4, s14, $0xb8;
	[tilespmem:$0x1A000] =	vst v63  }
0x3df: {  	s25 =	rddreg [dreg:$0x1f]  }
0x3e0: {  	[tilespmem:s7], [sflag:$0x4] =	stream.linear.gather [hbm4b:s25+s3], $0x6400, $0x38;
	[tilespmem:$0x1A000] =	vst v63  }
0x3e1: {  	_ =	swait.ge [sflag:s17], $0x6400  }
0x3e2: {  	[sflag:s17] =	ssyncset.done $0x0  }
0x3e3: {  	[sflag:s17] =	ssyncadd.s32 $0xFFFF9C00  }
0x3e4: {  	_ =	swait.ge [sflag:s16], $0x6400  }
0x3e5: {  	s26 =	sld [smem:$0x7D9]  }
0x3e6: {  	[sflag:s16] =	ssyncset.done $0x0  }
0x3e7: {  	s30 =	sld [smem:$0x7DA];
	[sflag:s16] =	ssyncadd.s32 $0xFFFF9C00  }
0x3e8: {  	[hbm4b:s26+s4] =	stream.strided.scatter [tilespmem:s10], [sflag:$0x7], $0x6400, s5, s4, $0x38;
	[tilespmem:$0x1A000] =	vst v63  }
0x3e9: {  	_ = 	snop  }
0x3ea: {  	[hbm4b:s30+s4] =	stream.strided.scatter [tilespmem:s11], [sflag:$0x9], $0x6400, s5, s4, $0x38;
	[tilespmem:$0x1A000] =	vst v63  }
0x3eb: {  	_ =	swait.ge [sflag:s15], $0x6400  }
0x3ec: {  	[sflag:s15] =	ssyncset.done $0x0  }
0x3ed: {  	[sflag:s15] =	ssyncadd.s32 $0xFFFF9C00  }
0x3ee: {  	_ =	swait.ge [sflag:s12], $0x6400  }
0x3ef: {  	[sflag:s12] =	ssyncset.done $0x0  }
0x3f0: {  	s28 =	simm.s32 $0x500;
	s20 =	sld [smem:$0x7DB];
	[sflag:s12] =	ssyncadd.s32 $0xFFFF9C00  }
0x3f1: {  	[tilespmem:s10], [sflag:$0x3] =	stream.indirect.gather [hbm4b:s2+s14], $0x80, s28, s14, $0xb8;
	[tilespmem:$0x1A000] =	vst v63  }
0x3f2: {  	_ = 	snop  }
0x3f3: {  	[tilespmem:s11], [sflag:$0x5] =	stream.linear.gather [hbm4b:s20+s3], $0x6400, $0x38;
	[tilespmem:$0x1A000] =	vst v63  }
0x3f4: {  	_ =	swait.ge [sflag:s9], $0x6400  }
0x3f5: {  	[sflag:s9] =	ssyncset.done $0x0  }
0x3f6: {  	[sflag:s9] =	ssyncadd.s32 $0xFFFF9C00  }
0x3f7: {  	_ =	swait.ge [sflag:s8], $0x6400  }
0x3f8: {  	s25 =	sld [smem:$0x7DC]  }
0x3f9: {  	[sflag:s8] =	ssyncset.done $0x0  }
0x3fa: {  	s26 =	sld [smem:$0x7DD];
	[sflag:s8] =	ssyncadd.s32 $0xFFFF9C00  }
0x3fb: {  	[hbm4b:s25+s4] =	stream.strided.scatter [tilespmem:s6], [sflag:$0x6], $0x6400, s5, s4, $0x38;
	[tilespmem:$0x1A000] =	vst v63  }
0x3fc: {  	_ = 	snop  }
0x3fd: {  	[hbm4b:s26+s4] =	stream.strided.scatter [tilespmem:s7], [sflag:$0x8], $0x6400, s5, s4, $0x38;
	[tilespmem:$0x1A000] =	vst v63  }
0x3fe: {  	_ =	swait.ge [sflag:s19], $0x6400  }
0x3ff: {  	[sflag:s19] =	ssyncset.done $0x0  }
0x400: {  	[sflag:s19] =	ssyncadd.s32 $0xFFFF9C00  }
0x401: {  	_ =	swait.ge [sflag:s18], $0x6400  }
0x402: {  	[sflag:s18] =	ssyncset.done $0x0  }
0x403: {  	s30 =	simm.s32 $0x600;
	s28 =	sld [smem:$0x7DE];
	[sflag:s18] =	ssyncadd.s32 $0xFFFF9C00  }
0x404: {  	[tilespmem:s6], [sflag:$0x2] =	stream.indirect.gather [hbm4b:s2+s14], $0x80, s30, s14, $0xb8;
	[tilespmem:$0x1A000] =	vst v63  }
0x405: {  	_ = 	snop  }
0x406: {  	[tilespmem:s7], [sflag:$0x4] =	stream.linear.gather [hbm4b:s28+s3], $0x6400, $0x38;
	[tilespmem:$0x1A000] =	vst v63  }
0x407: {  	_ =	swait.ge [sflag:s17], $0x6400  }
0x408: {  	[sflag:s17] =	ssyncset.done $0x0  }
0x409: {  	[sflag:s17] =	ssyncadd.s32 $0xFFFF9C00  }
0x40a: {  	_ =	swait.ge [sflag:s16], $0x6400  }
0x40b: {  	s20 =	sld [smem:$0x7DF]  }
0x40c: {  	[sflag:s16] =	ssyncset.done $0x0  }
0x40d: {  	s25 =	sld [smem:$0x7E0];
	[sflag:s16] =	ssyncadd.s32 $0xFFFF9C00  }
0x40e: {  	[hbm4b:s20+s4] =	stream.strided.scatter [tilespmem:s10], [sflag:$0x7], $0x6400, s5, s4, $0x38;
	[tilespmem:$0x1A000] =	vst v63  }
0x40f: {  	_ = 	snop  }
0x410: {  	[hbm4b:s25+s4] =	stream.strided.scatter [tilespmem:s11], [sflag:$0x9], $0x6400, s5, s4, $0x38;
	[tilespmem:$0x1A000] =	vst v63  }
0x411: {  	_ =	swait.ge [sflag:s15], $0x6400  }
0x412: {  	[sflag:s15] =	ssyncset.done $0x0  }
0x413: {  	[sflag:s15] =	ssyncadd.s32 $0xFFFF9C00  }
0x414: {  	_ =	swait.ge [sflag:s12], $0x6400  }
0x415: {  	[sflag:s12] =	ssyncset.done $0x0  }
0x416: {  	s26 =	sld [smem:$0x7E1];
	[sflag:s12] =	ssyncadd.s32 $0xFFFF9C00  }
0x417: {  	[tilespmem:s10], [sflag:$0x3] =	stream.indirect.gather [hbm4b:s2+s14], $0x80, s21, s14, $0xb8;
	[tilespmem:$0x1A000] =	vst v63  }
0x418: {  	_ = 	snop  }
0x419: {  	[tilespmem:s11], [sflag:$0x5] =	stream.linear.gather [hbm4b:s26+s3], $0x6400, $0x38;
	[tilespmem:$0x1A000] =	vst v63  }
0x41a: {  	_ =	swait.ge [sflag:s9], $0x6400  }
0x41b: {  	[sflag:s9] =	ssyncset.done $0x0  }
0x41c: {  	[sflag:s9] =	ssyncadd.s32 $0xFFFF9C00  }
0x41d: {  	_ =	swait.ge [sflag:s8], $0x6400  }
0x41e: {  	s28 =	sld [smem:$0x7E2]  }
0x41f: {  	[sflag:s8] =	ssyncset.done $0x0  }
0x420: {  	s30 =	sld [smem:$0x7E3];
	[sflag:s8] =	ssyncadd.s32 $0xFFFF9C00  }
0x421: {  	[hbm4b:s28+s4] =	stream.strided.scatter [tilespmem:s6], [sflag:$0x6], $0x6400, s5, s4, $0x38;
	[tilespmem:$0x1A000] =	vst v63  }
0x422: {  	_ = 	snop  }
0x423: {  	[hbm4b:s30+s4] =	stream.strided.scatter [tilespmem:s7], [sflag:$0x8], $0x6400, s5, s4, $0x38;
	[tilespmem:$0x1A000] =	vst v63  }
0x424: {  	_ =	swait.ge [sflag:s19], $0x6400  }
0x425: {  	[sflag:s19] =	ssyncset.done $0x0  }
0x426: {  	[sflag:s19] =	ssyncadd.s32 $0xFFFF9C00  }
0x427: {  	_ =	swait.ge [sflag:s18], $0x6400  }
0x428: {  	[sflag:s18] =	ssyncset.done $0x0  }
0x429: {  	s21 =	sld [smem:$0x7E4];
	[sflag:s18] =	ssyncadd.s32 $0xFFFF9C00  }
0x42a: {  	[tilespmem:s6], [sflag:$0x2] =	stream.indirect.gather [hbm4b:s2+s14], $0x80, s5, s14, $0xb8;
	[tilespmem:$0x1A000] =	vst v63  }
0x42b: {  	_ = 	snop  }
0x42c: {  	[tilespmem:s7], [sflag:$0x4] =	stream.linear.gather [hbm4b:s21+s3], $0x6400, $0x38;
	[tilespmem:$0x1A000] =	vst v63  }
0x42d: {  	_ =	swait.ge [sflag:s17], $0x6400  }
0x42e: {  	[sflag:s17] =	ssyncset.done $0x0  }
0x42f: {  	[sflag:s17] =	ssyncadd.s32 $0xFFFF9C00  }
0x430: {  	_ =	swait.ge [sflag:s16], $0x6400  }
0x431: {  	s25 =	sld [smem:$0x7E5]  }
0x432: {  	[sflag:s16] =	ssyncset.done $0x0  }
0x433: {  	s26 =	sld [smem:$0x7E6];
	[sflag:s16] =	ssyncadd.s32 $0xFFFF9C00  }
0x434: {  	[hbm4b:s25+s4] =	stream.strided.scatter [tilespmem:s10], [sflag:$0x7], $0x6400, s5, s4, $0x38;
	[tilespmem:$0x1A000] =	vst v63  }
0x435: {  	_ = 	snop  }
0x436: {  	[hbm4b:s26+s4] =	stream.strided.scatter [tilespmem:s11], [sflag:$0x9], $0x6400, s5, s4, $0x38;
	[tilespmem:$0x1A000] =	vst v63  }
0x437: {  	_ =	swait.ge [sflag:s15], $0x6400  }
0x438: {  	[sflag:s15] =	ssyncset.done $0x0  }
0x439: {  	[sflag:s15] =	ssyncadd.s32 $0xFFFF9C00  }
0x43a: {  	_ =	swait.ge [sflag:s12], $0x6400  }
0x43b: {  	[sflag:s12] =	ssyncset.done $0x0  }
0x43c: {  	s28 =	sld [smem:$0x7E7];
	[sflag:s12] =	ssyncadd.s32 $0xFFFF9C00  }
0x43d: {  	[tilespmem:s10], [sflag:$0x3] =	stream.indirect.gather [hbm4b:s2+s14], $0x80, s31, s14, $0xb8;
	[tilespmem:$0x1A000] =	vst v63  }
0x43e: {  	_ = 	snop  }
0x43f: {  	[tilespmem:s11], [sflag:$0x5] =	stream.linear.gather [hbm4b:s28+s3], $0x6400, $0x38;
	[tilespmem:$0x1A000] =	vst v63  }
0x440: {  	_ =	swait.ge [sflag:s9], $0x6400  }
0x441: {  	[sflag:s9] =	ssyncset.done $0x0  }
0x442: {  	[sflag:s9] =	ssyncadd.s32 $0xFFFF9C00  }
0x443: {  	_ =	swait.ge [sflag:s8], $0x6400  }
0x444: {  	s30 =	sld [smem:$0x7E8]  }
0x445: {  	[sflag:s8] =	ssyncset.done $0x0  }
0x446: {  	s31 =	sld [smem:$0x7E9];
	[sflag:s8] =	ssyncadd.s32 $0xFFFF9C00  }
0x447: {  	[hbm4b:s30+s4] =	stream.strided.scatter [tilespmem:s6], [sflag:$0x6], $0x6400, s5, s4, $0x38;
	[tilespmem:$0x1A000] =	vst v63  }
0x448: {  	_ = 	snop  }
0x449: {  	[hbm4b:s31+s4] =	stream.strided.scatter [tilespmem:s7], [sflag:$0x8], $0x6400, s5, s4, $0x38;
	[tilespmem:$0x1A000] =	vst v63  }
0x44a: {  	_ =	swait.ge [sflag:s19], $0x6400  }
0x44b: {  	[sflag:s19] =	ssyncset.done $0x0  }
0x44c: {  	[sflag:s19] =	ssyncadd.s32 $0xFFFF9C00  }
0x44d: {  	_ =	swait.ge [sflag:s18], $0x6400  }
0x44e: {  	[sflag:s18] =	ssyncset.done $0x0  }
0x44f: {  	s20 =	sld [smem:$0x7EA];
	[sflag:s18] =	ssyncadd.s32 $0xFFFF9C00  }
0x450: {  	[tilespmem:s6], [sflag:$0x2] =	stream.indirect.gather [hbm4b:s2+s14], $0x80, s22, s14, $0xb8;
	[tilespmem:$0x1A000] =	vst v63  }
0x451: {  	_ = 	snop  }
0x452: {  	[tilespmem:s7], [sflag:$0x4] =	stream.linear.gather [hbm4b:s20+s3], $0x6400, $0x38;
	[tilespmem:$0x1A000] =	vst v63  }
0x453: {  	_ =	swait.ge [sflag:s17], $0x6400  }
0x454: {  	[sflag:s17] =	ssyncset.done $0x0  }
0x455: {  	[sflag:s17] =	ssyncadd.s32 $0xFFFF9C00  }
0x456: {  	_ =	swait.ge [sflag:s16], $0x6400  }
0x457: {  	s21 =	sld [smem:$0x7EB]  }
0x458: {  	[sflag:s16] =	ssyncset.done $0x0  }
0x459: {  	s22 =	sld [smem:$0x7EC];
	[sflag:s16] =	ssyncadd.s32 $0xFFFF9C00  }
0x45a: {  	[hbm4b:s21+s4] =	stream.strided.scatter [tilespmem:s10], [sflag:$0x7], $0x6400, s5, s4, $0x38;
	[tilespmem:$0x1A000] =	vst v63  }
0x45b: {  	_ = 	snop  }
0x45c: {  	[hbm4b:s22+s4] =	stream.strided.scatter [tilespmem:s11], [sflag:$0x9], $0x6400, s5, s4, $0x38;
	[tilespmem:$0x1A000] =	vst v63  }
0x45d: {  	_ =	swait.ge [sflag:s15], $0x6400  }
0x45e: {  	[sflag:s15] =	ssyncset.done $0x0  }
0x45f: {  	[sflag:s15] =	ssyncadd.s32 $0xFFFF9C00  }
0x460: {  	_ =	swait.ge [sflag:s12], $0x6400  }
0x461: {  	[sflag:s12] =	ssyncset.done $0x0  }
0x462: {  	s25 =	sld [smem:$0x7ED];
	[sflag:s12] =	ssyncadd.s32 $0xFFFF9C00  }
0x463: {  	[tilespmem:s10], [sflag:$0x3] =	stream.indirect.gather [hbm4b:s2+s14], $0x80, s29, s14, $0xb8;
	[tilespmem:$0x1A000] =	vst v63  }
0x464: {  	_ = 	snop  }
0x465: {  	[tilespmem:s11], [sflag:$0x5] =	stream.linear.gather [hbm4b:s25+s3], $0x6400, $0x38;
	[tilespmem:$0x1A000] =	vst v63  }
0x466: {  	_ =	swait.ge [sflag:s9], $0x6400  }
0x467: {  	[sflag:s9] =	ssyncset.done $0x0  }
0x468: {  	[sflag:s9] =	ssyncadd.s32 $0xFFFF9C00  }
0x469: {  	_ =	swait.ge [sflag:s8], $0x6400  }
0x46a: {  	s26 =	sld [smem:$0x7EE]  }
0x46b: {  	[sflag:s8] =	ssyncset.done $0x0  }
0x46c: {  	s28 =	sld [smem:$0x7EF];
	[sflag:s8] =	ssyncadd.s32 $0xFFFF9C00  }
0x46d: {  	[hbm4b:s26+s4] =	stream.strided.scatter [tilespmem:s6], [sflag:$0x6], $0x6400, s5, s4, $0x38;
	[tilespmem:$0x1A000] =	vst v63  }
0x46e: {  	_ = 	snop  }
0x46f: {  	[hbm4b:s28+s4] =	stream.strided.scatter [tilespmem:s7], [sflag:$0x8], $0x6400, s5, s4, $0x38;
	[tilespmem:$0x1A000] =	vst v63  }
0x470: {  	_ =	swait.ge [sflag:s19], $0x6400  }
0x471: {  	[sflag:s19] =	ssyncset.done $0x0  }
0x472: {  	[sflag:s19] =	ssyncadd.s32 $0xFFFF9C00  }
0x473: {  	_ =	swait.ge [sflag:s18], $0x6400  }
0x474: {  	[sflag:s18] =	ssyncset.done $0x0  }
0x475: {  	s29 =	sld [smem:$0x7F0];
	[sflag:s18] =	ssyncadd.s32 $0xFFFF9C00  }
0x476: {  	[tilespmem:s6], [sflag:$0x2] =	stream.indirect.gather [hbm4b:s2+s14], $0x80, s24, s14, $0xb8;
	[tilespmem:$0x1A000] =	vst v63  }
0x477: {  	_ = 	snop  }
0x478: {  	[tilespmem:s7], [sflag:$0x4] =	stream.linear.gather [hbm4b:s29+s3], $0x6400, $0x38;
	[tilespmem:$0x1A000] =	vst v63  }
0x479: {  	_ =	swait.ge [sflag:s17], $0x6400  }
0x47a: {  	[sflag:s17] =	ssyncset.done $0x0  }
0x47b: {  	[sflag:s17] =	ssyncadd.s32 $0xFFFF9C00  }
0x47c: {  	_ =	swait.ge [sflag:s16], $0x6400  }
0x47d: {  	s30 =	sld [smem:$0x7F1]  }
0x47e: {  	[sflag:s16] =	ssyncset.done $0x0  }
0x47f: {  	s31 =	sld [smem:$0x7F2];
	[sflag:s16] =	ssyncadd.s32 $0xFFFF9C00  }
0x480: {  	[hbm4b:s30+s4] =	stream.strided.scatter [tilespmem:s10], [sflag:$0x7], $0x6400, s5, s4, $0x38;
	[tilespmem:$0x1A000] =	vst v63  }
0x481: {  	_ = 	snop  }
0x482: {  	[hbm4b:s31+s4] =	stream.strided.scatter [tilespmem:s11], [sflag:$0x9], $0x6400, s5, s4, $0x38;
	[tilespmem:$0x1A000] =	vst v63  }
0x483: {  	_ =	swait.ge [sflag:s15], $0x6400  }
0x484: {  	[sflag:s15] =	ssyncset.done $0x0  }
0x485: {  	[sflag:s15] =	ssyncadd.s32 $0xFFFF9C00  }
0x486: {  	_ =	swait.ge [sflag:s12], $0x6400  }
0x487: {  	[sflag:s12] =	ssyncset.done $0x0  }
0x488: {  	s21 =	sld [smem:$0x7F3];
	[sflag:s12] =	ssyncadd.s32 $0xFFFF9C00  }
0x489: {  	[tilespmem:s10], [sflag:$0x3] =	stream.indirect.gather [hbm4b:s2+s14], $0x80, s23, s14, $0xb8;
	[tilespmem:$0x1A000] =	vst v63  }
0x48a: {  	_ = 	snop  }
0x48b: {  	[tilespmem:s11], [sflag:$0x5] =	stream.linear.gather [hbm4b:s21+s3], $0x6400, $0x38;
	[tilespmem:$0x1A000] =	vst v63  }
0x48c: {  	_ =	swait.ge [sflag:s9], $0x6400  }
0x48d: {  	[sflag:s9] =	ssyncset.done $0x0  }
0x48e: {  	[sflag:s9] =	ssyncadd.s32 $0xFFFF9C00  }
0x48f: {  	_ =	swait.ge [sflag:s8], $0x6400  }
0x490: {  	s22 =	sld [smem:$0x7F4]  }
0x491: {  	[sflag:s8] =	ssyncset.done $0x0  }
0x492: {  	s23 =	sld [smem:$0x7F5];
	[sflag:s8] =	ssyncadd.s32 $0xFFFF9C00  }
0x493: {  	[hbm4b:s22+s4] =	stream.strided.scatter [tilespmem:s6], [sflag:$0x6], $0x6400, s5, s4, $0x38;
	[tilespmem:$0x1A000] =	vst v63  }
0x494: {  	_ = 	snop  }
0x495: {  	[hbm4b:s23+s4] =	stream.strided.scatter [tilespmem:s7], [sflag:$0x8], $0x6400, s5, s4, $0x38;
	[tilespmem:$0x1A000] =	vst v63  }
0x496: {  	_ =	swait.ge [sflag:s19], $0x6400  }
0x497: {  	[sflag:s19] =	ssyncset.done $0x0  }
0x498: {  	[sflag:s19] =	ssyncadd.s32 $0xFFFF9C00  }
0x499: {  	_ =	swait.ge [sflag:s18], $0x6400  }
0x49a: {  	[sflag:s18] =	ssyncset.done $0x0  }
0x49b: {  	s25 =	simm.s32 $0xE00;
	s24 =	sld [smem:$0x7F6];
	[sflag:s18] =	ssyncadd.s32 $0xFFFF9C00  }
0x49c: {  	[tilespmem:s6], [sflag:$0x2] =	stream.indirect.gather [hbm4b:s2+s14], $0x80, s25, s14, $0xb8;
	[tilespmem:$0x1A000] =	vst v63  }
0x49d: {  	_ = 	snop  }
0x49e: {  	[tilespmem:s7], [sflag:$0x4] =	stream.linear.gather [hbm4b:s24+s3], $0x6400, $0x38;
	[tilespmem:$0x1A000] =	vst v63  }
0x49f: {  	_ =	swait.ge [sflag:s17], $0x6400  }
0x4a0: {  	[sflag:s17] =	ssyncset.done $0x0  }
0x4a1: {  	[sflag:s17] =	ssyncadd.s32 $0xFFFF9C00  }
0x4a2: {  	_ =	swait.ge [sflag:s16], $0x6400  }
0x4a3: {  	s26 =	sld [smem:$0x7F7]  }
0x4a4: {  	[sflag:s16] =	ssyncset.done $0x0  }
0x4a5: {  	s28 =	sld [smem:$0x7F8];
	[sflag:s16] =	ssyncadd.s32 $0xFFFF9C00  }
0x4a6: {  	[hbm4b:s26+s4] =	stream.strided.scatter [tilespmem:s10], [sflag:$0x7], $0x6400, s5, s4, $0x38;
	[tilespmem:$0x1A000] =	vst v63  }
0x4a7: {  	_ = 	snop  }
0x4a8: {  	[hbm4b:s28+s4] =	stream.strided.scatter [tilespmem:s11], [sflag:$0x9], $0x6400, s5, s4, $0x38;
	[tilespmem:$0x1A000] =	vst v63  }
0x4a9: {  	_ =	swait.ge [sflag:s15], $0x6400  }
0x4aa: {  	[sflag:s15] =	ssyncset.done $0x0  }
0x4ab: {  	[sflag:s15] =	ssyncadd.s32 $0xFFFF9C00  }
0x4ac: {  	_ =	swait.ge [sflag:s12], $0x6400  }
0x4ad: {  	s1 =	simm.s32 @!p0 $0x7400;
	[sflag:s12] =	ssyncset.done $0x0  }
0x4ae: {  	s3 =	simm.s32 @!p0 $0xC8;
	s10 =	sld [smem:$0x7F9];
	[sflag:s12] =	ssyncadd.s32 $0xFFFF9C00  }
0x4af: {  	[tilespmem:s1], [sflag:$0x3] =	stream.indirect.gather @!p0 [hbm4b:s2+s3], $0x80, s13, s3, $0xb8;
	[tilespmem:$0x1A000] =	vst v63  }
0x4b0: {  	s0 =	simm.s32 @!p0 $0x0;
	s2 =	simm.s32 @!p0 $0x13C00  }
0x4b1: {  	[tilespmem:s2], [sflag:$0x5] =	stream.linear.gather @!p0 [hbm4b:s10+s0], $0x6400, $0x38;
	[tilespmem:$0x1A000] =	vst v63  }
0x4b2: {  	_ =	swait.ge [sflag:s9], $0x6400  }
0x4b3: {  	[sflag:s9] =	ssyncset.done $0x0  }
0x4b4: {  	[sflag:s9] =	ssyncadd.s32 $0xFFFF9C00  }
0x4b5: {  	_ =	swait.ge [sflag:s8], $0x6400  }
0x4b6: {  	s29 =	sld [smem:$0x7FA]  }
0x4b7: {  	[sflag:s8] =	ssyncset.done $0x0  }
0x4b8: {  	s30 =	sld [smem:$0x7FB];
	[sflag:s8] =	ssyncadd.s32 $0xFFFF9C00  }
0x4b9: {  	[hbm4b:s29+s4] =	stream.strided.scatter [tilespmem:s6], [sflag:$0x6], $0x6400, s5, s4, $0x38;
	[tilespmem:$0x1A000] =	vst v63  }
0x4ba: {  	s0 =	simm.s32 @!p0 $0x3  }
0x4bb: {  	[hbm4b:s30+s4] =	stream.strided.scatter [tilespmem:s7], [sflag:$0x8], $0x6400, s5, s4, $0x38;
	[tilespmem:$0x1A000] =	vst v63  }
0x4bc: {  	_ =	swait.ge @!p0 [sflag:s0], $0x6400  }
0x4bd: {  	[sflag:s0] =	ssyncset.done @!p0 $0x0  }
0x4be: {  	[sflag:s0] =	ssyncadd.s32 @!p0 $0xFFFF9C00;
	s0 =	simm.s32 @!p0 $0x5  }
0x4bf: {  	_ =	swait.ge @!p0 [sflag:s0], $0x6400  }
0x4c0: {  	s3 =	sld [smem:$0x7FC]  }
0x4c1: {  	s4 =	simm.s32 @!p0 $0x800;
	[sflag:s0] =	ssyncset.done @!p0 $0x0  }
0x4c2: {  	s5 =	sld [smem:$0x7FD];
	[sflag:s0] =	ssyncadd.s32 @!p0 $0xFFFF9C00;
	s0 =	simm.s32 @!p0 $0x400  }
0x4c3: {  	[hbm4b:s3+s0] =	stream.strided.scatter @!p0 [tilespmem:s1], [sflag:$0x7], $0x6400, s4, s0, $0x38;
	[tilespmem:$0x1A000] =	vst v63  }
0x4c4: {  	_ = 	snop  }
0x4c5: {  	[hbm4b:s5+s0] =	stream.strided.scatter @!p0 [tilespmem:s2], [sflag:$0x9], $0x6400, s4, s0, $0x38;
	[tilespmem:$0x1A000] =	vst v63  }
0x4c6: {  	s0 =	simm.s32 @!p0 $0x6  }
0x4c7: {  	_ =	swait.ge @!p0 [sflag:s0], $0x6400  }
0x4c8: {  	[sflag:s0] =	ssyncset.done @!p0 $0x0  }
0x4c9: {  	[sflag:s0] =	ssyncadd.s32 @!p0 $0xFFFF9C00;
	s0 =	simm.s32 @!p0 $0x8  }
0x4ca: {  	_ =	swait.ge @!p0 [sflag:s0], $0x6400  }
0x4cb: {  	s1 =	simm.s32 @!p0 $0x7;
	[sflag:s0] =	ssyncset.done @!p0 $0x0  }
0x4cc: {  	s1 =	simm.s32 @p0 $0x6;
	[sflag:s0] =	ssyncadd.s32 @!p0 $0xFFFF9C00  }
0x4cd: {  	_ =	swait.ge [sflag:s1], $0x6400  }
0x4ce: {  	s0 =	simm.s32 @!p0 $0x9;
	[sflag:s1] =	ssyncset.done $0x0  }
0x4cf: {  	s0 =	simm.s32 @p0 $0x8;
	[sflag:s1] =	ssyncadd.s32 $0xFFFF9C00  }
0x4d0: {  	_ =	swait.ge [sflag:s0], $0x6400  }
0x4d1: {  	[sflag:s0] =	ssyncset.done $0x0  }
0x4d2: {  	[sflag:s0] =	ssyncadd.s32 $0xFFFF9C00  }
0x4d3: {  	_ =	sfence.sel $0x180000  }
0x4d4: {  	[bflag:$0x0] =	sbarrier.arrive $0xFFFF  }
0x4d5: {  	_ =	strace $0x90000047  }
0x4d6: {  	s31 =	stileid.u32;
	[bflag:$0x2] =	sbarrier.arrive $0xFFFF  }
0x4d7: {  	p0 =	sne.s32 s31, $0x0;
	s0 =	rddreg [dreg:$0x4]  }
0x4d8: {  	s0 =	sadd.s32 @!p0 $0x100000, s0  }
0x4d9: {  	[sflag:s0] =	ssyncadd.tile.s32 @!p0 $0x1;
	_ =	shalt  }
.LBB2_1:
.Ltmp3:
0x4da: {  	(pc) =	sbr.rel .LBB2_6-.Ltmp3, $2  }
0x4db: {  	_ =	sdelay $0x2  }
0x4dc: {  	_ = 	snop  }
.LBB2_7:
.Ltmp4:
0x4dd: {  	(pc) =	sbr.rel .LBB2_6-.Ltmp4, $4  }
0x4de: {  	_ = 	snop  }
0x4df: {  	s23 =	simm.s32 $0xD00;
	s24 =	simm.s32 $0xC00;
	s29 =	simm.s32 $0xB00  }
0x4e0: {  	s22 =	simm.s32 $0xA00;
	s31 =	simm.s32 $0x900;
	s21 =	simm.s32 $0x600  }
0x4e1: {  	s20 =	simm.s32 $0x500;
	s26 =	simm.s32 $0x200;
	s25 =	simm.s32 $0x100  }
.Lfunc_end2:
_tile_overlayer_lowered:
.L_overlay_start_2:
0x4e2: {  	(tag) =	ssettag $0x2  }
0x4e3: {  	s0 =	rddreg [dreg:$0x0];
	s2 =	stileid.u32  }
0x4e4: {  	s1 =	rddreg [dreg:$0x1];
	p0 =	sne.s32 s2, $0x0  }
0x4e5: {  	s3 =	rddreg [dreg:$0x2];
	[bflag:$0x3] =	sbarrier.arrive $0xFFFF;
	s2 =	simm.s32 @!p0 $0x1C0A  }
0x4e6: {  	[timem:s3], [sflag:s2] =	dma.local @!p0 [hbm:s0], s1  }
0x4e7: {  	s0 =	simm.s32 @!p0 $0xA  }
0x4e8: {  	_ =	swait.ge @!p0 [sflag:s0], s1  }
0x4e9: {  	s1 =	ssub.s32 @!p0 $0x0, s1;
	[sflag:s0] =	ssyncset.done @!p0 $0x0  }
0x4ea: {  	[sflag:s0] =	ssyncadd.s32 @!p0 s1  }
0x4eb: {  	[bflag:$0x3] =	sbarrier.arrive $0xFFFF  }
0x4ec: {  	_ =	shalt  }

</sc_bundles>
